<compile_context>
chip_gen: v7x
topology: tpu7x:2x2x1
jax: 0.10.2.dev20260603
libtpu: 0.0.44.dev20260713+nightly
codegen_flags: <defaults>
</compile_context>

<pallas_src>
import functools

import jax
import jax.numpy as jnp
from jax import lax
from jax.experimental import pallas as pl
from jax.experimental.pallas import tpu as pltpu
from jax.experimental.pallas import tpu_sc as plsc

B = 16384
D_IN = 128
D_P = 32
D_OUT = 64
V = 1000000

NC, NS = 2, 16
NW = NC * NS
L = 16

SPAN = 32768
CC = 1024
NCH = SPAN // CC
CLAMP0 = 999040
STAGE = 128

_sc_mesh = plsc.VectorSubcoreMesh(core_axis_name="c", subcore_axis_name="s")


@functools.partial(
    pl.kernel,
    out_type=jax.ShapeDtypeStruct((B, 128), jnp.float32),
    mesh=_sc_mesh,
    scratch_types=[
        pltpu.VMEM((B,), jnp.int32),
        pltpu.VMEM((B,), jnp.int32),
        pltpu.VMEM((D_P, CC), jnp.float32),
        pltpu.VMEM((D_P, CC), jnp.float32),
        pltpu.VMEM((STAGE, 128), jnp.float32),
        pltpu.VMEM((STAGE,), jnp.int32),
        pltpu.SemaphoreType.DMA,
        pltpu.SemaphoreType.DMA,
        pltpu.SemaphoreType.DMA,
    ],
    compiler_params=pltpu.CompilerParams(needs_layout_passes=False),
)
def _gather_rows(tableT, idx_hbm, out_hbm, u_v, match_v, chunk0, chunk1,
                 stage_v, pos_v, sem_i, sem0, sem1):
    wid = lax.axis_index("s") * NC + lax.axis_index("c")
    lo = wid * SPAN

    idx_cp = pltpu.async_copy(idx_hbm, u_v, sem_i)

    iota = lax.iota(jnp.int32, L)
    neg1 = jnp.full((L,), -1, jnp.int32)
    for u in range(STAGE // L):
        pos_v[pl.ds(u * L, L)] = neg1

    zeros = jnp.zeros((L,), jnp.float32)

    def zero_body(r, carry):
        for u in range((128 - D_P) // L):
            stage_v[r, pl.ds(D_P + u * L, L)] = zeros
        return carry

    def start_full(c, buf, sem):
        w0 = pl.multiple_of(jnp.minimum(lo + c * CC, CLAMP0), 128)
        pltpu.async_copy(tableT.at[:, pl.ds(w0, CC)], buf, sem)

    start_full(0, chunk0, sem0)
    start_full(1, chunk1, sem1)

    lax.fori_loop(0, STAGE, zero_body, 0)
    idx_cp.wait()

    def scan_body(g4, cnt):
        for u in range(8):
            g = g4 * 8 + u
            rv = u_v[pl.ds(g * L, L)]
            bv = iota + g * L
            m = (rv >> 15) == wid
            j = rv & (SPAN - 1)
            plsc.store_compressed(
                match_v.at[pl.ds(cnt, L)], (j << 14) | bv, mask=m
            )
            cnt = cnt + jnp.sum(jnp.where(m, 1, 0))
        return cnt

    cnt = lax.fori_loop(0, B // L // 8, scan_body, 0)
    ngrp = (cnt + L - 1) // L

    def flush(fill):
        pltpu.async_copy(
            stage_v, out_hbm.at[plsc.Indices(pos_v, ignored_value=-1)], sem_i
        ).wait()
        for u in range(STAGE // L):
            pos_v[pl.ds(u * L, L)] = neg1
        return 0

    def wait_full(buf, sem):
        pltpu.make_async_copy(tableT.at[:, pl.ds(0, CC)], buf, sem).wait()

    def process(buf, c, fill):
        jbase = jnp.minimum(c * CC, CLAMP0 - lo)

        def rescan_body(g, cnt2):
            pv = match_v[pl.ds(g * L, L)]
            valid = (iota + g * L) < cnt
            jj = (pv >> 14) - jbase
            m = valid & (jj >= 0) & (jj < CC)
            plsc.store_compressed(
                u_v.at[pl.ds(cnt2, L)], (jj << 14) | (pv & 16383), mask=m
            )
            return cnt2 + jnp.sum(jnp.where(m, 1, 0))

        cnt2 = lax.fori_loop(0, ngrp, rescan_body, 0)

        def ext_body(h, fill):
            fill = lax.cond(fill + L > STAGE, flush, lambda f: f, fill)
            pv = u_v[pl.ds(h * L, L)]
            m = (iota + h * L) < cnt2
            jj = pv >> 14
            bv = pv & 16383
            rows = fill + iota
            for c in range(D_P):
                cvec = jnp.full((L,), c, jnp.int32)
                v = plsc.load_gather(buf, [cvec, jj], mask=m)
                plsc.store_scatter(stage_v, [rows, cvec], v, mask=m)
            plsc.store_scatter(pos_v, [rows], bv, mask=m)
            return fill + jnp.sum(jnp.where(m, 1, 0))

        return lax.fori_loop(0, (cnt2 + L - 1) // L, ext_body, fill)

    def two_chunks(g, fill):
        c0 = 2 * g
        wait_full(chunk0, sem0)
        fill = process(chunk0, c0, fill)

        @pl.when(g < NCH // 2 - 1)
        def _():
            start_full(c0 + 2, chunk0, sem0)

        wait_full(chunk1, sem1)
        fill = process(chunk1, c0 + 1, fill)

        @pl.when(g < NCH // 2 - 1)
        def _():
            start_full(c0 + 3, chunk1, sem1)

        return fill

    fill = lax.fori_loop(0, NCH // 2, two_chunks, 0)
    flush(fill)


def _ff_body(x_ref, e_ref, wt_ref, wpt_ref, bias_ref, out_ref):
    acc = jnp.dot(x_ref[...], wt_ref[...], preferred_element_type=jnp.float32)
    acc += jnp.dot(e_ref[...], wpt_ref[...], preferred_element_type=jnp.float32)
    out_ref[...] = acc + bias_ref[...]


BLK = 4096


def kernel(inputs, prompt, prompt_table, W_prompt, b_prompt, W, b):
    idx = prompt.astype(jnp.int32)
    embed = _gather_rows(prompt_table.T, idx)

    wt = W.T
    wpt = jnp.zeros((128, D_OUT), jnp.float32).at[:D_P].set(W_prompt.T)
    bias = (b + b_prompt).reshape(1, D_OUT)

    grid = (B // BLK,)
    out = pl.pallas_call(
        _ff_body,
        grid=grid,
        in_specs=[
            pl.BlockSpec((BLK, D_IN), lambda i: (i, 0)),
            pl.BlockSpec((BLK, 128), lambda i: (i, 0)),
            pl.BlockSpec((D_IN, D_OUT), lambda i: (0, 0)),
            pl.BlockSpec((128, D_OUT), lambda i: (0, 0)),
            pl.BlockSpec((1, D_OUT), lambda i: (0, 0)),
        ],
        out_specs=pl.BlockSpec((BLK, D_OUT), lambda i: (i, 0)),
        out_shape=jax.ShapeDtypeStruct((B, D_OUT), jnp.float32),
    )(inputs, embed, wt, wpt, bias)
    return out

# --- scband reference (transcript-rebuilt; emitter-appended) ---
"""Pipeline reference for scband-prompt-ff-45698452030165 (READ-ONLY COPY).

The authoritative reference and input builder live on the scoring server;
editing this copy changes nothing except your own understanding.
"""

import jax, jax.numpy as jnp
import numpy as np

DIM_INPUT = 128
DIM_PROMPT = 32
DIM_OUTPUT = 64
NUM_PROMPTS = 1000000
BATCH = 16384


def setup_inputs(seed: int = 0) -> dict:
    key = jax.random.key(seed)
    k_in, k_p, k_tab, k_wp, k_bp, k_w, k_b = jax.random.split(key, 7)
    inputs = jax.random.normal(k_in, (BATCH, DIM_INPUT), dtype=jnp.float32)
    prompt = jax.random.randint(k_p, (BATCH,), 0, NUM_PROMPTS, dtype=jnp.int64)
    # learned parameters
    prompt_table = jax.random.normal(k_tab, (NUM_PROMPTS, DIM_PROMPT), dtype=jnp.float32)
    # nn.Linear(dim_prompt, dim_output): weight [out, in], bias [out]
    W_prompt = jax.random.normal(k_wp, (DIM_OUTPUT, DIM_PROMPT), dtype=jnp.float32) * (1.0 / np.sqrt(DIM_PROMPT))
    b_prompt = jax.random.normal(k_bp, (DIM_OUTPUT,), dtype=jnp.float32) * 0.01
    W = jax.random.normal(k_w, (DIM_OUTPUT, DIM_INPUT), dtype=jnp.float32) * (1.0 / np.sqrt(DIM_INPUT))
    b = jax.random.normal(k_b, (DIM_OUTPUT,), dtype=jnp.float32) * 0.01
    return {"inputs": inputs, "prompt": prompt, "prompt_table": prompt_table,
            "W_prompt": W_prompt, "b_prompt": b_prompt, "W": W, "b": b}


def reference(inputs, prompt, prompt_table, W_prompt, b_prompt, W, b):
    # prompt embedding lookup (sparse embedding gather)
    prompt_embedding = jnp.take(prompt_table, prompt, axis=0)  # [B, dim_prompt]
    # fc_prompt: Linear(dim_prompt, dim_output)
    prompt_output = prompt_embedding @ W_prompt.T + b_prompt  # [B, dim_output]
    # fc: Linear(dim_input, dim_output)
    data_output = inputs @ W.T + b  # [B, dim_output]
    return prompt_output + data_output

if __name__ == "__main__":
    import jax
    _d = setup_inputs()
    print(jax.jit(kernel)(*tuple(_d.values())))

</pallas_src>

<mosaic_0001>
#map = affine_map<(d0, d1) -> (0, 0)>
#map1 = affine_map<(d0, d1) -> (0)>
module attributes {stable_mosaic.version = 14 : i64} {
  func.func @_gather_rows(%arg0: i32, %arg1: i32, %arg2: memref<32x1000000xf32, #tpu.memory_space<hbm>>, %arg3: memref<16384xi32, #tpu.memory_space<hbm>>, %arg4: memref<16384x128xf32, #tpu.memory_space<hbm>>, %arg5: memref<16384xi32, #tpu.memory_space<vmem>>, %arg6: memref<16384xi32, #tpu.memory_space<vmem>>, %arg7: memref<32x1024xf32, #tpu.memory_space<vmem>>, %arg8: memref<32x1024xf32, #tpu.memory_space<vmem>>, %arg9: memref<128x128xf32, #tpu.memory_space<vmem>>, %arg10: memref<128xi32, #tpu.memory_space<vmem>>, %arg11: memref<!tpu.dma_semaphore, #tpu.memory_space<semaphore_mem>>, %arg12: memref<!tpu.dma_semaphore, #tpu.memory_space<semaphore_mem>>, %arg13: memref<!tpu.dma_semaphore, #tpu.memory_space<semaphore_mem>>) attributes {dimension_semantics = [#tpu.dimension_semantics<core_parallel>, #tpu.dimension_semantics<subcore_parallel>], iteration_bounds = array<i64: 2, 16>, scalar_prefetch = 0 : i64, scratch_operands = 9 : i64, tpu.core_type = #tpu.core_type<sc_vector_subcore>, window_params = [{transform_indices = #map}, {transform_indices = #map1}, {transform_indices = #map}]} {
    %mul3A = arith.constant 2 : i32
    %mul3A_0 = arith.muli %arg1, %mul3A : i32
    %add3A = arith.addi %mul3A_0, %arg0 : i32
    %mul3A_1 = arith.constant 32768 : i32
    %mul3A_2 = arith.muli %add3A, %mul3A_1 : i32
    tpu.enqueue_dma source(%arg3 : memref<16384xi32, #tpu.memory_space<hbm>>) target(%arg5 : memref<16384xi32, #tpu.memory_space<vmem>>) target_semaphore(%arg11 : memref<!tpu.dma_semaphore, #tpu.memory_space<semaphore_mem>>)
    %iota3A = tpu.iota {dimensions = array<i32: 0>} : vector<16xi32>
    %broadcast_in_dim3A = arith.constant -1 : i32
    %broadcast_in_dim3A_3 = vector.broadcast %broadcast_in_dim3A : i32 to vector<16xi32>
    %swap3A = arith.constant 0 : index
    %swap3A_4 = tpu.vector_load %arg10[%swap3A] {strides = array<i32>} : memref<128xi32, #tpu.memory_space<vmem>>, vector<16xi32>,
    tpu.vector_store %arg10[%swap3A], %broadcast_in_dim3A_3 {strides = array<i32>} : memref<128xi32, #tpu.memory_space<vmem>>, vector<16xi32>,
    %swap3A_5 = arith.constant 16 : index
    %swap3A_6 = tpu.vector_load %arg10[%swap3A_5] {strides = array<i32>} : memref<128xi32, #tpu.memory_space<vmem>>, vector<16xi32>,
    tpu.vector_store %arg10[%swap3A_5], %broadcast_in_dim3A_3 {strides = array<i32>} : memref<128xi32, #tpu.memory_space<vmem>>, vector<16xi32>,
    %swap3A_7 = arith.constant 32 : index
    %swap3A_8 = tpu.vector_load %arg10[%swap3A_7] {strides = array<i32>} : memref<128xi32, #tpu.memory_space<vmem>>, vector<16xi32>,
    tpu.vector_store %arg10[%swap3A_7], %broadcast_in_dim3A_3 {strides = array<i32>} : memref<128xi32, #tpu.memory_space<vmem>>, vector<16xi32>,
    %swap3A_9 = arith.constant 48 : index
    %swap3A_10 = tpu.vector_load %arg10[%swap3A_9] {strides = array<i32>} : memref<128xi32, #tpu.memory_space<vmem>>, vector<16xi32>,
    tpu.vector_store %arg10[%swap3A_9], %broadcast_in_dim3A_3 {strides = array<i32>} : memref<128xi32, #tpu.memory_space<vmem>>, vector<16xi32>,
    %swap3A_11 = arith.constant 64 : index
    %swap3A_12 = tpu.vector_load %arg10[%swap3A_11] {strides = array<i32>} : memref<128xi32, #tpu.memory_space<vmem>>, vector<16xi32>,
    tpu.vector_store %arg10[%swap3A_11], %broadcast_in_dim3A_3 {strides = array<i32>} : memref<128xi32, #tpu.memory_space<vmem>>, vector<16xi32>,
    %swap3A_13 = arith.constant 80 : index
    %swap3A_14 = tpu.vector_load %arg10[%swap3A_13] {strides = array<i32>} : memref<128xi32, #tpu.memory_space<vmem>>, vector<16xi32>,
    tpu.vector_store %arg10[%swap3A_13], %broadcast_in_dim3A_3 {strides = array<i32>} : memref<128xi32, #tpu.memory_space<vmem>>, vector<16xi32>,
    %swap3A_15 = arith.constant 96 : index
    %swap3A_16 = tpu.vector_load %arg10[%swap3A_15] {strides = array<i32>} : memref<128xi32, #tpu.memory_space<vmem>>, vector<16xi32>,
    tpu.vector_store %arg10[%swap3A_15], %broadcast_in_dim3A_3 {strides = array<i32>} : memref<128xi32, #tpu.memory_space<vmem>>, vector<16xi32>,
    %swap3A_17 = arith.constant 112 : index
    %swap3A_18 = tpu.vector_load %arg10[%swap3A_17] {strides = array<i32>} : memref<128xi32, #tpu.memory_space<vmem>>, vector<16xi32>,
    tpu.vector_store %arg10[%swap3A_17], %broadcast_in_dim3A_3 {strides = array<i32>} : memref<128xi32, #tpu.memory_space<vmem>>, vector<16xi32>,
    %broadcast_in_dim3A_19 = arith.constant 0.000000e+00 : f32
    %broadcast_in_dim3A_20 = vector.broadcast %broadcast_in_dim3A_19 : f32 to vector<16xf32>
    %add3A_21 = arith.constant 0 : i32
    %add3A_22 = arith.addi %mul3A_2, %add3A_21 : i32
    %min3A = arith.constant 999040 : i32
    %min3A_23 = arith.minsi %add3A_22, %min3A : i32
    %multiple_of3A = tpu.assume_multiple %min3A_23, 128 : i32
    %dma_start3A = arith.constant 0 : i32
    %dma_start3A_24 = tpu.memref_slice %arg2[%dma_start3A, %multiple_of3A] : memref<32x1000000xf32, #tpu.memory_space<hbm>> -> memref<32x1024xf32, #tpu.memory_space<hbm>>
    %dma_start3A_25 = arith.constant 0 : i32
    %dma_start3A_26 = tpu.memref_slice %arg2[%dma_start3A_25, %multiple_of3A] : memref<32x1000000xf32, #tpu.memory_space<hbm>> -> memref<32x1024xf32, #tpu.memory_space<hbm>>
    tpu.enqueue_dma source(%dma_start3A_26 : memref<32x1024xf32, #tpu.memory_space<hbm>>) target(%arg7 : memref<32x1024xf32, #tpu.memory_space<vmem>>) target_semaphore(%arg12 : memref<!tpu.dma_semaphore, #tpu.memory_space<semaphore_mem>>)
    %add3A_27 = arith.constant 1024 : i32
    %add3A_28 = arith.addi %mul3A_2, %add3A_27 : i32
    %min3A_29 = arith.constant 999040 : i32
    %min3A_30 = arith.minsi %add3A_28, %min3A_29 : i32
    %multiple_of3A_31 = tpu.assume_multiple %min3A_30, 128 : i32
    %dma_start3A_32 = arith.constant 0 : i32
    %dma_start3A_33 = tpu.memref_slice %arg2[%dma_start3A_32, %multiple_of3A_31] : memref<32x1000000xf32, #tpu.memory_space<hbm>> -> memref<32x1024xf32, #tpu.memory_space<hbm>>
    %dma_start3A_34 = arith.constant 0 : i32
    %dma_start3A_35 = tpu.memref_slice %arg2[%dma_start3A_34, %multiple_of3A_31] : memref<32x1000000xf32, #tpu.memory_space<hbm>> -> memref<32x1024xf32, #tpu.memory_space<hbm>>
    tpu.enqueue_dma source(%dma_start3A_35 : memref<32x1024xf32, #tpu.memory_space<hbm>>) target(%arg8 : memref<32x1024xf32, #tpu.memory_space<vmem>>) target_semaphore(%arg13 : memref<!tpu.dma_semaphore, #tpu.memory_space<semaphore_mem>>)
    %scan3A = arith.constant 0 : i32
    %scan3A_36 = arith.constant 0 : i32
    %scan3A_37 = arith.constant 128 : i32
    %scan3A_38 = arith.addi %scan3A_36, %scan3A_37 : i32
    %scan3A_39 = arith.constant 1 : i32
    scf.for %scan3A_97 = %scan3A_36 to %scan3A_38 step %scan3A_39  : i32 {
      %swap3A_98 = arith.index_cast %scan3A_97 : i32 to index
      %swap3A_99 = arith.constant 32 : index
      %swap3A_100 = tpu.vector_load %arg9[%swap3A_98, %swap3A_99] {strides = array<i32>} : memref<128x128xf32, #tpu.memory_space<vmem>>, vector<16xf32>,
      tpu.vector_store %arg9[%swap3A_98, %swap3A_99], %broadcast_in_dim3A_20 {strides = array<i32>} : memref<128x128xf32, #tpu.memory_space<vmem>>, vector<16xf32>,
      %swap3A_101 = arith.index_cast %scan3A_97 : i32 to index
      %swap3A_102 = arith.constant 48 : index
      %swap3A_103 = tpu.vector_load %arg9[%swap3A_101, %swap3A_102] {strides = array<i32>} : memref<128x128xf32, #tpu.memory_space<vmem>>, vector<16xf32>,
      tpu.vector_store %arg9[%swap3A_101, %swap3A_102], %broadcast_in_dim3A_20 {strides = array<i32>} : memref<128x128xf32, #tpu.memory_space<vmem>>, vector<16xf32>,
      %swap3A_104 = arith.index_cast %scan3A_97 : i32 to index
      %swap3A_105 = arith.constant 64 : index
      %swap3A_106 = tpu.vector_load %arg9[%swap3A_104, %swap3A_105] {strides = array<i32>} : memref<128x128xf32, #tpu.memory_space<vmem>>, vector<16xf32>,
      tpu.vector_store %arg9[%swap3A_104, %swap3A_105], %broadcast_in_dim3A_20 {strides = array<i32>} : memref<128x128xf32, #tpu.memory_space<vmem>>, vector<16xf32>,
      %swap3A_107 = arith.index_cast %scan3A_97 : i32 to index
      %swap3A_108 = arith.constant 80 : index
      %swap3A_109 = tpu.vector_load %arg9[%swap3A_107, %swap3A_108] {strides = array<i32>} : memref<128x128xf32, #tpu.memory_space<vmem>>, vector<16xf32>,
      tpu.vector_store %arg9[%swap3A_107, %swap3A_108], %broadcast_in_dim3A_20 {strides = array<i32>} : memref<128x128xf32, #tpu.memory_space<vmem>>, vector<16xf32>,
      %swap3A_110 = arith.index_cast %scan3A_97 : i32 to index
      %swap3A_111 = arith.constant 96 : index
      %swap3A_112 = tpu.vector_load %arg9[%swap3A_110, %swap3A_111] {strides = array<i32>} : memref<128x128xf32, #tpu.memory_space<vmem>>, vector<16xf32>,
      tpu.vector_store %arg9[%swap3A_110, %swap3A_111], %broadcast_in_dim3A_20 {strides = array<i32>} : memref<128x128xf32, #tpu.memory_space<vmem>>, vector<16xf32>,
      %swap3A_113 = arith.index_cast %scan3A_97 : i32 to index
      %swap3A_114 = arith.constant 112 : index
      %swap3A_115 = tpu.vector_load %arg9[%swap3A_113, %swap3A_114] {strides = array<i32>} : memref<128x128xf32, #tpu.memory_space<vmem>>, vector<16xf32>,
      tpu.vector_store %arg9[%swap3A_113, %swap3A_114], %broadcast_in_dim3A_20 {strides = array<i32>} : memref<128x128xf32, #tpu.memory_space<vmem>>, vector<16xf32>,
    }
    %scan3A_40 = arith.constant 128 : i32
    tpu.wait_dma2 semaphore(%arg11 : memref<!tpu.dma_semaphore, #tpu.memory_space<semaphore_mem>>) src(%arg3 : memref<16384xi32, #tpu.memory_space<hbm>>) dst(%arg5 : memref<16384xi32, #tpu.memory_space<vmem>>)
    %scan3A_41 = arith.constant 0 : i32
    %scan3A_42 = arith.constant 0 : i32
    %scan3A_43 = arith.constant 128 : i32
    %scan3A_44 = arith.addi %scan3A_42, %scan3A_43 : i32
    %scan3A_45 = arith.constant 1 : i32
    %scan3A_46 = scf.for %scan3A_97 = %scan3A_42 to %scan3A_44 step %scan3A_45 iter_args(%scan3A_98 = %scan3A_41) -> (i32)  : i32 {
      %mul3A_99 = arith.constant 8 : i32
      %mul3A_100 = arith.muli %scan3A_97, %mul3A_99 : i32
      %add3A_101 = arith.constant 0 : i32
      %add3A_102 = arith.addi %mul3A_100, %add3A_101 : i32
      %mul3A_103 = arith.constant 16 : i32
      %mul3A_104 = arith.muli %add3A_102, %mul3A_103 : i32
      %get3A = arith.index_cast %mul3A_104 : i32 to index
      %get3A_105 = tpu.vector_load %arg5[%get3A] {strides = array<i32>} : memref<16384xi32, #tpu.memory_space<vmem>>, vector<16xi32>,
      %mul3A_106 = arith.constant 16 : i32
      %mul3A_107 = arith.muli %add3A_102, %mul3A_106 : i32
      %add3A_108 = vector.broadcast %mul3A_107 : i32 to vector<16xi32>
      %add3A_109 = arith.addi %iota3A, %add3A_108 : vector<16xi32>
      %shift_right_arithmetic3A = arith.constant 15 : i32
      %shift_right_arithmetic3A_110 = vector.broadcast %shift_right_arithmetic3A : i32 to vector<16xi32>
      %shift_right_arithmetic3A_111 = arith.shrsi %get3A_105, %shift_right_arithmetic3A_110 : vector<16xi32>
      %eq3A = vector.broadcast %add3A : i32 to vector<16xi32>
      %eq3A_112 = arith.cmpi eq, %shift_right_arithmetic3A_111, %eq3A : vector<16xi32>
      %and3A_113 = arith.constant 32767 : i32
      %and3A_114 = vector.broadcast %and3A_113 : i32 to vector<16xi32>
      %and3A_115 = arith.andi %get3A_105, %and3A_114 : vector<16xi32>
      %shift_left3A = arith.constant 14 : i32
      %shift_left3A_116 = vector.broadcast %shift_left3A : i32 to vector<16xi32>
      %shift_left3A_117 = arith.shli %and3A_115, %shift_left3A_116 : vector<16xi32>
      %or3A = arith.ori %shift_left3A_117, %add3A_109 : vector<16xi32>
      %swap3A_118 = arith.index_cast %scan3A_98 : i32 to index
      %swap3A_119 = tpu.vector_load %arg6[%swap3A_118] masked %eq3A_112 {strides = array<i32>} : memref<16384xi32, #tpu.memory_space<vmem>>, vector<16xi32>, vector<16xi1>
      tpu.vector_store %arg6[%swap3A_118], %or3A masked %eq3A_112 {strides = array<i32>} : memref<16384xi32, #tpu.memory_space<vmem>>, vector<16xi32>, vector<16xi1>
      %jit3A_120 = arith.constant 1 : i32
      %jit3A_121 = arith.constant 0 : i32
      %broadcast_in_dim3A_122 = vector.broadcast %jit3A_120 : i32 to vector<16xi32>
      %broadcast_in_dim3A_123 = vector.broadcast %jit3A_121 : i32 to vector<16xi32>
      %select_n3A_124 = arith.select %eq3A_112, %broadcast_in_dim3A_122, %broadcast_in_dim3A_123 : vector<16xi1>, vector<16xi32>
      %reduce_sum3A = arith.constant true
      %reduce_sum3A_125 = vector.broadcast %reduce_sum3A : i1 to vector<16xi1>
      %reduce_sum3A_126 = tpu.scan <sum>, %select_n3A_124 masked %reduce_sum3A_125 : vector<16xi32>, vector<16xi1> -> vector<16xi32>
      %reduce_sum3A_127 = vector.extract %reduce_sum3A_126[15] : i32 from vector<16xi32>
      %add3A_128 = arith.addi %scan3A_98, %reduce_sum3A_127 : i32
      %mul3A_129 = arith.constant 8 : i32
      %mul3A_130 = arith.muli %scan3A_97, %mul3A_129 : i32
      %add3A_131 = arith.constant 1 : i32
      %add3A_132 = arith.addi %mul3A_130, %add3A_131 : i32
      %mul3A_133 = arith.constant 16 : i32
      %mul3A_134 = arith.muli %add3A_132, %mul3A_133 : i32
      %get3A_135 = arith.index_cast %mul3A_134 : i32 to index
      %get3A_136 = tpu.vector_load %arg5[%get3A_135] {strides = array<i32>} : memref<16384xi32, #tpu.memory_space<vmem>>, vector<16xi32>,
      %mul3A_137 = arith.constant 16 : i32
      %mul3A_138 = arith.muli %add3A_132, %mul3A_137 : i32
      %add3A_139 = vector.broadcast %mul3A_138 : i32 to vector<16xi32>
      %add3A_140 = arith.addi %iota3A, %add3A_139 : vector<16xi32>
      %shift_right_arithmetic3A_141 = arith.constant 15 : i32
      %shift_right_arithmetic3A_142 = vector.broadcast %shift_right_arithmetic3A_141 : i32 to vector<16xi32>
      %shift_right_arithmetic3A_143 = arith.shrsi %get3A_136, %shift_right_arithmetic3A_142 : vector<16xi32>
      %eq3A_144 = vector.broadcast %add3A : i32 to vector<16xi32>
      %eq3A_145 = arith.cmpi eq, %shift_right_arithmetic3A_143, %eq3A_144 : vector<16xi32>
      %and3A_146 = arith.constant 32767 : i32
      %and3A_147 = vector.broadcast %and3A_146 : i32 to vector<16xi32>
      %and3A_148 = arith.andi %get3A_136, %and3A_147 : vector<16xi32>
      %shift_left3A_149 = arith.constant 14 : i32
      %shift_left3A_150 = vector.broadcast %shift_left3A_149 : i32 to vector<16xi32>
      %shift_left3A_151 = arith.shli %and3A_148, %shift_left3A_150 : vector<16xi32>
      %or3A_152 = arith.ori %shift_left3A_151, %add3A_140 : vector<16xi32>
      %swap3A_153 = arith.index_cast %add3A_128 : i32 to index
      %swap3A_154 = tpu.vector_load %arg6[%swap3A_153] masked %eq3A_145 {strides = array<i32>} : memref<16384xi32, #tpu.memory_space<vmem>>, vector<16xi32>, vector<16xi1>
      tpu.vector_store %arg6[%swap3A_153], %or3A_152 masked %eq3A_145 {strides = array<i32>} : memref<16384xi32, #tpu.memory_space<vmem>>, vector<16xi32>, vector<16xi1>
      %jit3A_155 = arith.constant 1 : i32
      %jit3A_156 = arith.constant 0 : i32
      %broadcast_in_dim3A_157 = vector.broadcast %jit3A_155 : i32 to vector<16xi32>
      %broadcast_in_dim3A_158 = vector.broadcast %jit3A_156 : i32 to vector<16xi32>
      %select_n3A_159 = arith.select %eq3A_145, %broadcast_in_dim3A_157, %broadcast_in_dim3A_158 : vector<16xi1>, vector<16xi32>
      %reduce_sum3A_160 = arith.constant true
      %reduce_sum3A_161 = vector.broadcast %reduce_sum3A_160 : i1 to vector<16xi1>
      %reduce_sum3A_162 = tpu.scan <sum>, %select_n3A_159 masked %reduce_sum3A_161 : vector<16xi32>, vector<16xi1> -> vector<16xi32>
      %reduce_sum3A_163 = vector.extract %reduce_sum3A_162[15] : i32 from vector<16xi32>
      %add3A_164 = arith.addi %add3A_128, %reduce_sum3A_163 : i32
      %mul3A_165 = arith.constant 8 : i32
      %mul3A_166 = arith.muli %scan3A_97, %mul3A_165 : i32
      %add3A_167 = arith.constant 2 : i32
      %add3A_168 = arith.addi %mul3A_166, %add3A_167 : i32
      %mul3A_169 = arith.constant 16 : i32
      %mul3A_170 = arith.muli %add3A_168, %mul3A_169 : i32
      %get3A_171 = arith.index_cast %mul3A_170 : i32 to index
      %get3A_172 = tpu.vector_load %arg5[%get3A_171] {strides = array<i32>} : memref<16384xi32, #tpu.memory_space<vmem>>, vector<16xi32>,
      %mul3A_173 = arith.constant 16 : i32
      %mul3A_174 = arith.muli %add3A_168, %mul3A_173 : i32
      %add3A_175 = vector.broadcast %mul3A_174 : i32 to vector<16xi32>
      %add3A_176 = arith.addi %iota3A, %add3A_175 : vector<16xi32>
      %shift_right_arithmetic3A_177 = arith.constant 15 : i32
      %shift_right_arithmetic3A_178 = vector.broadcast %shift_right_arithmetic3A_177 : i32 to vector<16xi32>
      %shift_right_arithmetic3A_179 = arith.shrsi %get3A_172, %shift_right_arithmetic3A_178 : vector<16xi32>
      %eq3A_180 = vector.broadcast %add3A : i32 to vector<16xi32>
      %eq3A_181 = arith.cmpi eq, %shift_right_arithmetic3A_179, %eq3A_180 : vector<16xi32>
      %and3A_182 = arith.constant 32767 : i32
      %and3A_183 = vector.broadcast %and3A_182 : i32 to vector<16xi32>
      %and3A_184 = arith.andi %get3A_172, %and3A_183 : vector<16xi32>
      %shift_left3A_185 = arith.constant 14 : i32
      %shift_left3A_186 = vector.broadcast %shift_left3A_185 : i32 to vector<16xi32>
      %shift_left3A_187 = arith.shli %and3A_184, %shift_left3A_186 : vector<16xi32>
      %or3A_188 = arith.ori %shift_left3A_187, %add3A_176 : vector<16xi32>
      %swap3A_189 = arith.index_cast %add3A_164 : i32 to index
      %swap3A_190 = tpu.vector_load %arg6[%swap3A_189] masked %eq3A_181 {strides = array<i32>} : memref<16384xi32, #tpu.memory_space<vmem>>, vector<16xi32>, vector<16xi1>
      tpu.vector_store %arg6[%swap3A_189], %or3A_188 masked %eq3A_181 {strides = array<i32>} : memref<16384xi32, #tpu.memory_space<vmem>>, vector<16xi32>, vector<16xi1>
      %jit3A_191 = arith.constant 1 : i32
      %jit3A_192 = arith.constant 0 : i32
      %broadcast_in_dim3A_193 = vector.broadcast %jit3A_191 : i32 to vector<16xi32>
      %broadcast_in_dim3A_194 = vector.broadcast %jit3A_192 : i32 to vector<16xi32>
      %select_n3A_195 = arith.select %eq3A_181, %broadcast_in_dim3A_193, %broadcast_in_dim3A_194 : vector<16xi1>, vector<16xi32>
      %reduce_sum3A_196 = arith.constant true
      %reduce_sum3A_197 = vector.broadcast %reduce_sum3A_196 : i1 to vector<16xi1>
      %reduce_sum3A_198 = tpu.scan <sum>, %select_n3A_195 masked %reduce_sum3A_197 : vector<16xi32>, vector<16xi1> -> vector<16xi32>
      %reduce_sum3A_199 = vector.extract %reduce_sum3A_198[15] : i32 from vector<16xi32>
      %add3A_200 = arith.addi %add3A_164, %reduce_sum3A_199 : i32
      %mul3A_201 = arith.constant 8 : i32
      %mul3A_202 = arith.muli %scan3A_97, %mul3A_201 : i32
      %add3A_203 = arith.constant 3 : i32
      %add3A_204 = arith.addi %mul3A_202, %add3A_203 : i32
      %mul3A_205 = arith.constant 16 : i32
      %mul3A_206 = arith.muli %add3A_204, %mul3A_205 : i32
      %get3A_207 = arith.index_cast %mul3A_206 : i32 to index
      %get3A_208 = tpu.vector_load %arg5[%get3A_207] {strides = array<i32>} : memref<16384xi32, #tpu.memory_space<vmem>>, vector<16xi32>,
      %mul3A_209 = arith.constant 16 : i32
      %mul3A_210 = arith.muli %add3A_204, %mul3A_209 : i32
      %add3A_211 = vector.broadcast %mul3A_210 : i32 to vector<16xi32>
      %add3A_212 = arith.addi %iota3A, %add3A_211 : vector<16xi32>
      %shift_right_arithmetic3A_213 = arith.constant 15 : i32
      %shift_right_arithmetic3A_214 = vector.broadcast %shift_right_arithmetic3A_213 : i32 to vector<16xi32>
      %shift_right_arithmetic3A_215 = arith.shrsi %get3A_208, %shift_right_arithmetic3A_214 : vector<16xi32>
      %eq3A_216 = vector.broadcast %add3A : i32 to vector<16xi32>
      %eq3A_217 = arith.cmpi eq, %shift_right_arithmetic3A_215, %eq3A_216 : vector<16xi32>
      %and3A_218 = arith.constant 32767 : i32
      %and3A_219 = vector.broadcast %and3A_218 : i32 to vector<16xi32>
      %and3A_220 = arith.andi %get3A_208, %and3A_219 : vector<16xi32>
      %shift_left3A_221 = arith.constant 14 : i32
      %shift_left3A_222 = vector.broadcast %shift_left3A_221 : i32 to vector<16xi32>
      %shift_left3A_223 = arith.shli %and3A_220, %shift_left3A_222 : vector<16xi32>
      %or3A_224 = arith.ori %shift_left3A_223, %add3A_212 : vector<16xi32>
      %swap3A_225 = arith.index_cast %add3A_200 : i32 to index
      %swap3A_226 = tpu.vector_load %arg6[%swap3A_225] masked %eq3A_217 {strides = array<i32>} : memref<16384xi32, #tpu.memory_space<vmem>>, vector<16xi32>, vector<16xi1>
      tpu.vector_store %arg6[%swap3A_225], %or3A_224 masked %eq3A_217 {strides = array<i32>} : memref<16384xi32, #tpu.memory_space<vmem>>, vector<16xi32>, vector<16xi1>
      %jit3A_227 = arith.constant 1 : i32
      %jit3A_228 = arith.constant 0 : i32
      %broadcast_in_dim3A_229 = vector.broadcast %jit3A_227 : i32 to vector<16xi32>
      %broadcast_in_dim3A_230 = vector.broadcast %jit3A_228 : i32 to vector<16xi32>
      %select_n3A_231 = arith.select %eq3A_217, %broadcast_in_dim3A_229, %broadcast_in_dim3A_230 : vector<16xi1>, vector<16xi32>
      %reduce_sum3A_232 = arith.constant true
      %reduce_sum3A_233 = vector.broadcast %reduce_sum3A_232 : i1 to vector<16xi1>
      %reduce_sum3A_234 = tpu.scan <sum>, %select_n3A_231 masked %reduce_sum3A_233 : vector<16xi32>, vector<16xi1> -> vector<16xi32>
      %reduce_sum3A_235 = vector.extract %reduce_sum3A_234[15] : i32 from vector<16xi32>
      %add3A_236 = arith.addi %add3A_200, %reduce_sum3A_235 : i32
      %mul3A_237 = arith.constant 8 : i32
      %mul3A_238 = arith.muli %scan3A_97, %mul3A_237 : i32
      %add3A_239 = arith.constant 4 : i32
      %add3A_240 = arith.addi %mul3A_238, %add3A_239 : i32
      %mul3A_241 = arith.constant 16 : i32
      %mul3A_242 = arith.muli %add3A_240, %mul3A_241 : i32
      %get3A_243 = arith.index_cast %mul3A_242 : i32 to index
      %get3A_244 = tpu.vector_load %arg5[%get3A_243] {strides = array<i32>} : memref<16384xi32, #tpu.memory_space<vmem>>, vector<16xi32>,
      %mul3A_245 = arith.constant 16 : i32
      %mul3A_246 = arith.muli %add3A_240, %mul3A_245 : i32
      %add3A_247 = vector.broadcast %mul3A_246 : i32 to vector<16xi32>
      %add3A_248 = arith.addi %iota3A, %add3A_247 : vector<16xi32>
      %shift_right_arithmetic3A_249 = arith.constant 15 : i32
      %shift_right_arithmetic3A_250 = vector.broadcast %shift_right_arithmetic3A_249 : i32 to vector<16xi32>
      %shift_right_arithmetic3A_251 = arith.shrsi %get3A_244, %shift_right_arithmetic3A_250 : vector<16xi32>
      %eq3A_252 = vector.broadcast %add3A : i32 to vector<16xi32>
      %eq3A_253 = arith.cmpi eq, %shift_right_arithmetic3A_251, %eq3A_252 : vector<16xi32>
      %and3A_254 = arith.constant 32767 : i32
      %and3A_255 = vector.broadcast %and3A_254 : i32 to vector<16xi32>
      %and3A_256 = arith.andi %get3A_244, %and3A_255 : vector<16xi32>
      %shift_left3A_257 = arith.constant 14 : i32
      %shift_left3A_258 = vector.broadcast %shift_left3A_257 : i32 to vector<16xi32>
      %shift_left3A_259 = arith.shli %and3A_256, %shift_left3A_258 : vector<16xi32>
      %or3A_260 = arith.ori %shift_left3A_259, %add3A_248 : vector<16xi32>
      %swap3A_261 = arith.index_cast %add3A_236 : i32 to index
      %swap3A_262 = tpu.vector_load %arg6[%swap3A_261] masked %eq3A_253 {strides = array<i32>} : memref<16384xi32, #tpu.memory_space<vmem>>, vector<16xi32>, vector<16xi1>
      tpu.vector_store %arg6[%swap3A_261], %or3A_260 masked %eq3A_253 {strides = array<i32>} : memref<16384xi32, #tpu.memory_space<vmem>>, vector<16xi32>, vector<16xi1>
      %jit3A_263 = arith.constant 1 : i32
      %jit3A_264 = arith.constant 0 : i32
      %broadcast_in_dim3A_265 = vector.broadcast %jit3A_263 : i32 to vector<16xi32>
      %broadcast_in_dim3A_266 = vector.broadcast %jit3A_264 : i32 to vector<16xi32>
      %select_n3A_267 = arith.select %eq3A_253, %broadcast_in_dim3A_265, %broadcast_in_dim3A_266 : vector<16xi1>, vector<16xi32>
      %reduce_sum3A_268 = arith.constant true
      %reduce_sum3A_269 = vector.broadcast %reduce_sum3A_268 : i1 to vector<16xi1>
      %reduce_sum3A_270 = tpu.scan <sum>, %select_n3A_267 masked %reduce_sum3A_269 : vector<16xi32>, vector<16xi1> -> vector<16xi32>
      %reduce_sum3A_271 = vector.extract %reduce_sum3A_270[15] : i32 from vector<16xi32>
      %add3A_272 = arith.addi %add3A_236, %reduce_sum3A_271 : i32
      %mul3A_273 = arith.constant 8 : i32
      %mul3A_274 = arith.muli %scan3A_97, %mul3A_273 : i32
      %add3A_275 = arith.constant 5 : i32
      %add3A_276 = arith.addi %mul3A_274, %add3A_275 : i32
      %mul3A_277 = arith.constant 16 : i32
      %mul3A_278 = arith.muli %add3A_276, %mul3A_277 : i32
      %get3A_279 = arith.index_cast %mul3A_278 : i32 to index
      %get3A_280 = tpu.vector_load %arg5[%get3A_279] {strides = array<i32>} : memref<16384xi32, #tpu.memory_space<vmem>>, vector<16xi32>,
      %mul3A_281 = arith.constant 16 : i32
      %mul3A_282 = arith.muli %add3A_276, %mul3A_281 : i32
      %add3A_283 = vector.broadcast %mul3A_282 : i32 to vector<16xi32>
      %add3A_284 = arith.addi %iota3A, %add3A_283 : vector<16xi32>
      %shift_right_arithmetic3A_285 = arith.constant 15 : i32
      %shift_right_arithmetic3A_286 = vector.broadcast %shift_right_arithmetic3A_285 : i32 to vector<16xi32>
      %shift_right_arithmetic3A_287 = arith.shrsi %get3A_280, %shift_right_arithmetic3A_286 : vector<16xi32>
      %eq3A_288 = vector.broadcast %add3A : i32 to vector<16xi32>
      %eq3A_289 = arith.cmpi eq, %shift_right_arithmetic3A_287, %eq3A_288 : vector<16xi32>
      %and3A_290 = arith.constant 32767 : i32
      %and3A_291 = vector.broadcast %and3A_290 : i32 to vector<16xi32>
      %and3A_292 = arith.andi %get3A_280, %and3A_291 : vector<16xi32>
      %shift_left3A_293 = arith.constant 14 : i32
      %shift_left3A_294 = vector.broadcast %shift_left3A_293 : i32 to vector<16xi32>
      %shift_left3A_295 = arith.shli %and3A_292, %shift_left3A_294 : vector<16xi32>
      %or3A_296 = arith.ori %shift_left3A_295, %add3A_284 : vector<16xi32>
      %swap3A_297 = arith.index_cast %add3A_272 : i32 to index
      %swap3A_298 = tpu.vector_load %arg6[%swap3A_297] masked %eq3A_289 {strides = array<i32>} : memref<16384xi32, #tpu.memory_space<vmem>>, vector<16xi32>, vector<16xi1>
      tpu.vector_store %arg6[%swap3A_297], %or3A_296 masked %eq3A_289 {strides = array<i32>} : memref<16384xi32, #tpu.memory_space<vmem>>, vector<16xi32>, vector<16xi1>
      %jit3A_299 = arith.constant 1 : i32
      %jit3A_300 = arith.constant 0 : i32
      %broadcast_in_dim3A_301 = vector.broadcast %jit3A_299 : i32 to vector<16xi32>
      %broadcast_in_dim3A_302 = vector.broadcast %jit3A_300 : i32 to vector<16xi32>
      %select_n3A_303 = arith.select %eq3A_289, %broadcast_in_dim3A_301, %broadcast_in_dim3A_302 : vector<16xi1>, vector<16xi32>
      %reduce_sum3A_304 = arith.constant true
      %reduce_sum3A_305 = vector.broadcast %reduce_sum3A_304 : i1 to vector<16xi1>
      %reduce_sum3A_306 = tpu.scan <sum>, %select_n3A_303 masked %reduce_sum3A_305 : vector<16xi32>, vector<16xi1> -> vector<16xi32>
      %reduce_sum3A_307 = vector.extract %reduce_sum3A_306[15] : i32 from vector<16xi32>
      %add3A_308 = arith.addi %add3A_272, %reduce_sum3A_307 : i32
      %mul3A_309 = arith.constant 8 : i32
      %mul3A_310 = arith.muli %scan3A_97, %mul3A_309 : i32
      %add3A_311 = arith.constant 6 : i32
      %add3A_312 = arith.addi %mul3A_310, %add3A_311 : i32
      %mul3A_313 = arith.constant 16 : i32
      %mul3A_314 = arith.muli %add3A_312, %mul3A_313 : i32
      %get3A_315 = arith.index_cast %mul3A_314 : i32 to index
      %get3A_316 = tpu.vector_load %arg5[%get3A_315] {strides = array<i32>} : memref<16384xi32, #tpu.memory_space<vmem>>, vector<16xi32>,
      %mul3A_317 = arith.constant 16 : i32
      %mul3A_318 = arith.muli %add3A_312, %mul3A_317 : i32
      %add3A_319 = vector.broadcast %mul3A_318 : i32 to vector<16xi32>
      %add3A_320 = arith.addi %iota3A, %add3A_319 : vector<16xi32>
      %shift_right_arithmetic3A_321 = arith.constant 15 : i32
      %shift_right_arithmetic3A_322 = vector.broadcast %shift_right_arithmetic3A_321 : i32 to vector<16xi32>
      %shift_right_arithmetic3A_323 = arith.shrsi %get3A_316, %shift_right_arithmetic3A_322 : vector<16xi32>
      %eq3A_324 = vector.broadcast %add3A : i32 to vector<16xi32>
      %eq3A_325 = arith.cmpi eq, %shift_right_arithmetic3A_323, %eq3A_324 : vector<16xi32>
      %and3A_326 = arith.constant 32767 : i32
      %and3A_327 = vector.broadcast %and3A_326 : i32 to vector<16xi32>
      %and3A_328 = arith.andi %get3A_316, %and3A_327 : vector<16xi32>
      %shift_left3A_329 = arith.constant 14 : i32
      %shift_left3A_330 = vector.broadcast %shift_left3A_329 : i32 to vector<16xi32>
      %shift_left3A_331 = arith.shli %and3A_328, %shift_left3A_330 : vector<16xi32>
      %or3A_332 = arith.ori %shift_left3A_331, %add3A_320 : vector<16xi32>
      %swap3A_333 = arith.index_cast %add3A_308 : i32 to index
      %swap3A_334 = tpu.vector_load %arg6[%swap3A_333] masked %eq3A_325 {strides = array<i32>} : memref<16384xi32, #tpu.memory_space<vmem>>, vector<16xi32>, vector<16xi1>
      tpu.vector_store %arg6[%swap3A_333], %or3A_332 masked %eq3A_325 {strides = array<i32>} : memref<16384xi32, #tpu.memory_space<vmem>>, vector<16xi32>, vector<16xi1>
      %jit3A_335 = arith.constant 1 : i32
      %jit3A_336 = arith.constant 0 : i32
      %broadcast_in_dim3A_337 = vector.broadcast %jit3A_335 : i32 to vector<16xi32>
      %broadcast_in_dim3A_338 = vector.broadcast %jit3A_336 : i32 to vector<16xi32>
      %select_n3A_339 = arith.select %eq3A_325, %broadcast_in_dim3A_337, %broadcast_in_dim3A_338 : vector<16xi1>, vector<16xi32>
      %reduce_sum3A_340 = arith.constant true
      %reduce_sum3A_341 = vector.broadcast %reduce_sum3A_340 : i1 to vector<16xi1>
      %reduce_sum3A_342 = tpu.scan <sum>, %select_n3A_339 masked %reduce_sum3A_341 : vector<16xi32>, vector<16xi1> -> vector<16xi32>
      %reduce_sum3A_343 = vector.extract %reduce_sum3A_342[15] : i32 from vector<16xi32>
      %add3A_344 = arith.addi %add3A_308, %reduce_sum3A_343 : i32
      %mul3A_345 = arith.constant 8 : i32
      %mul3A_346 = arith.muli %scan3A_97, %mul3A_345 : i32
      %add3A_347 = arith.constant 7 : i32
      %add3A_348 = arith.addi %mul3A_346, %add3A_347 : i32
      %mul3A_349 = arith.constant 16 : i32
      %mul3A_350 = arith.muli %add3A_348, %mul3A_349 : i32
      %get3A_351 = arith.index_cast %mul3A_350 : i32 to index
      %get3A_352 = tpu.vector_load %arg5[%get3A_351] {strides = array<i32>} : memref<16384xi32, #tpu.memory_space<vmem>>, vector<16xi32>,
      %mul3A_353 = arith.constant 16 : i32
      %mul3A_354 = arith.muli %add3A_348, %mul3A_353 : i32
      %add3A_355 = vector.broadcast %mul3A_354 : i32 to vector<16xi32>
      %add3A_356 = arith.addi %iota3A, %add3A_355 : vector<16xi32>
      %shift_right_arithmetic3A_357 = arith.constant 15 : i32
      %shift_right_arithmetic3A_358 = vector.broadcast %shift_right_arithmetic3A_357 : i32 to vector<16xi32>
      %shift_right_arithmetic3A_359 = arith.shrsi %get3A_352, %shift_right_arithmetic3A_358 : vector<16xi32>
      %eq3A_360 = vector.broadcast %add3A : i32 to vector<16xi32>
      %eq3A_361 = arith.cmpi eq, %shift_right_arithmetic3A_359, %eq3A_360 : vector<16xi32>
      %and3A_362 = arith.constant 32767 : i32
      %and3A_363 = vector.broadcast %and3A_362 : i32 to vector<16xi32>
      %and3A_364 = arith.andi %get3A_352, %and3A_363 : vector<16xi32>
      %shift_left3A_365 = arith.constant 14 : i32
      %shift_left3A_366 = vector.broadcast %shift_left3A_365 : i32 to vector<16xi32>
      %shift_left3A_367 = arith.shli %and3A_364, %shift_left3A_366 : vector<16xi32>
      %or3A_368 = arith.ori %shift_left3A_367, %add3A_356 : vector<16xi32>
      %swap3A_369 = arith.index_cast %add3A_344 : i32 to index
      %swap3A_370 = tpu.vector_load %arg6[%swap3A_369] masked %eq3A_361 {strides = array<i32>} : memref<16384xi32, #tpu.memory_space<vmem>>, vector<16xi32>, vector<16xi1>
      tpu.vector_store %arg6[%swap3A_369], %or3A_368 masked %eq3A_361 {strides = array<i32>} : memref<16384xi32, #tpu.memory_space<vmem>>, vector<16xi32>, vector<16xi1>
      %jit3A_371 = arith.constant 1 : i32
      %jit3A_372 = arith.constant 0 : i32
      %broadcast_in_dim3A_373 = vector.broadcast %jit3A_371 : i32 to vector<16xi32>
      %broadcast_in_dim3A_374 = vector.broadcast %jit3A_372 : i32 to vector<16xi32>
      %select_n3A_375 = arith.select %eq3A_361, %broadcast_in_dim3A_373, %broadcast_in_dim3A_374 : vector<16xi1>, vector<16xi32>
      %reduce_sum3A_376 = arith.constant true
      %reduce_sum3A_377 = vector.broadcast %reduce_sum3A_376 : i1 to vector<16xi1>
      %reduce_sum3A_378 = tpu.scan <sum>, %select_n3A_375 masked %reduce_sum3A_377 : vector<16xi32>, vector<16xi1> -> vector<16xi32>
      %reduce_sum3A_379 = vector.extract %reduce_sum3A_378[15] : i32 from vector<16xi32>
      %add3A_380 = arith.addi %add3A_344, %reduce_sum3A_379 : i32
      scf.yield %add3A_380 : i32
    }
    %scan3A_47 = arith.constant 128 : i32
    %add3A_48 = arith.constant 16 : i32
    %add3A_49 = arith.addi %scan3A_46, %add3A_48 : i32
    %sub3A = arith.constant 1 : i32
    %sub3A_50 = arith.subi %add3A_49, %sub3A : i32
    %jit3A = arith.constant 16 : i32
    %div3A = arith.divsi %sub3A_50, %jit3A : i32
    %sign3A = arith.constant 0 : i32
    %sign3A_51 = arith.cmpi sgt, %sub3A_50, %sign3A : i32
    %sign3A_52 = arith.extui %sign3A_51 : i1 to i32
    %sign3A_53 = arith.constant 0 : i32
    %sign3A_54 = arith.cmpi slt, %sub3A_50, %sign3A_53 : i32
    %sign3A_55 = arith.extui %sign3A_54 : i1 to i32
    %sign3A_56 = arith.subi %sign3A_52, %sign3A_55 : i32
    %sign3A_57 = arith.constant 0 : i32
    %sign3A_58 = arith.cmpi sgt, %jit3A, %sign3A_57 : i32
    %sign3A_59 = arith.extui %sign3A_58 : i1 to i32
    %sign3A_60 = arith.constant 0 : i32
    %sign3A_61 = arith.cmpi slt, %jit3A, %sign3A_60 : i32
    %sign3A_62 = arith.extui %sign3A_61 : i1 to i32
    %sign3A_63 = arith.subi %sign3A_59, %sign3A_62 : i32
    %ne3A = arith.cmpi ne, %sign3A_56, %sign3A_63 : i32
    %rem3A = arith.remsi %sub3A_50, %jit3A : i32
    %ne3A_64 = arith.constant 0 : i32
    %ne3A_65 = arith.cmpi ne, %rem3A, %ne3A_64 : i32
    %and3A = arith.andi %ne3A, %ne3A_65 : i1
    %sub3A_66 = arith.constant 1 : i32
    %sub3A_67 = arith.subi %div3A, %sub3A_66 : i32
    %select_n3A = arith.select %and3A, %sub3A_67, %div3A : i32
    %scan3A_68 = arith.constant 0 : i32
    %scan3A_69 = arith.constant 0 : i32
    %scan3A_70 = arith.constant 16 : i32
    %scan3A_71 = arith.addi %scan3A_69, %scan3A_70 : i32
    %scan3A_72 = arith.constant 1 : i32
    %scan3A_73 = scf.for %scan3A_97 = %scan3A_69 to %scan3A_71 step %scan3A_72 iter_args(%scan3A_98 = %scan3A_68) -> (i32)  : i32 {
      %mul3A_99 = arith.constant 2 : i32
      %mul3A_100 = arith.muli %mul3A_99, %scan3A_97 : i32
      %dma_wait3A_101 = arith.constant 0 : i32
      %dma_wait3A_102 = arith.constant 0 : i32
      %dma_wait3A_103 = tpu.memref_slice %arg2[%dma_wait3A_101, %dma_wait3A_102] : memref<32x1000000xf32, #tpu.memory_space<hbm>> -> memref<32x1024xf32, #tpu.memory_space<hbm>>
      %dma_wait3A_104 = arith.constant 0 : i32
      %dma_wait3A_105 = arith.constant 0 : i32
      %dma_wait3A_106 = tpu.memref_slice %arg2[%dma_wait3A_104, %dma_wait3A_105] : memref<32x1000000xf32, #tpu.memory_space<hbm>> -> memref<32x1024xf32, #tpu.memory_space<hbm>>
      tpu.wait_dma2 semaphore(%arg12 : memref<!tpu.dma_semaphore, #tpu.memory_space<semaphore_mem>>) src(%dma_wait3A_106 : memref<32x1024xf32, #tpu.memory_space<hbm>>) dst(%arg7 : memref<32x1024xf32, #tpu.memory_space<vmem>>)
      %mul3A_107 = arith.constant 1024 : i32
      %mul3A_108 = arith.muli %mul3A_100, %mul3A_107 : i32
      %sub3A_109 = arith.constant 999040 : i32
      %sub3A_110 = arith.subi %sub3A_109, %mul3A_2 : i32
      %min3A_111 = arith.minsi %mul3A_108, %sub3A_110 : i32
      %while3A = arith.constant 0 : i32
      %while3A_112 = arith.constant 0 : i32
      %while3A_113 = arith.subi %select_n3A, %while3A : i32
      %while3A_114 = arith.addi %while3A, %while3A_113 : i32
      %while3A_115 = arith.constant 1 : i32
      %while3A_116 = arith.divsi %while3A_113, %while3A_115 : i32
      %while3A_117 = arith.muli %while3A_116, %while3A_115 : i32
      %while3A_118 = arith.addi %while3A, %while3A_117 : i32
      %while3A_119 = arith.constant 1 : i32
      %while3A_120 = scf.for %while3A_233 = %while3A to %while3A_118 step %while3A_119 iter_args(%while3A_234 = %while3A_112) -> (i32)  : i32 {
        %mul3A_235 = arith.constant 16 : i32
        %mul3A_236 = arith.muli %while3A_233, %mul3A_235 : i32
        %get3A = arith.index_cast %mul3A_236 : i32 to index
        %get3A_237 = tpu.vector_load %arg6[%get3A] {strides = array<i32>} : memref<16384xi32, #tpu.memory_space<vmem>>, vector<16xi32>,
        %mul3A_238 = arith.constant 16 : i32
        %mul3A_239 = arith.muli %while3A_233, %mul3A_238 : i32
        %add3A_240 = vector.broadcast %mul3A_239 : i32 to vector<16xi32>
        %add3A_241 = arith.addi %iota3A, %add3A_240 : vector<16xi32>
        %lt3A_242 = vector.broadcast %scan3A_46 : i32 to vector<16xi32>
        %lt3A_243 = arith.cmpi slt, %add3A_241, %lt3A_242 : vector<16xi32>
        %shift_right_arithmetic3A = arith.constant 14 : i32
        %shift_right_arithmetic3A_244 = vector.broadcast %shift_right_arithmetic3A : i32 to vector<16xi32>
        %shift_right_arithmetic3A_245 = arith.shrsi %get3A_237, %shift_right_arithmetic3A_244 : vector<16xi32>
        %sub3A_246 = vector.broadcast %min3A_111 : i32 to vector<16xi32>
        %sub3A_247 = arith.subi %shift_right_arithmetic3A_245, %sub3A_246 : vector<16xi32>
        %ge3A = arith.constant 0 : i32
        %ge3A_248 = vector.broadcast %ge3A : i32 to vector<16xi32>
        %ge3A_249 = arith.cmpi sge, %sub3A_247, %ge3A_248 : vector<16xi32>
        %and3A_250 = arith.andi %lt3A_243, %ge3A_249 : vector<16xi1>
        %lt3A_251 = arith.constant 1024 : i32
        %lt3A_252 = vector.broadcast %lt3A_251 : i32 to vector<16xi32>
        %lt3A_253 = arith.cmpi slt, %sub3A_247, %lt3A_252 : vector<16xi32>
        %and3A_254 = arith.andi %and3A_250, %lt3A_253 : vector<16xi1>
        %shift_left3A = arith.constant 14 : i32
        %shift_left3A_255 = vector.broadcast %shift_left3A : i32 to vector<16xi32>
        %shift_left3A_256 = arith.shli %sub3A_247, %shift_left3A_255 : vector<16xi32>
        %and3A_257 = arith.constant 16383 : i32
        %and3A_258 = vector.broadcast %and3A_257 : i32 to vector<16xi32>
        %and3A_259 = arith.andi %get3A_237, %and3A_258 : vector<16xi32>
        %or3A = arith.ori %shift_left3A_256, %and3A_259 : vector<16xi32>
        %swap3A_260 = arith.index_cast %while3A_234 : i32 to index
        %swap3A_261 = tpu.vector_load %arg5[%swap3A_260] masked %and3A_254 {strides = array<i32>} : memref<16384xi32, #tpu.memory_space<vmem>>, vector<16xi32>, vector<16xi1>
        tpu.vector_store %arg5[%swap3A_260], %or3A masked %and3A_254 {strides = array<i32>} : memref<16384xi32, #tpu.memory_space<vmem>>, vector<16xi32>, vector<16xi1>
        %jit3A_262 = arith.constant 1 : i32
        %jit3A_263 = arith.constant 0 : i32
        %broadcast_in_dim3A_264 = vector.broadcast %jit3A_262 : i32 to vector<16xi32>
        %broadcast_in_dim3A_265 = vector.broadcast %jit3A_263 : i32 to vector<16xi32>
        %select_n3A_266 = arith.select %and3A_254, %broadcast_in_dim3A_264, %broadcast_in_dim3A_265 : vector<16xi1>, vector<16xi32>
        %reduce_sum3A = arith.constant true
        %reduce_sum3A_267 = vector.broadcast %reduce_sum3A : i1 to vector<16xi1>
        %reduce_sum3A_268 = tpu.scan <sum>, %select_n3A_266 masked %reduce_sum3A_267 : vector<16xi32>, vector<16xi1> -> vector<16xi32>
        %reduce_sum3A_269 = vector.extract %reduce_sum3A_268[15] : i32 from vector<16xi32>
        %add3A_270 = arith.addi %while3A_234, %reduce_sum3A_269 : i32
        scf.yield %add3A_270 : i32
      }
      %while3A_121 = arith.constant 1 : i32
      %while3A_122 = scf.for %while3A_233 = %while3A_118 to %while3A_114 step %while3A_121 iter_args(%while3A_234 = %while3A_120) -> (i32)  : i32 {
        %mul3A_235 = arith.constant 16 : i32
        %mul3A_236 = arith.muli %while3A_233, %mul3A_235 : i32
        %get3A = arith.index_cast %mul3A_236 : i32 to index
        %get3A_237 = tpu.vector_load %arg6[%get3A] {strides = array<i32>} : memref<16384xi32, #tpu.memory_space<vmem>>, vector<16xi32>,
        %mul3A_238 = arith.constant 16 : i32
        %mul3A_239 = arith.muli %while3A_233, %mul3A_238 : i32
        %add3A_240 = vector.broadcast %mul3A_239 : i32 to vector<16xi32>
        %add3A_241 = arith.addi %iota3A, %add3A_240 : vector<16xi32>
        %lt3A_242 = vector.broadcast %scan3A_46 : i32 to vector<16xi32>
        %lt3A_243 = arith.cmpi slt, %add3A_241, %lt3A_242 : vector<16xi32>
        %shift_right_arithmetic3A = arith.constant 14 : i32
        %shift_right_arithmetic3A_244 = vector.broadcast %shift_right_arithmetic3A : i32 to vector<16xi32>
        %shift_right_arithmetic3A_245 = arith.shrsi %get3A_237, %shift_right_arithmetic3A_244 : vector<16xi32>
        %sub3A_246 = vector.broadcast %min3A_111 : i32 to vector<16xi32>
        %sub3A_247 = arith.subi %shift_right_arithmetic3A_245, %sub3A_246 : vector<16xi32>
        %ge3A = arith.constant 0 : i32
        %ge3A_248 = vector.broadcast %ge3A : i32 to vector<16xi32>
        %ge3A_249 = arith.cmpi sge, %sub3A_247, %ge3A_248 : vector<16xi32>
        %and3A_250 = arith.andi %lt3A_243, %ge3A_249 : vector<16xi1>
        %lt3A_251 = arith.constant 1024 : i32
        %lt3A_252 = vector.broadcast %lt3A_251 : i32 to vector<16xi32>
        %lt3A_253 = arith.cmpi slt, %sub3A_247, %lt3A_252 : vector<16xi32>
        %and3A_254 = arith.andi %and3A_250, %lt3A_253 : vector<16xi1>
        %shift_left3A = arith.constant 14 : i32
        %shift_left3A_255 = vector.broadcast %shift_left3A : i32 to vector<16xi32>
        %shift_left3A_256 = arith.shli %sub3A_247, %shift_left3A_255 : vector<16xi32>
        %and3A_257 = arith.constant 16383 : i32
        %and3A_258 = vector.broadcast %and3A_257 : i32 to vector<16xi32>
        %and3A_259 = arith.andi %get3A_237, %and3A_258 : vector<16xi32>
        %or3A = arith.ori %shift_left3A_256, %and3A_259 : vector<16xi32>
        %swap3A_260 = arith.index_cast %while3A_234 : i32 to index
        %swap3A_261 = tpu.vector_load %arg5[%swap3A_260] masked %and3A_254 {strides = array<i32>} : memref<16384xi32, #tpu.memory_space<vmem>>, vector<16xi32>, vector<16xi1>
        tpu.vector_store %arg5[%swap3A_260], %or3A masked %and3A_254 {strides = array<i32>} : memref<16384xi32, #tpu.memory_space<vmem>>, vector<16xi32>, vector<16xi1>
        %jit3A_262 = arith.constant 1 : i32
        %jit3A_263 = arith.constant 0 : i32
        %broadcast_in_dim3A_264 = vector.broadcast %jit3A_262 : i32 to vector<16xi32>
        %broadcast_in_dim3A_265 = vector.broadcast %jit3A_263 : i32 to vector<16xi32>
        %select_n3A_266 = arith.select %and3A_254, %broadcast_in_dim3A_264, %broadcast_in_dim3A_265 : vector<16xi1>, vector<16xi32>
        %reduce_sum3A = arith.constant true
        %reduce_sum3A_267 = vector.broadcast %reduce_sum3A : i1 to vector<16xi1>
        %reduce_sum3A_268 = tpu.scan <sum>, %select_n3A_266 masked %reduce_sum3A_267 : vector<16xi32>, vector<16xi1> -> vector<16xi32>
        %reduce_sum3A_269 = vector.extract %reduce_sum3A_268[15] : i32 from vector<16xi32>
        %add3A_270 = arith.addi %while3A_234, %reduce_sum3A_269 : i32
        scf.yield %add3A_270 : i32
      }
      %add3A_123 = arith.constant 16 : i32
      %add3A_124 = arith.addi %while3A_122, %add3A_123 : i32
      %sub3A_125 = arith.constant 1 : i32
      %sub3A_126 = arith.subi %add3A_124, %sub3A_125 : i32
      %jit3A_127 = arith.constant 16 : i32
      %div3A_128 = arith.divsi %sub3A_126, %jit3A_127 : i32
      %sign3A_129 = arith.constant 0 : i32
      %sign3A_130 = arith.cmpi sgt, %sub3A_126, %sign3A_129 : i32
      %sign3A_131 = arith.extui %sign3A_130 : i1 to i32
      %sign3A_132 = arith.constant 0 : i32
      %sign3A_133 = arith.cmpi slt, %sub3A_126, %sign3A_132 : i32
      %sign3A_134 = arith.extui %sign3A_133 : i1 to i32
      %sign3A_135 = arith.subi %sign3A_131, %sign3A_134 : i32
      %sign3A_136 = arith.constant 0 : i32
      %sign3A_137 = arith.cmpi sgt, %jit3A_127, %sign3A_136 : i32
      %sign3A_138 = arith.extui %sign3A_137 : i1 to i32
      %sign3A_139 = arith.constant 0 : i32
      %sign3A_140 = arith.cmpi slt, %jit3A_127, %sign3A_139 : i32
      %sign3A_141 = arith.extui %sign3A_140 : i1 to i32
      %sign3A_142 = arith.subi %sign3A_138, %sign3A_141 : i32
      %ne3A_143 = arith.cmpi ne, %sign3A_135, %sign3A_142 : i32
      %rem3A_144 = arith.remsi %sub3A_126, %jit3A_127 : i32
      %ne3A_145 = arith.constant 0 : i32
      %ne3A_146 = arith.cmpi ne, %rem3A_144, %ne3A_145 : i32
      %and3A_147 = arith.andi %ne3A_143, %ne3A_146 : i1
      %sub3A_148 = arith.constant 1 : i32
      %sub3A_149 = arith.subi %div3A_128, %sub3A_148 : i32
      %select_n3A_150 = arith.select %and3A_147, %sub3A_149, %div3A_128 : i32
      %while3A_151 = arith.constant 0 : i32
      %while3A_152 = arith.subi %select_n3A_150, %while3A_151 : i32
      %while3A_153 = arith.addi %while3A_151, %while3A_152 : i32
      %while3A_154 = arith.constant 1 : i32
      %while3A_155 = arith.divsi %while3A_152, %while3A_154 : i32
      %while3A_156 = arith.muli %while3A_155, %while3A_154 : i32
      %while3A_157 = arith.addi %while3A_151, %while3A_156 : i32
      %while3A_158 = arith.constant 1 : i32
      %while3A_159 = scf.for %while3A_233 = %while3A_151 to %while3A_157 step %while3A_158 iter_args(%while3A_234 = %scan3A_98) -> (i32)  : i32 {
        %add3A_235 = arith.constant 16 : i32
        %add3A_236 = arith.addi %while3A_234, %add3A_235 : i32
        %gt3A = arith.constant 128 : i32
        %gt3A_237 = arith.cmpi sgt, %add3A_236, %gt3A : i32
        %convert_element_type3A_238 = arith.extui %gt3A_237 : i1 to i32
        %cond3A_239 = arith.constant 0 : i32
        %cond3A_240 = arith.cmpi ne, %convert_element_type3A_238, %cond3A_239 : i32
        %cond3A_241 = scf.if %cond3A_240 -> (i32) {
          %dma_start3A_362 = arith.constant 0 : i32
          %dma_start3A_363 = arith.constant 0 : i32
          %dma_start3A_364 = tpu.memref_slice %arg4[%dma_start3A_362, %dma_start3A_363] : memref<16384x128xf32, #tpu.memory_space<hbm>> -> memref<16384x128xf32, #tpu.memory_space<hbm>>
          %dma_start3A_365 = arith.constant -1 : i32
          tpu.enqueue_indirect_dma source(%arg9 : memref<128x128xf32, #tpu.memory_space<vmem>>) target(%dma_start3A_364 : memref<16384x128xf32, #tpu.memory_space<hbm>>) offsets(%arg10 : memref<128xi32, #tpu.memory_space<vmem>>) offset_filter(%dma_start3A_365) semaphore(%arg11 : memref<!tpu.dma_semaphore, #tpu.memory_space<semaphore_mem>>)
          %dma_wait3A_366 = arith.constant 0 : i32
          %dma_wait3A_367 = arith.constant 0 : i32
          %dma_wait3A_368 = tpu.memref_slice %arg4[%dma_wait3A_366, %dma_wait3A_367] : memref<16384x128xf32, #tpu.memory_space<hbm>> -> memref<16384x128xf32, #tpu.memory_space<hbm>>
          tpu.wait_indirect_dma semaphore(%arg11 : memref<!tpu.dma_semaphore, #tpu.memory_space<semaphore_mem>>) src(%arg9 : memref<128x128xf32, #tpu.memory_space<vmem>>) dst(%dma_wait3A_368 : memref<16384x128xf32, #tpu.memory_space<hbm>>)
          %swap3A_369 = arith.constant 0 : index
          %swap3A_370 = tpu.vector_load %arg10[%swap3A_369] {strides = array<i32>} : memref<128xi32, #tpu.memory_space<vmem>>, vector<16xi32>,
          tpu.vector_store %arg10[%swap3A_369], %broadcast_in_dim3A_3 {strides = array<i32>} : memref<128xi32, #tpu.memory_space<vmem>>, vector<16xi32>,
          %swap3A_371 = arith.constant 16 : index
          %swap3A_372 = tpu.vector_load %arg10[%swap3A_371] {strides = array<i32>} : memref<128xi32, #tpu.memory_space<vmem>>, vector<16xi32>,
          tpu.vector_store %arg10[%swap3A_371], %broadcast_in_dim3A_3 {strides = array<i32>} : memref<128xi32, #tpu.memory_space<vmem>>, vector<16xi32>,
          %swap3A_373 = arith.constant 32 : index
          %swap3A_374 = tpu.vector_load %arg10[%swap3A_373] {strides = array<i32>} : memref<128xi32, #tpu.memory_space<vmem>>, vector<16xi32>,
          tpu.vector_store %arg10[%swap3A_373], %broadcast_in_dim3A_3 {strides = array<i32>} : memref<128xi32, #tpu.memory_space<vmem>>, vector<16xi32>,
          %swap3A_375 = arith.constant 48 : index
          %swap3A_376 = tpu.vector_load %arg10[%swap3A_375] {strides = array<i32>} : memref<128xi32, #tpu.memory_space<vmem>>, vector<16xi32>,
          tpu.vector_store %arg10[%swap3A_375], %broadcast_in_dim3A_3 {strides = array<i32>} : memref<128xi32, #tpu.memory_space<vmem>>, vector<16xi32>,
          %swap3A_377 = arith.constant 64 : index
          %swap3A_378 = tpu.vector_load %arg10[%swap3A_377] {strides = array<i32>} : memref<128xi32, #tpu.memory_space<vmem>>, vector<16xi32>,
          tpu.vector_store %arg10[%swap3A_377], %broadcast_in_dim3A_3 {strides = array<i32>} : memref<128xi32, #tpu.memory_space<vmem>>, vector<16xi32>,
          %swap3A_379 = arith.constant 80 : index
          %swap3A_380 = tpu.vector_load %arg10[%swap3A_379] {strides = array<i32>} : memref<128xi32, #tpu.memory_space<vmem>>, vector<16xi32>,
          tpu.vector_store %arg10[%swap3A_379], %broadcast_in_dim3A_3 {strides = array<i32>} : memref<128xi32, #tpu.memory_space<vmem>>, vector<16xi32>,
          %swap3A_381 = arith.constant 96 : index
          %swap3A_382 = tpu.vector_load %arg10[%swap3A_381] {strides = array<i32>} : memref<128xi32, #tpu.memory_space<vmem>>, vector<16xi32>,
          tpu.vector_store %arg10[%swap3A_381], %broadcast_in_dim3A_3 {strides = array<i32>} : memref<128xi32, #tpu.memory_space<vmem>>, vector<16xi32>,
          %swap3A_383 = arith.constant 112 : index
          %swap3A_384 = tpu.vector_load %arg10[%swap3A_383] {strides = array<i32>} : memref<128xi32, #tpu.memory_space<vmem>>, vector<16xi32>,
          tpu.vector_store %arg10[%swap3A_383], %broadcast_in_dim3A_3 {strides = array<i32>} : memref<128xi32, #tpu.memory_space<vmem>>, vector<16xi32>,
          %cond3A_385 = arith.constant 0 : i32
          scf.yield %cond3A_385 : i32
        } else {
          scf.yield %while3A_234 : i32
        }
        %mul3A_242 = arith.constant 16 : i32
        %mul3A_243 = arith.muli %while3A_233, %mul3A_242 : i32
        %get3A = arith.index_cast %mul3A_243 : i32 to index
        %get3A_244 = tpu.vector_load %arg5[%get3A] {strides = array<i32>} : memref<16384xi32, #tpu.memory_space<vmem>>, vector<16xi32>,
        %mul3A_245 = arith.constant 16 : i32
        %mul3A_246 = arith.muli %while3A_233, %mul3A_245 : i32
        %add3A_247 = vector.broadcast %mul3A_246 : i32 to vector<16xi32>
        %add3A_248 = arith.addi %iota3A, %add3A_247 : vector<16xi32>
        %lt3A_249 = vector.broadcast %while3A_122 : i32 to vector<16xi32>
        %lt3A_250 = arith.cmpi slt, %add3A_248, %lt3A_249 : vector<16xi32>
        %shift_right_arithmetic3A = arith.constant 14 : i32
        %shift_right_arithmetic3A_251 = vector.broadcast %shift_right_arithmetic3A : i32 to vector<16xi32>
        %shift_right_arithmetic3A_252 = arith.shrsi %get3A_244, %shift_right_arithmetic3A_251 : vector<16xi32>
        %and3A_253 = arith.constant 16383 : i32
        %and3A_254 = vector.broadcast %and3A_253 : i32 to vector<16xi32>
        %and3A_255 = arith.andi %get3A_244, %and3A_254 : vector<16xi32>
        %add3A_256 = vector.broadcast %cond3A_241 : i32 to vector<16xi32>
        %add3A_257 = arith.addi %add3A_256, %iota3A : vector<16xi32>
        %broadcast_in_dim3A_258 = arith.constant 0 : i32
        %broadcast_in_dim3A_259 = vector.broadcast %broadcast_in_dim3A_258 : i32 to vector<16xi32>
        %gather3A = tpu.vector_load_idx %arg7[%broadcast_in_dim3A_259, %shift_right_arithmetic3A_252] masked %lt3A_250 : memref<32x1024xf32, #tpu.memory_space<vmem>>[vector<16xi32>, vector<16xi32>], vector<16xf32>, vector<16xi1>
        tpu.vector_store_idx %arg9[%add3A_257, %broadcast_in_dim3A_259], %gather3A masked %lt3A_250 : memref<128x128xf32, #tpu.memory_space<vmem>>[vector<16xi32>, vector<16xi32>], vector<16xf32>, vector<16xi1>
        %broadcast_in_dim3A_260 = arith.constant 1 : i32
        %broadcast_in_dim3A_261 = vector.broadcast %broadcast_in_dim3A_260 : i32 to vector<16xi32>
        %gather3A_262 = tpu.vector_load_idx %arg7[%broadcast_in_dim3A_261, %shift_right_arithmetic3A_252] masked %lt3A_250 : memref<32x1024xf32, #tpu.memory_space<vmem>>[vector<16xi32>, vector<16xi32>], vector<16xf32>, vector<16xi1>
        tpu.vector_store_idx %arg9[%add3A_257, %broadcast_in_dim3A_261], %gather3A_262 masked %lt3A_250 : memref<128x128xf32, #tpu.memory_space<vmem>>[vector<16xi32>, vector<16xi32>], vector<16xf32>, vector<16xi1>
        %broadcast_in_dim3A_263 = arith.constant 2 : i32
        %broadcast_in_dim3A_264 = vector.broadcast %broadcast_in_dim3A_263 : i32 to vector<16xi32>
        %gather3A_265 = tpu.vector_load_idx %arg7[%broadcast_in_dim3A_264, %shift_right_arithmetic3A_252] masked %lt3A_250 : memref<32x1024xf32, #tpu.memory_space<vmem>>[vector<16xi32>, vector<16xi32>], vector<16xf32>, vector<16xi1>
        tpu.vector_store_idx %arg9[%add3A_257, %broadcast_in_dim3A_264], %gather3A_265 masked %lt3A_250 : memref<128x128xf32, #tpu.memory_space<vmem>>[vector<16xi32>, vector<16xi32>], vector<16xf32>, vector<16xi1>
        %broadcast_in_dim3A_266 = arith.constant 3 : i32
        %broadcast_in_dim3A_267 = vector.broadcast %broadcast_in_dim3A_266 : i32 to vector<16xi32>
        %gather3A_268 = tpu.vector_load_idx %arg7[%broadcast_in_dim3A_267, %shift_right_arithmetic3A_252] masked %lt3A_250 : memref<32x1024xf32, #tpu.memory_space<vmem>>[vector<16xi32>, vector<16xi32>], vector<16xf32>, vector<16xi1>
        tpu.vector_store_idx %arg9[%add3A_257, %broadcast_in_dim3A_267], %gather3A_268 masked %lt3A_250 : memref<128x128xf32, #tpu.memory_space<vmem>>[vector<16xi32>, vector<16xi32>], vector<16xf32>, vector<16xi1>
        %broadcast_in_dim3A_269 = arith.constant 4 : i32
        %broadcast_in_dim3A_270 = vector.broadcast %broadcast_in_dim3A_269 : i32 to vector<16xi32>
        %gather3A_271 = tpu.vector_load_idx %arg7[%broadcast_in_dim3A_270, %shift_right_arithmetic3A_252] masked %lt3A_250 : memref<32x1024xf32, #tpu.memory_space<vmem>>[vector<16xi32>, vector<16xi32>], vector<16xf32>, vector<16xi1>
        tpu.vector_store_idx %arg9[%add3A_257, %broadcast_in_dim3A_270], %gather3A_271 masked %lt3A_250 : memref<128x128xf32, #tpu.memory_space<vmem>>[vector<16xi32>, vector<16xi32>], vector<16xf32>, vector<16xi1>
        %broadcast_in_dim3A_272 = arith.constant 5 : i32
        %broadcast_in_dim3A_273 = vector.broadcast %broadcast_in_dim3A_272 : i32 to vector<16xi32>
        %gather3A_274 = tpu.vector_load_idx %arg7[%broadcast_in_dim3A_273, %shift_right_arithmetic3A_252] masked %lt3A_250 : memref<32x1024xf32, #tpu.memory_space<vmem>>[vector<16xi32>, vector<16xi32>], vector<16xf32>, vector<16xi1>
        tpu.vector_store_idx %arg9[%add3A_257, %broadcast_in_dim3A_273], %gather3A_274 masked %lt3A_250 : memref<128x128xf32, #tpu.memory_space<vmem>>[vector<16xi32>, vector<16xi32>], vector<16xf32>, vector<16xi1>
        %broadcast_in_dim3A_275 = arith.constant 6 : i32
        %broadcast_in_dim3A_276 = vector.broadcast %broadcast_in_dim3A_275 : i32 to vector<16xi32>
        %gather3A_277 = tpu.vector_load_idx %arg7[%broadcast_in_dim3A_276, %shift_right_arithmetic3A_252] masked %lt3A_250 : memref<32x1024xf32, #tpu.memory_space<vmem>>[vector<16xi32>, vector<16xi32>], vector<16xf32>, vector<16xi1>
        tpu.vector_store_idx %arg9[%add3A_257, %broadcast_in_dim3A_276], %gather3A_277 masked %lt3A_250 : memref<128x128xf32, #tpu.memory_space<vmem>>[vector<16xi32>, vector<16xi32>], vector<16xf32>, vector<16xi1>
        %broadcast_in_dim3A_278 = arith.constant 7 : i32
        %broadcast_in_dim3A_279 = vector.broadcast %broadcast_in_dim3A_278 : i32 to vector<16xi32>
        %gather3A_280 = tpu.vector_load_idx %arg7[%broadcast_in_dim3A_279, %shift_right_arithmetic3A_252] masked %lt3A_250 : memref<32x1024xf32, #tpu.memory_space<vmem>>[vector<16xi32>, vector<16xi32>], vector<16xf32>, vector<16xi1>
        tpu.vector_store_idx %arg9[%add3A_257, %broadcast_in_dim3A_279], %gather3A_280 masked %lt3A_250 : memref<128x128xf32, #tpu.memory_space<vmem>>[vector<16xi32>, vector<16xi32>], vector<16xf32>, vector<16xi1>
        %broadcast_in_dim3A_281 = arith.constant 8 : i32
        %broadcast_in_dim3A_282 = vector.broadcast %broadcast_in_dim3A_281 : i32 to vector<16xi32>
        %gather3A_283 = tpu.vector_load_idx %arg7[%broadcast_in_dim3A_282, %shift_right_arithmetic3A_252] masked %lt3A_250 : memref<32x1024xf32, #tpu.memory_space<vmem>>[vector<16xi32>, vector<16xi32>], vector<16xf32>, vector<16xi1>
        tpu.vector_store_idx %arg9[%add3A_257, %broadcast_in_dim3A_282], %gather3A_283 masked %lt3A_250 : memref<128x128xf32, #tpu.memory_space<vmem>>[vector<16xi32>, vector<16xi32>], vector<16xf32>, vector<16xi1>
        %broadcast_in_dim3A_284 = arith.constant 9 : i32
        %broadcast_in_dim3A_285 = vector.broadcast %broadcast_in_dim3A_284 : i32 to vector<16xi32>
        %gather3A_286 = tpu.vector_load_idx %arg7[%broadcast_in_dim3A_285, %shift_right_arithmetic3A_252] masked %lt3A_250 : memref<32x1024xf32, #tpu.memory_space<vmem>>[vector<16xi32>, vector<16xi32>], vector<16xf32>, vector<16xi1>
        tpu.vector_store_idx %arg9[%add3A_257, %broadcast_in_dim3A_285], %gather3A_286 masked %lt3A_250 : memref<128x128xf32, #tpu.memory_space<vmem>>[vector<16xi32>, vector<16xi32>], vector<16xf32>, vector<16xi1>
        %broadcast_in_dim3A_287 = arith.constant 10 : i32
        %broadcast_in_dim3A_288 = vector.broadcast %broadcast_in_dim3A_287 : i32 to vector<16xi32>
        %gather3A_289 = tpu.vector_load_idx %arg7[%broadcast_in_dim3A_288, %shift_right_arithmetic3A_252] masked %lt3A_250 : memref<32x1024xf32, #tpu.memory_space<vmem>>[vector<16xi32>, vector<16xi32>], vector<16xf32>, vector<16xi1>
        tpu.vector_store_idx %arg9[%add3A_257, %broadcast_in_dim3A_288], %gather3A_289 masked %lt3A_250 : memref<128x128xf32, #tpu.memory_space<vmem>>[vector<16xi32>, vector<16xi32>], vector<16xf32>, vector<16xi1>
        %broadcast_in_dim3A_290 = arith.constant 11 : i32
        %broadcast_in_dim3A_291 = vector.broadcast %broadcast_in_dim3A_290 : i32 to vector<16xi32>
        %gather3A_292 = tpu.vector_load_idx %arg7[%broadcast_in_dim3A_291, %shift_right_arithmetic3A_252] masked %lt3A_250 : memref<32x1024xf32, #tpu.memory_space<vmem>>[vector<16xi32>, vector<16xi32>], vector<16xf32>, vector<16xi1>
        tpu.vector_store_idx %arg9[%add3A_257, %broadcast_in_dim3A_291], %gather3A_292 masked %lt3A_250 : memref<128x128xf32, #tpu.memory_space<vmem>>[vector<16xi32>, vector<16xi32>], vector<16xf32>, vector<16xi1>
        %broadcast_in_dim3A_293 = arith.constant 12 : i32
        %broadcast_in_dim3A_294 = vector.broadcast %broadcast_in_dim3A_293 : i32 to vector<16xi32>
        %gather3A_295 = tpu.vector_load_idx %arg7[%broadcast_in_dim3A_294, %shift_right_arithmetic3A_252] masked %lt3A_250 : memref<32x1024xf32, #tpu.memory_space<vmem>>[vector<16xi32>, vector<16xi32>], vector<16xf32>, vector<16xi1>
        tpu.vector_store_idx %arg9[%add3A_257, %broadcast_in_dim3A_294], %gather3A_295 masked %lt3A_250 : memref<128x128xf32, #tpu.memory_space<vmem>>[vector<16xi32>, vector<16xi32>], vector<16xf32>, vector<16xi1>
        %broadcast_in_dim3A_296 = arith.constant 13 : i32
        %broadcast_in_dim3A_297 = vector.broadcast %broadcast_in_dim3A_296 : i32 to vector<16xi32>
        %gather3A_298 = tpu.vector_load_idx %arg7[%broadcast_in_dim3A_297, %shift_right_arithmetic3A_252] masked %lt3A_250 : memref<32x1024xf32, #tpu.memory_space<vmem>>[vector<16xi32>, vector<16xi32>], vector<16xf32>, vector<16xi1>
        tpu.vector_store_idx %arg9[%add3A_257, %broadcast_in_dim3A_297], %gather3A_298 masked %lt3A_250 : memref<128x128xf32, #tpu.memory_space<vmem>>[vector<16xi32>, vector<16xi32>], vector<16xf32>, vector<16xi1>
        %broadcast_in_dim3A_299 = arith.constant 14 : i32
        %broadcast_in_dim3A_300 = vector.broadcast %broadcast_in_dim3A_299 : i32 to vector<16xi32>
        %gather3A_301 = tpu.vector_load_idx %arg7[%broadcast_in_dim3A_300, %shift_right_arithmetic3A_252] masked %lt3A_250 : memref<32x1024xf32, #tpu.memory_space<vmem>>[vector<16xi32>, vector<16xi32>], vector<16xf32>, vector<16xi1>
        tpu.vector_store_idx %arg9[%add3A_257, %broadcast_in_dim3A_300], %gather3A_301 masked %lt3A_250 : memref<128x128xf32, #tpu.memory_space<vmem>>[vector<16xi32>, vector<16xi32>], vector<16xf32>, vector<16xi1>
        %broadcast_in_dim3A_302 = arith.constant 15 : i32
        %broadcast_in_dim3A_303 = vector.broadcast %broadcast_in_dim3A_302 : i32 to vector<16xi32>
        %gather3A_304 = tpu.vector_load_idx %arg7[%broadcast_in_dim3A_303, %shift_right_arithmetic3A_252] masked %lt3A_250 : memref<32x1024xf32, #tpu.memory_space<vmem>>[vector<16xi32>, vector<16xi32>], vector<16xf32>, vector<16xi1>
        tpu.vector_store_idx %arg9[%add3A_257, %broadcast_in_dim3A_303], %gather3A_304 masked %lt3A_250 : memref<128x128xf32, #tpu.memory_space<vmem>>[vector<16xi32>, vector<16xi32>], vector<16xf32>, vector<16xi1>
        %broadcast_in_dim3A_305 = arith.constant 16 : i32
        %broadcast_in_dim3A_306 = vector.broadcast %broadcast_in_dim3A_305 : i32 to vector<16xi32>
        %gather3A_307 = tpu.vector_load_idx %arg7[%broadcast_in_dim3A_306, %shift_right_arithmetic3A_252] masked %lt3A_250 : memref<32x1024xf32, #tpu.memory_space<vmem>>[vector<16xi32>, vector<16xi32>], vector<16xf32>, vector<16xi1>
        tpu.vector_store_idx %arg9[%add3A_257, %broadcast_in_dim3A_306], %gather3A_307 masked %lt3A_250 : memref<128x128xf32, #tpu.memory_space<vmem>>[vector<16xi32>, vector<16xi32>], vector<16xf32>, vector<16xi1>
        %broadcast_in_dim3A_308 = arith.constant 17 : i32
        %broadcast_in_dim3A_309 = vector.broadcast %broadcast_in_dim3A_308 : i32 to vector<16xi32>
        %gather3A_310 = tpu.vector_load_idx %arg7[%broadcast_in_dim3A_309, %shift_right_arithmetic3A_252] masked %lt3A_250 : memref<32x1024xf32, #tpu.memory_space<vmem>>[vector<16xi32>, vector<16xi32>], vector<16xf32>, vector<16xi1>
        tpu.vector_store_idx %arg9[%add3A_257, %broadcast_in_dim3A_309], %gather3A_310 masked %lt3A_250 : memref<128x128xf32, #tpu.memory_space<vmem>>[vector<16xi32>, vector<16xi32>], vector<16xf32>, vector<16xi1>
        %broadcast_in_dim3A_311 = arith.constant 18 : i32
        %broadcast_in_dim3A_312 = vector.broadcast %broadcast_in_dim3A_311 : i32 to vector<16xi32>
        %gather3A_313 = tpu.vector_load_idx %arg7[%broadcast_in_dim3A_312, %shift_right_arithmetic3A_252] masked %lt3A_250 : memref<32x1024xf32, #tpu.memory_space<vmem>>[vector<16xi32>, vector<16xi32>], vector<16xf32>, vector<16xi1>
        tpu.vector_store_idx %arg9[%add3A_257, %broadcast_in_dim3A_312], %gather3A_313 masked %lt3A_250 : memref<128x128xf32, #tpu.memory_space<vmem>>[vector<16xi32>, vector<16xi32>], vector<16xf32>, vector<16xi1>
        %broadcast_in_dim3A_314 = arith.constant 19 : i32
        %broadcast_in_dim3A_315 = vector.broadcast %broadcast_in_dim3A_314 : i32 to vector<16xi32>
        %gather3A_316 = tpu.vector_load_idx %arg7[%broadcast_in_dim3A_315, %shift_right_arithmetic3A_252] masked %lt3A_250 : memref<32x1024xf32, #tpu.memory_space<vmem>>[vector<16xi32>, vector<16xi32>], vector<16xf32>, vector<16xi1>
        tpu.vector_store_idx %arg9[%add3A_257, %broadcast_in_dim3A_315], %gather3A_316 masked %lt3A_250 : memref<128x128xf32, #tpu.memory_space<vmem>>[vector<16xi32>, vector<16xi32>], vector<16xf32>, vector<16xi1>
        %broadcast_in_dim3A_317 = arith.constant 20 : i32
        %broadcast_in_dim3A_318 = vector.broadcast %broadcast_in_dim3A_317 : i32 to vector<16xi32>
        %gather3A_319 = tpu.vector_load_idx %arg7[%broadcast_in_dim3A_318, %shift_right_arithmetic3A_252] masked %lt3A_250 : memref<32x1024xf32, #tpu.memory_space<vmem>>[vector<16xi32>, vector<16xi32>], vector<16xf32>, vector<16xi1>
        tpu.vector_store_idx %arg9[%add3A_257, %broadcast_in_dim3A_318], %gather3A_319 masked %lt3A_250 : memref<128x128xf32, #tpu.memory_space<vmem>>[vector<16xi32>, vector<16xi32>], vector<16xf32>, vector<16xi1>
        %broadcast_in_dim3A_320 = arith.constant 21 : i32
        %broadcast_in_dim3A_321 = vector.broadcast %broadcast_in_dim3A_320 : i32 to vector<16xi32>
        %gather3A_322 = tpu.vector_load_idx %arg7[%broadcast_in_dim3A_321, %shift_right_arithmetic3A_252] masked %lt3A_250 : memref<32x1024xf32, #tpu.memory_space<vmem>>[vector<16xi32>, vector<16xi32>], vector<16xf32>, vector<16xi1>
        tpu.vector_store_idx %arg9[%add3A_257, %broadcast_in_dim3A_321], %gather3A_322 masked %lt3A_250 : memref<128x128xf32, #tpu.memory_space<vmem>>[vector<16xi32>, vector<16xi32>], vector<16xf32>, vector<16xi1>
        %broadcast_in_dim3A_323 = arith.constant 22 : i32
        %broadcast_in_dim3A_324 = vector.broadcast %broadcast_in_dim3A_323 : i32 to vector<16xi32>
        %gather3A_325 = tpu.vector_load_idx %arg7[%broadcast_in_dim3A_324, %shift_right_arithmetic3A_252] masked %lt3A_250 : memref<32x1024xf32, #tpu.memory_space<vmem>>[vector<16xi32>, vector<16xi32>], vector<16xf32>, vector<16xi1>
        tpu.vector_store_idx %arg9[%add3A_257, %broadcast_in_dim3A_324], %gather3A_325 masked %lt3A_250 : memref<128x128xf32, #tpu.memory_space<vmem>>[vector<16xi32>, vector<16xi32>], vector<16xf32>, vector<16xi1>
        %broadcast_in_dim3A_326 = arith.constant 23 : i32
        %broadcast_in_dim3A_327 = vector.broadcast %broadcast_in_dim3A_326 : i32 to vector<16xi32>
        %gather3A_328 = tpu.vector_load_idx %arg7[%broadcast_in_dim3A_327, %shift_right_arithmetic3A_252] masked %lt3A_250 : memref<32x1024xf32, #tpu.memory_space<vmem>>[vector<16xi32>, vector<16xi32>], vector<16xf32>, vector<16xi1>
        tpu.vector_store_idx %arg9[%add3A_257, %broadcast_in_dim3A_327], %gather3A_328 masked %lt3A_250 : memref<128x128xf32, #tpu.memory_space<vmem>>[vector<16xi32>, vector<16xi32>], vector<16xf32>, vector<16xi1>
        %broadcast_in_dim3A_329 = arith.constant 24 : i32
        %broadcast_in_dim3A_330 = vector.broadcast %broadcast_in_dim3A_329 : i32 to vector<16xi32>
        %gather3A_331 = tpu.vector_load_idx %arg7[%broadcast_in_dim3A_330, %shift_right_arithmetic3A_252] masked %lt3A_250 : memref<32x1024xf32, #tpu.memory_space<vmem>>[vector<16xi32>, vector<16xi32>], vector<16xf32>, vector<16xi1>
        tpu.vector_store_idx %arg9[%add3A_257, %broadcast_in_dim3A_330], %gather3A_331 masked %lt3A_250 : memref<128x128xf32, #tpu.memory_space<vmem>>[vector<16xi32>, vector<16xi32>], vector<16xf32>, vector<16xi1>
        %broadcast_in_dim3A_332 = arith.constant 25 : i32
        %broadcast_in_dim3A_333 = vector.broadcast %broadcast_in_dim3A_332 : i32 to vector<16xi32>
        %gather3A_334 = tpu.vector_load_idx %arg7[%broadcast_in_dim3A_333, %shift_right_arithmetic3A_252] masked %lt3A_250 : memref<32x1024xf32, #tpu.memory_space<vmem>>[vector<16xi32>, vector<16xi32>], vector<16xf32>, vector<16xi1>
        tpu.vector_store_idx %arg9[%add3A_257, %broadcast_in_dim3A_333], %gather3A_334 masked %lt3A_250 : memref<128x128xf32, #tpu.memory_space<vmem>>[vector<16xi32>, vector<16xi32>], vector<16xf32>, vector<16xi1>
        %broadcast_in_dim3A_335 = arith.constant 26 : i32
        %broadcast_in_dim3A_336 = vector.broadcast %broadcast_in_dim3A_335 : i32 to vector<16xi32>
        %gather3A_337 = tpu.vector_load_idx %arg7[%broadcast_in_dim3A_336, %shift_right_arithmetic3A_252] masked %lt3A_250 : memref<32x1024xf32, #tpu.memory_space<vmem>>[vector<16xi32>, vector<16xi32>], vector<16xf32>, vector<16xi1>
        tpu.vector_store_idx %arg9[%add3A_257, %broadcast_in_dim3A_336], %gather3A_337 masked %lt3A_250 : memref<128x128xf32, #tpu.memory_space<vmem>>[vector<16xi32>, vector<16xi32>], vector<16xf32>, vector<16xi1>
        %broadcast_in_dim3A_338 = arith.constant 27 : i32
        %broadcast_in_dim3A_339 = vector.broadcast %broadcast_in_dim3A_338 : i32 to vector<16xi32>
        %gather3A_340 = tpu.vector_load_idx %arg7[%broadcast_in_dim3A_339, %shift_right_arithmetic3A_252] masked %lt3A_250 : memref<32x1024xf32, #tpu.memory_space<vmem>>[vector<16xi32>, vector<16xi32>], vector<16xf32>, vector<16xi1>
        tpu.vector_store_idx %arg9[%add3A_257, %broadcast_in_dim3A_339], %gather3A_340 masked %lt3A_250 : memref<128x128xf32, #tpu.memory_space<vmem>>[vector<16xi32>, vector<16xi32>], vector<16xf32>, vector<16xi1>
        %broadcast_in_dim3A_341 = arith.constant 28 : i32
        %broadcast_in_dim3A_342 = vector.broadcast %broadcast_in_dim3A_341 : i32 to vector<16xi32>
        %gather3A_343 = tpu.vector_load_idx %arg7[%broadcast_in_dim3A_342, %shift_right_arithmetic3A_252] masked %lt3A_250 : memref<32x1024xf32, #tpu.memory_space<vmem>>[vector<16xi32>, vector<16xi32>], vector<16xf32>, vector<16xi1>
        tpu.vector_store_idx %arg9[%add3A_257, %broadcast_in_dim3A_342], %gather3A_343 masked %lt3A_250 : memref<128x128xf32, #tpu.memory_space<vmem>>[vector<16xi32>, vector<16xi32>], vector<16xf32>, vector<16xi1>
        %broadcast_in_dim3A_344 = arith.constant 29 : i32
        %broadcast_in_dim3A_345 = vector.broadcast %broadcast_in_dim3A_344 : i32 to vector<16xi32>
        %gather3A_346 = tpu.vector_load_idx %arg7[%broadcast_in_dim3A_345, %shift_right_arithmetic3A_252] masked %lt3A_250 : memref<32x1024xf32, #tpu.memory_space<vmem>>[vector<16xi32>, vector<16xi32>], vector<16xf32>, vector<16xi1>
        tpu.vector_store_idx %arg9[%add3A_257, %broadcast_in_dim3A_345], %gather3A_346 masked %lt3A_250 : memref<128x128xf32, #tpu.memory_space<vmem>>[vector<16xi32>, vector<16xi32>], vector<16xf32>, vector<16xi1>
        %broadcast_in_dim3A_347 = arith.constant 30 : i32
        %broadcast_in_dim3A_348 = vector.broadcast %broadcast_in_dim3A_347 : i32 to vector<16xi32>
        %gather3A_349 = tpu.vector_load_idx %arg7[%broadcast_in_dim3A_348, %shift_right_arithmetic3A_252] masked %lt3A_250 : memref<32x1024xf32, #tpu.memory_space<vmem>>[vector<16xi32>, vector<16xi32>], vector<16xf32>, vector<16xi1>
        tpu.vector_store_idx %arg9[%add3A_257, %broadcast_in_dim3A_348], %gather3A_349 masked %lt3A_250 : memref<128x128xf32, #tpu.memory_space<vmem>>[vector<16xi32>, vector<16xi32>], vector<16xf32>, vector<16xi1>
        %broadcast_in_dim3A_350 = arith.constant 31 : i32
        %broadcast_in_dim3A_351 = vector.broadcast %broadcast_in_dim3A_350 : i32 to vector<16xi32>
        %gather3A_352 = tpu.vector_load_idx %arg7[%broadcast_in_dim3A_351, %shift_right_arithmetic3A_252] masked %lt3A_250 : memref<32x1024xf32, #tpu.memory_space<vmem>>[vector<16xi32>, vector<16xi32>], vector<16xf32>, vector<16xi1>
        tpu.vector_store_idx %arg9[%add3A_257, %broadcast_in_dim3A_351], %gather3A_352 masked %lt3A_250 : memref<128x128xf32, #tpu.memory_space<vmem>>[vector<16xi32>, vector<16xi32>], vector<16xf32>, vector<16xi1>
        tpu.vector_store_idx %arg10[%add3A_257], %and3A_255 masked %lt3A_250 : memref<128xi32, #tpu.memory_space<vmem>>[vector<16xi32>], vector<16xi32>, vector<16xi1>
        %jit3A_353 = arith.constant 1 : i32
        %jit3A_354 = arith.constant 0 : i32
        %broadcast_in_dim3A_355 = vector.broadcast %jit3A_353 : i32 to vector<16xi32>
        %broadcast_in_dim3A_356 = vector.broadcast %jit3A_354 : i32 to vector<16xi32>
        %select_n3A_357 = arith.select %lt3A_250, %broadcast_in_dim3A_355, %broadcast_in_dim3A_356 : vector<16xi1>, vector<16xi32>
        %reduce_sum3A = arith.constant true
        %reduce_sum3A_358 = vector.broadcast %reduce_sum3A : i1 to vector<16xi1>
        %reduce_sum3A_359 = tpu.scan <sum>, %select_n3A_357 masked %reduce_sum3A_358 : vector<16xi32>, vector<16xi1> -> vector<16xi32>
        %reduce_sum3A_360 = vector.extract %reduce_sum3A_359[15] : i32 from vector<16xi32>
        %add3A_361 = arith.addi %cond3A_241, %reduce_sum3A_360 : i32
        scf.yield %add3A_361 : i32
      }
      %while3A_160 = arith.constant 1 : i32
      %while3A_161 = scf.for %while3A_233 = %while3A_157 to %while3A_153 step %while3A_160 iter_args(%while3A_234 = %while3A_159) -> (i32)  : i32 {
        %add3A_235 = arith.constant 16 : i32
        %add3A_236 = arith.addi %while3A_234, %add3A_235 : i32
        %gt3A = arith.constant 128 : i32
        %gt3A_237 = arith.cmpi sgt, %add3A_236, %gt3A : i32
        %convert_element_type3A_238 = arith.extui %gt3A_237 : i1 to i32
        %cond3A_239 = arith.constant 0 : i32
        %cond3A_240 = arith.cmpi ne, %convert_element_type3A_238, %cond3A_239 : i32
        %cond3A_241 = scf.if %cond3A_240 -> (i32) {
          %dma_start3A_362 = arith.constant 0 : i32
          %dma_start3A_363 = arith.constant 0 : i32
          %dma_start3A_364 = tpu.memref_slice %arg4[%dma_start3A_362, %dma_start3A_363] : memref<16384x128xf32, #tpu.memory_space<hbm>> -> memref<16384x128xf32, #tpu.memory_space<hbm>>
          %dma_start3A_365 = arith.constant -1 : i32
          tpu.enqueue_indirect_dma source(%arg9 : memref<128x128xf32, #tpu.memory_space<vmem>>) target(%dma_start3A_364 : memref<16384x128xf32, #tpu.memory_space<hbm>>) offsets(%arg10 : memref<128xi32, #tpu.memory_space<vmem>>) offset_filter(%dma_start3A_365) semaphore(%arg11 : memref<!tpu.dma_semaphore, #tpu.memory_space<semaphore_mem>>)
          %dma_wait3A_366 = arith.constant 0 : i32
          %dma_wait3A_367 = arith.constant 0 : i32
          %dma_wait3A_368 = tpu.memref_slice %arg4[%dma_wait3A_366, %dma_wait3A_367] : memref<16384x128xf32, #tpu.memory_space<hbm>> -> memref<16384x128xf32, #tpu.memory_space<hbm>>
          tpu.wait_indirect_dma semaphore(%arg11 : memref<!tpu.dma_semaphore, #tpu.memory_space<semaphore_mem>>) src(%arg9 : memref<128x128xf32, #tpu.memory_space<vmem>>) dst(%dma_wait3A_368 : memref<16384x128xf32, #tpu.memory_space<hbm>>)
          %swap3A_369 = arith.constant 0 : index
          %swap3A_370 = tpu.vector_load %arg10[%swap3A_369] {strides = array<i32>} : memref<128xi32, #tpu.memory_space<vmem>>, vector<16xi32>,
          tpu.vector_store %arg10[%swap3A_369], %broadcast_in_dim3A_3 {strides = array<i32>} : memref<128xi32, #tpu.memory_space<vmem>>, vector<16xi32>,
          %swap3A_371 = arith.constant 16 : index
          %swap3A_372 = tpu.vector_load %arg10[%swap3A_371] {strides = array<i32>} : memref<128xi32, #tpu.memory_space<vmem>>, vector<16xi32>,
          tpu.vector_store %arg10[%swap3A_371], %broadcast_in_dim3A_3 {strides = array<i32>} : memref<128xi32, #tpu.memory_space<vmem>>, vector<16xi32>,
          %swap3A_373 = arith.constant 32 : index
          %swap3A_374 = tpu.vector_load %arg10[%swap3A_373] {strides = array<i32>} : memref<128xi32, #tpu.memory_space<vmem>>, vector<16xi32>,
          tpu.vector_store %arg10[%swap3A_373], %broadcast_in_dim3A_3 {strides = array<i32>} : memref<128xi32, #tpu.memory_space<vmem>>, vector<16xi32>,
          %swap3A_375 = arith.constant 48 : index
          %swap3A_376 = tpu.vector_load %arg10[%swap3A_375] {strides = array<i32>} : memref<128xi32, #tpu.memory_space<vmem>>, vector<16xi32>,
          tpu.vector_store %arg10[%swap3A_375], %broadcast_in_dim3A_3 {strides = array<i32>} : memref<128xi32, #tpu.memory_space<vmem>>, vector<16xi32>,
          %swap3A_377 = arith.constant 64 : index
          %swap3A_378 = tpu.vector_load %arg10[%swap3A_377] {strides = array<i32>} : memref<128xi32, #tpu.memory_space<vmem>>, vector<16xi32>,
          tpu.vector_store %arg10[%swap3A_377], %broadcast_in_dim3A_3 {strides = array<i32>} : memref<128xi32, #tpu.memory_space<vmem>>, vector<16xi32>,
          %swap3A_379 = arith.constant 80 : index
          %swap3A_380 = tpu.vector_load %arg10[%swap3A_379] {strides = array<i32>} : memref<128xi32, #tpu.memory_space<vmem>>, vector<16xi32>,
          tpu.vector_store %arg10[%swap3A_379], %broadcast_in_dim3A_3 {strides = array<i32>} : memref<128xi32, #tpu.memory_space<vmem>>, vector<16xi32>,
          %swap3A_381 = arith.constant 96 : index
          %swap3A_382 = tpu.vector_load %arg10[%swap3A_381] {strides = array<i32>} : memref<128xi32, #tpu.memory_space<vmem>>, vector<16xi32>,
          tpu.vector_store %arg10[%swap3A_381], %broadcast_in_dim3A_3 {strides = array<i32>} : memref<128xi32, #tpu.memory_space<vmem>>, vector<16xi32>,
          %swap3A_383 = arith.constant 112 : index
          %swap3A_384 = tpu.vector_load %arg10[%swap3A_383] {strides = array<i32>} : memref<128xi32, #tpu.memory_space<vmem>>, vector<16xi32>,
          tpu.vector_store %arg10[%swap3A_383], %broadcast_in_dim3A_3 {strides = array<i32>} : memref<128xi32, #tpu.memory_space<vmem>>, vector<16xi32>,
          %cond3A_385 = arith.constant 0 : i32
          scf.yield %cond3A_385 : i32
        } else {
          scf.yield %while3A_234 : i32
        }
        %mul3A_242 = arith.constant 16 : i32
        %mul3A_243 = arith.muli %while3A_233, %mul3A_242 : i32
        %get3A = arith.index_cast %mul3A_243 : i32 to index
        %get3A_244 = tpu.vector_load %arg5[%get3A] {strides = array<i32>} : memref<16384xi32, #tpu.memory_space<vmem>>, vector<16xi32>,
        %mul3A_245 = arith.constant 16 : i32
        %mul3A_246 = arith.muli %while3A_233, %mul3A_245 : i32
        %add3A_247 = vector.broadcast %mul3A_246 : i32 to vector<16xi32>
        %add3A_248 = arith.addi %iota3A, %add3A_247 : vector<16xi32>
        %lt3A_249 = vector.broadcast %while3A_122 : i32 to vector<16xi32>
        %lt3A_250 = arith.cmpi slt, %add3A_248, %lt3A_249 : vector<16xi32>
        %shift_right_arithmetic3A = arith.constant 14 : i32
        %shift_right_arithmetic3A_251 = vector.broadcast %shift_right_arithmetic3A : i32 to vector<16xi32>
        %shift_right_arithmetic3A_252 = arith.shrsi %get3A_244, %shift_right_arithmetic3A_251 : vector<16xi32>
        %and3A_253 = arith.constant 16383 : i32
        %and3A_254 = vector.broadcast %and3A_253 : i32 to vector<16xi32>
        %and3A_255 = arith.andi %get3A_244, %and3A_254 : vector<16xi32>
        %add3A_256 = vector.broadcast %cond3A_241 : i32 to vector<16xi32>
        %add3A_257 = arith.addi %add3A_256, %iota3A : vector<16xi32>
        %broadcast_in_dim3A_258 = arith.constant 0 : i32
        %broadcast_in_dim3A_259 = vector.broadcast %broadcast_in_dim3A_258 : i32 to vector<16xi32>
        %gather3A = tpu.vector_load_idx %arg7[%broadcast_in_dim3A_259, %shift_right_arithmetic3A_252] masked %lt3A_250 : memref<32x1024xf32, #tpu.memory_space<vmem>>[vector<16xi32>, vector<16xi32>], vector<16xf32>, vector<16xi1>
        tpu.vector_store_idx %arg9[%add3A_257, %broadcast_in_dim3A_259], %gather3A masked %lt3A_250 : memref<128x128xf32, #tpu.memory_space<vmem>>[vector<16xi32>, vector<16xi32>], vector<16xf32>, vector<16xi1>
        %broadcast_in_dim3A_260 = arith.constant 1 : i32
        %broadcast_in_dim3A_261 = vector.broadcast %broadcast_in_dim3A_260 : i32 to vector<16xi32>
        %gather3A_262 = tpu.vector_load_idx %arg7[%broadcast_in_dim3A_261, %shift_right_arithmetic3A_252] masked %lt3A_250 : memref<32x1024xf32, #tpu.memory_space<vmem>>[vector<16xi32>, vector<16xi32>], vector<16xf32>, vector<16xi1>
        tpu.vector_store_idx %arg9[%add3A_257, %broadcast_in_dim3A_261], %gather3A_262 masked %lt3A_250 : memref<128x128xf32, #tpu.memory_space<vmem>>[vector<16xi32>, vector<16xi32>], vector<16xf32>, vector<16xi1>
        %broadcast_in_dim3A_263 = arith.constant 2 : i32
        %broadcast_in_dim3A_264 = vector.broadcast %broadcast_in_dim3A_263 : i32 to vector<16xi32>
        %gather3A_265 = tpu.vector_load_idx %arg7[%broadcast_in_dim3A_264, %shift_right_arithmetic3A_252] masked %lt3A_250 : memref<32x1024xf32, #tpu.memory_space<vmem>>[vector<16xi32>, vector<16xi32>], vector<16xf32>, vector<16xi1>
        tpu.vector_store_idx %arg9[%add3A_257, %broadcast_in_dim3A_264], %gather3A_265 masked %lt3A_250 : memref<128x128xf32, #tpu.memory_space<vmem>>[vector<16xi32>, vector<16xi32>], vector<16xf32>, vector<16xi1>
        %broadcast_in_dim3A_266 = arith.constant 3 : i32
        %broadcast_in_dim3A_267 = vector.broadcast %broadcast_in_dim3A_266 : i32 to vector<16xi32>
        %gather3A_268 = tpu.vector_load_idx %arg7[%broadcast_in_dim3A_267, %shift_right_arithmetic3A_252] masked %lt3A_250 : memref<32x1024xf32, #tpu.memory_space<vmem>>[vector<16xi32>, vector<16xi32>], vector<16xf32>, vector<16xi1>
        tpu.vector_store_idx %arg9[%add3A_257, %broadcast_in_dim3A_267], %gather3A_268 masked %lt3A_250 : memref<128x128xf32, #tpu.memory_space<vmem>>[vector<16xi32>, vector<16xi32>], vector<16xf32>, vector<16xi1>
        %broadcast_in_dim3A_269 = arith.constant 4 : i32
        %broadcast_in_dim3A_270 = vector.broadcast %broadcast_in_dim3A_269 : i32 to vector<16xi32>
        %gather3A_271 = tpu.vector_load_idx %arg7[%broadcast_in_dim3A_270, %shift_right_arithmetic3A_252] masked %lt3A_250 : memref<32x1024xf32, #tpu.memory_space<vmem>>[vector<16xi32>, vector<16xi32>], vector<16xf32>, vector<16xi1>
        tpu.vector_store_idx %arg9[%add3A_257, %broadcast_in_dim3A_270], %gather3A_271 masked %lt3A_250 : memref<128x128xf32, #tpu.memory_space<vmem>>[vector<16xi32>, vector<16xi32>], vector<16xf32>, vector<16xi1>
        %broadcast_in_dim3A_272 = arith.constant 5 : i32
        %broadcast_in_dim3A_273 = vector.broadcast %broadcast_in_dim3A_272 : i32 to vector<16xi32>
        %gather3A_274 = tpu.vector_load_idx %arg7[%broadcast_in_dim3A_273, %shift_right_arithmetic3A_252] masked %lt3A_250 : memref<32x1024xf32, #tpu.memory_space<vmem>>[vector<16xi32>, vector<16xi32>], vector<16xf32>, vector<16xi1>
        tpu.vector_store_idx %arg9[%add3A_257, %broadcast_in_dim3A_273], %gather3A_274 masked %lt3A_250 : memref<128x128xf32, #tpu.memory_space<vmem>>[vector<16xi32>, vector<16xi32>], vector<16xf32>, vector<16xi1>
        %broadcast_in_dim3A_275 = arith.constant 6 : i32
        %broadcast_in_dim3A_276 = vector.broadcast %broadcast_in_dim3A_275 : i32 to vector<16xi32>
        %gather3A_277 = tpu.vector_load_idx %arg7[%broadcast_in_dim3A_276, %shift_right_arithmetic3A_252] masked %lt3A_250 : memref<32x1024xf32, #tpu.memory_space<vmem>>[vector<16xi32>, vector<16xi32>], vector<16xf32>, vector<16xi1>
        tpu.vector_store_idx %arg9[%add3A_257, %broadcast_in_dim3A_276], %gather3A_277 masked %lt3A_250 : memref<128x128xf32, #tpu.memory_space<vmem>>[vector<16xi32>, vector<16xi32>], vector<16xf32>, vector<16xi1>
        %broadcast_in_dim3A_278 = arith.constant 7 : i32
        %broadcast_in_dim3A_279 = vector.broadcast %broadcast_in_dim3A_278 : i32 to vector<16xi32>
        %gather3A_280 = tpu.vector_load_idx %arg7[%broadcast_in_dim3A_279, %shift_right_arithmetic3A_252] masked %lt3A_250 : memref<32x1024xf32, #tpu.memory_space<vmem>>[vector<16xi32>, vector<16xi32>], vector<16xf32>, vector<16xi1>
        tpu.vector_store_idx %arg9[%add3A_257, %broadcast_in_dim3A_279], %gather3A_280 masked %lt3A_250 : memref<128x128xf32, #tpu.memory_space<vmem>>[vector<16xi32>, vector<16xi32>], vector<16xf32>, vector<16xi1>
        %broadcast_in_dim3A_281 = arith.constant 8 : i32
        %broadcast_in_dim3A_282 = vector.broadcast %broadcast_in_dim3A_281 : i32 to vector<16xi32>
        %gather3A_283 = tpu.vector_load_idx %arg7[%broadcast_in_dim3A_282, %shift_right_arithmetic3A_252] masked %lt3A_250 : memref<32x1024xf32, #tpu.memory_space<vmem>>[vector<16xi32>, vector<16xi32>], vector<16xf32>, vector<16xi1>
        tpu.vector_store_idx %arg9[%add3A_257, %broadcast_in_dim3A_282], %gather3A_283 masked %lt3A_250 : memref<128x128xf32, #tpu.memory_space<vmem>>[vector<16xi32>, vector<16xi32>], vector<16xf32>, vector<16xi1>
        %broadcast_in_dim3A_284 = arith.constant 9 : i32
        %broadcast_in_dim3A_285 = vector.broadcast %broadcast_in_dim3A_284 : i32 to vector<16xi32>
        %gather3A_286 = tpu.vector_load_idx %arg7[%broadcast_in_dim3A_285, %shift_right_arithmetic3A_252] masked %lt3A_250 : memref<32x1024xf32, #tpu.memory_space<vmem>>[vector<16xi32>, vector<16xi32>], vector<16xf32>, vector<16xi1>
        tpu.vector_store_idx %arg9[%add3A_257, %broadcast_in_dim3A_285], %gather3A_286 masked %lt3A_250 : memref<128x128xf32, #tpu.memory_space<vmem>>[vector<16xi32>, vector<16xi32>], vector<16xf32>, vector<16xi1>
        %broadcast_in_dim3A_287 = arith.constant 10 : i32
        %broadcast_in_dim3A_288 = vector.broadcast %broadcast_in_dim3A_287 : i32 to vector<16xi32>
        %gather3A_289 = tpu.vector_load_idx %arg7[%broadcast_in_dim3A_288, %shift_right_arithmetic3A_252] masked %lt3A_250 : memref<32x1024xf32, #tpu.memory_space<vmem>>[vector<16xi32>, vector<16xi32>], vector<16xf32>, vector<16xi1>
        tpu.vector_store_idx %arg9[%add3A_257, %broadcast_in_dim3A_288], %gather3A_289 masked %lt3A_250 : memref<128x128xf32, #tpu.memory_space<vmem>>[vector<16xi32>, vector<16xi32>], vector<16xf32>, vector<16xi1>
        %broadcast_in_dim3A_290 = arith.constant 11 : i32
        %broadcast_in_dim3A_291 = vector.broadcast %broadcast_in_dim3A_290 : i32 to vector<16xi32>
        %gather3A_292 = tpu.vector_load_idx %arg7[%broadcast_in_dim3A_291, %shift_right_arithmetic3A_252] masked %lt3A_250 : memref<32x1024xf32, #tpu.memory_space<vmem>>[vector<16xi32>, vector<16xi32>], vector<16xf32>, vector<16xi1>
        tpu.vector_store_idx %arg9[%add3A_257, %broadcast_in_dim3A_291], %gather3A_292 masked %lt3A_250 : memref<128x128xf32, #tpu.memory_space<vmem>>[vector<16xi32>, vector<16xi32>], vector<16xf32>, vector<16xi1>
        %broadcast_in_dim3A_293 = arith.constant 12 : i32
        %broadcast_in_dim3A_294 = vector.broadcast %broadcast_in_dim3A_293 : i32 to vector<16xi32>
        %gather3A_295 = tpu.vector_load_idx %arg7[%broadcast_in_dim3A_294, %shift_right_arithmetic3A_252] masked %lt3A_250 : memref<32x1024xf32, #tpu.memory_space<vmem>>[vector<16xi32>, vector<16xi32>], vector<16xf32>, vector<16xi1>
        tpu.vector_store_idx %arg9[%add3A_257, %broadcast_in_dim3A_294], %gather3A_295 masked %lt3A_250 : memref<128x128xf32, #tpu.memory_space<vmem>>[vector<16xi32>, vector<16xi32>], vector<16xf32>, vector<16xi1>
        %broadcast_in_dim3A_296 = arith.constant 13 : i32
        %broadcast_in_dim3A_297 = vector.broadcast %broadcast_in_dim3A_296 : i32 to vector<16xi32>
        %gather3A_298 = tpu.vector_load_idx %arg7[%broadcast_in_dim3A_297, %shift_right_arithmetic3A_252] masked %lt3A_250 : memref<32x1024xf32, #tpu.memory_space<vmem>>[vector<16xi32>, vector<16xi32>], vector<16xf32>, vector<16xi1>
        tpu.vector_store_idx %arg9[%add3A_257, %broadcast_in_dim3A_297], %gather3A_298 masked %lt3A_250 : memref<128x128xf32, #tpu.memory_space<vmem>>[vector<16xi32>, vector<16xi32>], vector<16xf32>, vector<16xi1>
        %broadcast_in_dim3A_299 = arith.constant 14 : i32
        %broadcast_in_dim3A_300 = vector.broadcast %broadcast_in_dim3A_299 : i32 to vector<16xi32>
        %gather3A_301 = tpu.vector_load_idx %arg7[%broadcast_in_dim3A_300, %shift_right_arithmetic3A_252] masked %lt3A_250 : memref<32x1024xf32, #tpu.memory_space<vmem>>[vector<16xi32>, vector<16xi32>], vector<16xf32>, vector<16xi1>
        tpu.vector_store_idx %arg9[%add3A_257, %broadcast_in_dim3A_300], %gather3A_301 masked %lt3A_250 : memref<128x128xf32, #tpu.memory_space<vmem>>[vector<16xi32>, vector<16xi32>], vector<16xf32>, vector<16xi1>
        %broadcast_in_dim3A_302 = arith.constant 15 : i32
        %broadcast_in_dim3A_303 = vector.broadcast %broadcast_in_dim3A_302 : i32 to vector<16xi32>
        %gather3A_304 = tpu.vector_load_idx %arg7[%broadcast_in_dim3A_303, %shift_right_arithmetic3A_252] masked %lt3A_250 : memref<32x1024xf32, #tpu.memory_space<vmem>>[vector<16xi32>, vector<16xi32>], vector<16xf32>, vector<16xi1>
        tpu.vector_store_idx %arg9[%add3A_257, %broadcast_in_dim3A_303], %gather3A_304 masked %lt3A_250 : memref<128x128xf32, #tpu.memory_space<vmem>>[vector<16xi32>, vector<16xi32>], vector<16xf32>, vector<16xi1>
        %broadcast_in_dim3A_305 = arith.constant 16 : i32
        %broadcast_in_dim3A_306 = vector.broadcast %broadcast_in_dim3A_305 : i32 to vector<16xi32>
        %gather3A_307 = tpu.vector_load_idx %arg7[%broadcast_in_dim3A_306, %shift_right_arithmetic3A_252] masked %lt3A_250 : memref<32x1024xf32, #tpu.memory_space<vmem>>[vector<16xi32>, vector<16xi32>], vector<16xf32>, vector<16xi1>
        tpu.vector_store_idx %arg9[%add3A_257, %broadcast_in_dim3A_306], %gather3A_307 masked %lt3A_250 : memref<128x128xf32, #tpu.memory_space<vmem>>[vector<16xi32>, vector<16xi32>], vector<16xf32>, vector<16xi1>
        %broadcast_in_dim3A_308 = arith.constant 17 : i32
        %broadcast_in_dim3A_309 = vector.broadcast %broadcast_in_dim3A_308 : i32 to vector<16xi32>
        %gather3A_310 = tpu.vector_load_idx %arg7[%broadcast_in_dim3A_309, %shift_right_arithmetic3A_252] masked %lt3A_250 : memref<32x1024xf32, #tpu.memory_space<vmem>>[vector<16xi32>, vector<16xi32>], vector<16xf32>, vector<16xi1>
        tpu.vector_store_idx %arg9[%add3A_257, %broadcast_in_dim3A_309], %gather3A_310 masked %lt3A_250 : memref<128x128xf32, #tpu.memory_space<vmem>>[vector<16xi32>, vector<16xi32>], vector<16xf32>, vector<16xi1>
        %broadcast_in_dim3A_311 = arith.constant 18 : i32
        %broadcast_in_dim3A_312 = vector.broadcast %broadcast_in_dim3A_311 : i32 to vector<16xi32>
        %gather3A_313 = tpu.vector_load_idx %arg7[%broadcast_in_dim3A_312, %shift_right_arithmetic3A_252] masked %lt3A_250 : memref<32x1024xf32, #tpu.memory_space<vmem>>[vector<16xi32>, vector<16xi32>], vector<16xf32>, vector<16xi1>
        tpu.vector_store_idx %arg9[%add3A_257, %broadcast_in_dim3A_312], %gather3A_313 masked %lt3A_250 : memref<128x128xf32, #tpu.memory_space<vmem>>[vector<16xi32>, vector<16xi32>], vector<16xf32>, vector<16xi1>
        %broadcast_in_dim3A_314 = arith.constant 19 : i32
        %broadcast_in_dim3A_315 = vector.broadcast %broadcast_in_dim3A_314 : i32 to vector<16xi32>
        %gather3A_316 = tpu.vector_load_idx %arg7[%broadcast_in_dim3A_315, %shift_right_arithmetic3A_252] masked %lt3A_250 : memref<32x1024xf32, #tpu.memory_space<vmem>>[vector<16xi32>, vector<16xi32>], vector<16xf32>, vector<16xi1>
        tpu.vector_store_idx %arg9[%add3A_257, %broadcast_in_dim3A_315], %gather3A_316 masked %lt3A_250 : memref<128x128xf32, #tpu.memory_space<vmem>>[vector<16xi32>, vector<16xi32>], vector<16xf32>, vector<16xi1>
        %broadcast_in_dim3A_317 = arith.constant 20 : i32
        %broadcast_in_dim3A_318 = vector.broadcast %broadcast_in_dim3A_317 : i32 to vector<16xi32>
        %gather3A_319 = tpu.vector_load_idx %arg7[%broadcast_in_dim3A_318, %shift_right_arithmetic3A_252] masked %lt3A_250 : memref<32x1024xf32, #tpu.memory_space<vmem>>[vector<16xi32>, vector<16xi32>], vector<16xf32>, vector<16xi1>
        tpu.vector_store_idx %arg9[%add3A_257, %broadcast_in_dim3A_318], %gather3A_319 masked %lt3A_250 : memref<128x128xf32, #tpu.memory_space<vmem>>[vector<16xi32>, vector<16xi32>], vector<16xf32>, vector<16xi1>
        %broadcast_in_dim3A_320 = arith.constant 21 : i32
        %broadcast_in_dim3A_321 = vector.broadcast %broadcast_in_dim3A_320 : i32 to vector<16xi32>
        %gather3A_322 = tpu.vector_load_idx %arg7[%broadcast_in_dim3A_321, %shift_right_arithmetic3A_252] masked %lt3A_250 : memref<32x1024xf32, #tpu.memory_space<vmem>>[vector<16xi32>, vector<16xi32>], vector<16xf32>, vector<16xi1>
        tpu.vector_store_idx %arg9[%add3A_257, %broadcast_in_dim3A_321], %gather3A_322 masked %lt3A_250 : memref<128x128xf32, #tpu.memory_space<vmem>>[vector<16xi32>, vector<16xi32>], vector<16xf32>, vector<16xi1>
        %broadcast_in_dim3A_323 = arith.constant 22 : i32
        %broadcast_in_dim3A_324 = vector.broadcast %broadcast_in_dim3A_323 : i32 to vector<16xi32>
        %gather3A_325 = tpu.vector_load_idx %arg7[%broadcast_in_dim3A_324, %shift_right_arithmetic3A_252] masked %lt3A_250 : memref<32x1024xf32, #tpu.memory_space<vmem>>[vector<16xi32>, vector<16xi32>], vector<16xf32>, vector<16xi1>
        tpu.vector_store_idx %arg9[%add3A_257, %broadcast_in_dim3A_324], %gather3A_325 masked %lt3A_250 : memref<128x128xf32, #tpu.memory_space<vmem>>[vector<16xi32>, vector<16xi32>], vector<16xf32>, vector<16xi1>
        %broadcast_in_dim3A_326 = arith.constant 23 : i32
        %broadcast_in_dim3A_327 = vector.broadcast %broadcast_in_dim3A_326 : i32 to vector<16xi32>
        %gather3A_328 = tpu.vector_load_idx %arg7[%broadcast_in_dim3A_327, %shift_right_arithmetic3A_252] masked %lt3A_250 : memref<32x1024xf32, #tpu.memory_space<vmem>>[vector<16xi32>, vector<16xi32>], vector<16xf32>, vector<16xi1>
        tpu.vector_store_idx %arg9[%add3A_257, %broadcast_in_dim3A_327], %gather3A_328 masked %lt3A_250 : memref<128x128xf32, #tpu.memory_space<vmem>>[vector<16xi32>, vector<16xi32>], vector<16xf32>, vector<16xi1>
        %broadcast_in_dim3A_329 = arith.constant 24 : i32
        %broadcast_in_dim3A_330 = vector.broadcast %broadcast_in_dim3A_329 : i32 to vector<16xi32>
        %gather3A_331 = tpu.vector_load_idx %arg7[%broadcast_in_dim3A_330, %shift_right_arithmetic3A_252] masked %lt3A_250 : memref<32x1024xf32, #tpu.memory_space<vmem>>[vector<16xi32>, vector<16xi32>], vector<16xf32>, vector<16xi1>
        tpu.vector_store_idx %arg9[%add3A_257, %broadcast_in_dim3A_330], %gather3A_331 masked %lt3A_250 : memref<128x128xf32, #tpu.memory_space<vmem>>[vector<16xi32>, vector<16xi32>], vector<16xf32>, vector<16xi1>
        %broadcast_in_dim3A_332 = arith.constant 25 : i32
        %broadcast_in_dim3A_333 = vector.broadcast %broadcast_in_dim3A_332 : i32 to vector<16xi32>
        %gather3A_334 = tpu.vector_load_idx %arg7[%broadcast_in_dim3A_333, %shift_right_arithmetic3A_252] masked %lt3A_250 : memref<32x1024xf32, #tpu.memory_space<vmem>>[vector<16xi32>, vector<16xi32>], vector<16xf32>, vector<16xi1>
        tpu.vector_store_idx %arg9[%add3A_257, %broadcast_in_dim3A_333], %gather3A_334 masked %lt3A_250 : memref<128x128xf32, #tpu.memory_space<vmem>>[vector<16xi32>, vector<16xi32>], vector<16xf32>, vector<16xi1>
        %broadcast_in_dim3A_335 = arith.constant 26 : i32
        %broadcast_in_dim3A_336 = vector.broadcast %broadcast_in_dim3A_335 : i32 to vector<16xi32>
        %gather3A_337 = tpu.vector_load_idx %arg7[%broadcast_in_dim3A_336, %shift_right_arithmetic3A_252] masked %lt3A_250 : memref<32x1024xf32, #tpu.memory_space<vmem>>[vector<16xi32>, vector<16xi32>], vector<16xf32>, vector<16xi1>
        tpu.vector_store_idx %arg9[%add3A_257, %broadcast_in_dim3A_336], %gather3A_337 masked %lt3A_250 : memref<128x128xf32, #tpu.memory_space<vmem>>[vector<16xi32>, vector<16xi32>], vector<16xf32>, vector<16xi1>
        %broadcast_in_dim3A_338 = arith.constant 27 : i32
        %broadcast_in_dim3A_339 = vector.broadcast %broadcast_in_dim3A_338 : i32 to vector<16xi32>
        %gather3A_340 = tpu.vector_load_idx %arg7[%broadcast_in_dim3A_339, %shift_right_arithmetic3A_252] masked %lt3A_250 : memref<32x1024xf32, #tpu.memory_space<vmem>>[vector<16xi32>, vector<16xi32>], vector<16xf32>, vector<16xi1>
        tpu.vector_store_idx %arg9[%add3A_257, %broadcast_in_dim3A_339], %gather3A_340 masked %lt3A_250 : memref<128x128xf32, #tpu.memory_space<vmem>>[vector<16xi32>, vector<16xi32>], vector<16xf32>, vector<16xi1>
        %broadcast_in_dim3A_341 = arith.constant 28 : i32
        %broadcast_in_dim3A_342 = vector.broadcast %broadcast_in_dim3A_341 : i32 to vector<16xi32>
        %gather3A_343 = tpu.vector_load_idx %arg7[%broadcast_in_dim3A_342, %shift_right_arithmetic3A_252] masked %lt3A_250 : memref<32x1024xf32, #tpu.memory_space<vmem>>[vector<16xi32>, vector<16xi32>], vector<16xf32>, vector<16xi1>
        tpu.vector_store_idx %arg9[%add3A_257, %broadcast_in_dim3A_342], %gather3A_343 masked %lt3A_250 : memref<128x128xf32, #tpu.memory_space<vmem>>[vector<16xi32>, vector<16xi32>], vector<16xf32>, vector<16xi1>
        %broadcast_in_dim3A_344 = arith.constant 29 : i32
        %broadcast_in_dim3A_345 = vector.broadcast %broadcast_in_dim3A_344 : i32 to vector<16xi32>
        %gather3A_346 = tpu.vector_load_idx %arg7[%broadcast_in_dim3A_345, %shift_right_arithmetic3A_252] masked %lt3A_250 : memref<32x1024xf32, #tpu.memory_space<vmem>>[vector<16xi32>, vector<16xi32>], vector<16xf32>, vector<16xi1>
        tpu.vector_store_idx %arg9[%add3A_257, %broadcast_in_dim3A_345], %gather3A_346 masked %lt3A_250 : memref<128x128xf32, #tpu.memory_space<vmem>>[vector<16xi32>, vector<16xi32>], vector<16xf32>, vector<16xi1>
        %broadcast_in_dim3A_347 = arith.constant 30 : i32
        %broadcast_in_dim3A_348 = vector.broadcast %broadcast_in_dim3A_347 : i32 to vector<16xi32>
        %gather3A_349 = tpu.vector_load_idx %arg7[%broadcast_in_dim3A_348, %shift_right_arithmetic3A_252] masked %lt3A_250 : memref<32x1024xf32, #tpu.memory_space<vmem>>[vector<16xi32>, vector<16xi32>], vector<16xf32>, vector<16xi1>
        tpu.vector_store_idx %arg9[%add3A_257, %broadcast_in_dim3A_348], %gather3A_349 masked %lt3A_250 : memref<128x128xf32, #tpu.memory_space<vmem>>[vector<16xi32>, vector<16xi32>], vector<16xf32>, vector<16xi1>
        %broadcast_in_dim3A_350 = arith.constant 31 : i32
        %broadcast_in_dim3A_351 = vector.broadcast %broadcast_in_dim3A_350 : i32 to vector<16xi32>
        %gather3A_352 = tpu.vector_load_idx %arg7[%broadcast_in_dim3A_351, %shift_right_arithmetic3A_252] masked %lt3A_250 : memref<32x1024xf32, #tpu.memory_space<vmem>>[vector<16xi32>, vector<16xi32>], vector<16xf32>, vector<16xi1>
        tpu.vector_store_idx %arg9[%add3A_257, %broadcast_in_dim3A_351], %gather3A_352 masked %lt3A_250 : memref<128x128xf32, #tpu.memory_space<vmem>>[vector<16xi32>, vector<16xi32>], vector<16xf32>, vector<16xi1>
        tpu.vector_store_idx %arg10[%add3A_257], %and3A_255 masked %lt3A_250 : memref<128xi32, #tpu.memory_space<vmem>>[vector<16xi32>], vector<16xi32>, vector<16xi1>
        %jit3A_353 = arith.constant 1 : i32
        %jit3A_354 = arith.constant 0 : i32
        %broadcast_in_dim3A_355 = vector.broadcast %jit3A_353 : i32 to vector<16xi32>
        %broadcast_in_dim3A_356 = vector.broadcast %jit3A_354 : i32 to vector<16xi32>
        %select_n3A_357 = arith.select %lt3A_250, %broadcast_in_dim3A_355, %broadcast_in_dim3A_356 : vector<16xi1>, vector<16xi32>
        %reduce_sum3A = arith.constant true
        %reduce_sum3A_358 = vector.broadcast %reduce_sum3A : i1 to vector<16xi1>
        %reduce_sum3A_359 = tpu.scan <sum>, %select_n3A_357 masked %reduce_sum3A_358 : vector<16xi32>, vector<16xi1> -> vector<16xi32>
        %reduce_sum3A_360 = vector.extract %reduce_sum3A_359[15] : i32 from vector<16xi32>
        %add3A_361 = arith.addi %cond3A_241, %reduce_sum3A_360 : i32
        scf.yield %add3A_361 : i32
      }
      %lt3A = arith.constant 15 : i32
      %lt3A_162 = arith.cmpi slt, %scan3A_97, %lt3A : i32
      %convert_element_type3A = arith.extui %lt3A_162 : i1 to i32
      %cond3A = arith.constant 0 : i32
      %cond3A_163 = arith.cmpi ne, %convert_element_type3A, %cond3A : i32
      scf.if %cond3A_163 {
        %add3A_233 = arith.constant 2 : i32
        %add3A_234 = arith.addi %mul3A_100, %add3A_233 : i32
        %mul3A_235 = arith.constant 1024 : i32
        %mul3A_236 = arith.muli %add3A_234, %mul3A_235 : i32
        %add3A_237 = arith.addi %mul3A_2, %mul3A_236 : i32
        %min3A_238 = arith.constant 999040 : i32
        %min3A_239 = arith.minsi %add3A_237, %min3A_238 : i32
        %multiple_of3A_240 = tpu.assume_multiple %min3A_239, 128 : i32
        %dma_start3A_241 = arith.constant 0 : i32
        %dma_start3A_242 = tpu.memref_slice %arg2[%dma_start3A_241, %multiple_of3A_240] : memref<32x1000000xf32, #tpu.memory_space<hbm>> -> memref<32x1024xf32, #tpu.memory_space<hbm>>
        %dma_start3A_243 = arith.constant 0 : i32
        %dma_start3A_244 = tpu.memref_slice %arg2[%dma_start3A_243, %multiple_of3A_240] : memref<32x1000000xf32, #tpu.memory_space<hbm>> -> memref<32x1024xf32, #tpu.memory_space<hbm>>
        tpu.enqueue_dma source(%dma_start3A_244 : memref<32x1024xf32, #tpu.memory_space<hbm>>) target(%arg7 : memref<32x1024xf32, #tpu.memory_space<vmem>>) target_semaphore(%arg12 : memref<!tpu.dma_semaphore, #tpu.memory_space<semaphore_mem>>)
      } else {
      }
      %dma_wait3A_164 = arith.constant 0 : i32
      %dma_wait3A_165 = arith.constant 0 : i32
      %dma_wait3A_166 = tpu.memref_slice %arg2[%dma_wait3A_164, %dma_wait3A_165] : memref<32x1000000xf32, #tpu.memory_space<hbm>> -> memref<32x1024xf32, #tpu.memory_space<hbm>>
      %dma_wait3A_167 = arith.constant 0 : i32
      %dma_wait3A_168 = arith.constant 0 : i32
      %dma_wait3A_169 = tpu.memref_slice %arg2[%dma_wait3A_167, %dma_wait3A_168] : memref<32x1000000xf32, #tpu.memory_space<hbm>> -> memref<32x1024xf32, #tpu.memory_space<hbm>>
      tpu.wait_dma2 semaphore(%arg13 : memref<!tpu.dma_semaphore, #tpu.memory_space<semaphore_mem>>) src(%dma_wait3A_169 : memref<32x1024xf32, #tpu.memory_space<hbm>>) dst(%arg8 : memref<32x1024xf32, #tpu.memory_space<vmem>>)
      %add3A_170 = arith.constant 1 : i32
      %add3A_171 = arith.addi %mul3A_100, %add3A_170 : i32
      %mul3A_172 = arith.constant 1024 : i32
      %mul3A_173 = arith.muli %add3A_171, %mul3A_172 : i32
      %sub3A_174 = arith.constant 999040 : i32
      %sub3A_175 = arith.subi %sub3A_174, %mul3A_2 : i32
      %min3A_176 = arith.minsi %mul3A_173, %sub3A_175 : i32
      %while3A_177 = arith.constant 0 : i32
      %while3A_178 = arith.constant 0 : i32
      %while3A_179 = arith.subi %select_n3A, %while3A_177 : i32
      %while3A_180 = arith.addi %while3A_177, %while3A_179 : i32
      %while3A_181 = arith.constant 1 : i32
      %while3A_182 = arith.divsi %while3A_179, %while3A_181 : i32
      %while3A_183 = arith.muli %while3A_182, %while3A_181 : i32
      %while3A_184 = arith.addi %while3A_177, %while3A_183 : i32
      %while3A_185 = arith.constant 1 : i32
      %while3A_186 = scf.for %while3A_233 = %while3A_177 to %while3A_184 step %while3A_185 iter_args(%while3A_234 = %while3A_178) -> (i32)  : i32 {
        %mul3A_235 = arith.constant 16 : i32
        %mul3A_236 = arith.muli %while3A_233, %mul3A_235 : i32
        %get3A = arith.index_cast %mul3A_236 : i32 to index
        %get3A_237 = tpu.vector_load %arg6[%get3A] {strides = array<i32>} : memref<16384xi32, #tpu.memory_space<vmem>>, vector<16xi32>,
        %mul3A_238 = arith.constant 16 : i32
        %mul3A_239 = arith.muli %while3A_233, %mul3A_238 : i32
        %add3A_240 = vector.broadcast %mul3A_239 : i32 to vector<16xi32>
        %add3A_241 = arith.addi %iota3A, %add3A_240 : vector<16xi32>
        %lt3A_242 = vector.broadcast %scan3A_46 : i32 to vector<16xi32>
        %lt3A_243 = arith.cmpi slt, %add3A_241, %lt3A_242 : vector<16xi32>
        %shift_right_arithmetic3A = arith.constant 14 : i32
        %shift_right_arithmetic3A_244 = vector.broadcast %shift_right_arithmetic3A : i32 to vector<16xi32>
        %shift_right_arithmetic3A_245 = arith.shrsi %get3A_237, %shift_right_arithmetic3A_244 : vector<16xi32>
        %sub3A_246 = vector.broadcast %min3A_176 : i32 to vector<16xi32>
        %sub3A_247 = arith.subi %shift_right_arithmetic3A_245, %sub3A_246 : vector<16xi32>
        %ge3A = arith.constant 0 : i32
        %ge3A_248 = vector.broadcast %ge3A : i32 to vector<16xi32>
        %ge3A_249 = arith.cmpi sge, %sub3A_247, %ge3A_248 : vector<16xi32>
        %and3A_250 = arith.andi %lt3A_243, %ge3A_249 : vector<16xi1>
        %lt3A_251 = arith.constant 1024 : i32
        %lt3A_252 = vector.broadcast %lt3A_251 : i32 to vector<16xi32>
        %lt3A_253 = arith.cmpi slt, %sub3A_247, %lt3A_252 : vector<16xi32>
        %and3A_254 = arith.andi %and3A_250, %lt3A_253 : vector<16xi1>
        %shift_left3A = arith.constant 14 : i32
        %shift_left3A_255 = vector.broadcast %shift_left3A : i32 to vector<16xi32>
        %shift_left3A_256 = arith.shli %sub3A_247, %shift_left3A_255 : vector<16xi32>
        %and3A_257 = arith.constant 16383 : i32
        %and3A_258 = vector.broadcast %and3A_257 : i32 to vector<16xi32>
        %and3A_259 = arith.andi %get3A_237, %and3A_258 : vector<16xi32>
        %or3A = arith.ori %shift_left3A_256, %and3A_259 : vector<16xi32>
        %swap3A_260 = arith.index_cast %while3A_234 : i32 to index
        %swap3A_261 = tpu.vector_load %arg5[%swap3A_260] masked %and3A_254 {strides = array<i32>} : memref<16384xi32, #tpu.memory_space<vmem>>, vector<16xi32>, vector<16xi1>
        tpu.vector_store %arg5[%swap3A_260], %or3A masked %and3A_254 {strides = array<i32>} : memref<16384xi32, #tpu.memory_space<vmem>>, vector<16xi32>, vector<16xi1>
        %jit3A_262 = arith.constant 1 : i32
        %jit3A_263 = arith.constant 0 : i32
        %broadcast_in_dim3A_264 = vector.broadcast %jit3A_262 : i32 to vector<16xi32>
        %broadcast_in_dim3A_265 = vector.broadcast %jit3A_263 : i32 to vector<16xi32>
        %select_n3A_266 = arith.select %and3A_254, %broadcast_in_dim3A_264, %broadcast_in_dim3A_265 : vector<16xi1>, vector<16xi32>
        %reduce_sum3A = arith.constant true
        %reduce_sum3A_267 = vector.broadcast %reduce_sum3A : i1 to vector<16xi1>
        %reduce_sum3A_268 = tpu.scan <sum>, %select_n3A_266 masked %reduce_sum3A_267 : vector<16xi32>, vector<16xi1> -> vector<16xi32>
        %reduce_sum3A_269 = vector.extract %reduce_sum3A_268[15] : i32 from vector<16xi32>
        %add3A_270 = arith.addi %while3A_234, %reduce_sum3A_269 : i32
        scf.yield %add3A_270 : i32
      }
      %while3A_187 = arith.constant 1 : i32
      %while3A_188 = scf.for %while3A_233 = %while3A_184 to %while3A_180 step %while3A_187 iter_args(%while3A_234 = %while3A_186) -> (i32)  : i32 {
        %mul3A_235 = arith.constant 16 : i32
        %mul3A_236 = arith.muli %while3A_233, %mul3A_235 : i32
        %get3A = arith.index_cast %mul3A_236 : i32 to index
        %get3A_237 = tpu.vector_load %arg6[%get3A] {strides = array<i32>} : memref<16384xi32, #tpu.memory_space<vmem>>, vector<16xi32>,
        %mul3A_238 = arith.constant 16 : i32
        %mul3A_239 = arith.muli %while3A_233, %mul3A_238 : i32
        %add3A_240 = vector.broadcast %mul3A_239 : i32 to vector<16xi32>
        %add3A_241 = arith.addi %iota3A, %add3A_240 : vector<16xi32>
        %lt3A_242 = vector.broadcast %scan3A_46 : i32 to vector<16xi32>
        %lt3A_243 = arith.cmpi slt, %add3A_241, %lt3A_242 : vector<16xi32>
        %shift_right_arithmetic3A = arith.constant 14 : i32
        %shift_right_arithmetic3A_244 = vector.broadcast %shift_right_arithmetic3A : i32 to vector<16xi32>
        %shift_right_arithmetic3A_245 = arith.shrsi %get3A_237, %shift_right_arithmetic3A_244 : vector<16xi32>
        %sub3A_246 = vector.broadcast %min3A_176 : i32 to vector<16xi32>
        %sub3A_247 = arith.subi %shift_right_arithmetic3A_245, %sub3A_246 : vector<16xi32>
        %ge3A = arith.constant 0 : i32
        %ge3A_248 = vector.broadcast %ge3A : i32 to vector<16xi32>
        %ge3A_249 = arith.cmpi sge, %sub3A_247, %ge3A_248 : vector<16xi32>
        %and3A_250 = arith.andi %lt3A_243, %ge3A_249 : vector<16xi1>
        %lt3A_251 = arith.constant 1024 : i32
        %lt3A_252 = vector.broadcast %lt3A_251 : i32 to vector<16xi32>
        %lt3A_253 = arith.cmpi slt, %sub3A_247, %lt3A_252 : vector<16xi32>
        %and3A_254 = arith.andi %and3A_250, %lt3A_253 : vector<16xi1>
        %shift_left3A = arith.constant 14 : i32
        %shift_left3A_255 = vector.broadcast %shift_left3A : i32 to vector<16xi32>
        %shift_left3A_256 = arith.shli %sub3A_247, %shift_left3A_255 : vector<16xi32>
        %and3A_257 = arith.constant 16383 : i32
        %and3A_258 = vector.broadcast %and3A_257 : i32 to vector<16xi32>
        %and3A_259 = arith.andi %get3A_237, %and3A_258 : vector<16xi32>
        %or3A = arith.ori %shift_left3A_256, %and3A_259 : vector<16xi32>
        %swap3A_260 = arith.index_cast %while3A_234 : i32 to index
        %swap3A_261 = tpu.vector_load %arg5[%swap3A_260] masked %and3A_254 {strides = array<i32>} : memref<16384xi32, #tpu.memory_space<vmem>>, vector<16xi32>, vector<16xi1>
        tpu.vector_store %arg5[%swap3A_260], %or3A masked %and3A_254 {strides = array<i32>} : memref<16384xi32, #tpu.memory_space<vmem>>, vector<16xi32>, vector<16xi1>
        %jit3A_262 = arith.constant 1 : i32
        %jit3A_263 = arith.constant 0 : i32
        %broadcast_in_dim3A_264 = vector.broadcast %jit3A_262 : i32 to vector<16xi32>
        %broadcast_in_dim3A_265 = vector.broadcast %jit3A_263 : i32 to vector<16xi32>
        %select_n3A_266 = arith.select %and3A_254, %broadcast_in_dim3A_264, %broadcast_in_dim3A_265 : vector<16xi1>, vector<16xi32>
        %reduce_sum3A = arith.constant true
        %reduce_sum3A_267 = vector.broadcast %reduce_sum3A : i1 to vector<16xi1>
        %reduce_sum3A_268 = tpu.scan <sum>, %select_n3A_266 masked %reduce_sum3A_267 : vector<16xi32>, vector<16xi1> -> vector<16xi32>
        %reduce_sum3A_269 = vector.extract %reduce_sum3A_268[15] : i32 from vector<16xi32>
        %add3A_270 = arith.addi %while3A_234, %reduce_sum3A_269 : i32
        scf.yield %add3A_270 : i32
      }
      %add3A_189 = arith.constant 16 : i32
      %add3A_190 = arith.addi %while3A_188, %add3A_189 : i32
      %sub3A_191 = arith.constant 1 : i32
      %sub3A_192 = arith.subi %add3A_190, %sub3A_191 : i32
      %jit3A_193 = arith.constant 16 : i32
      %div3A_194 = arith.divsi %sub3A_192, %jit3A_193 : i32
      %sign3A_195 = arith.constant 0 : i32
      %sign3A_196 = arith.cmpi sgt, %sub3A_192, %sign3A_195 : i32
      %sign3A_197 = arith.extui %sign3A_196 : i1 to i32
      %sign3A_198 = arith.constant 0 : i32
      %sign3A_199 = arith.cmpi slt, %sub3A_192, %sign3A_198 : i32
      %sign3A_200 = arith.extui %sign3A_199 : i1 to i32
      %sign3A_201 = arith.subi %sign3A_197, %sign3A_200 : i32
      %sign3A_202 = arith.constant 0 : i32
      %sign3A_203 = arith.cmpi sgt, %jit3A_193, %sign3A_202 : i32
      %sign3A_204 = arith.extui %sign3A_203 : i1 to i32
      %sign3A_205 = arith.constant 0 : i32
      %sign3A_206 = arith.cmpi slt, %jit3A_193, %sign3A_205 : i32
      %sign3A_207 = arith.extui %sign3A_206 : i1 to i32
      %sign3A_208 = arith.subi %sign3A_204, %sign3A_207 : i32
      %ne3A_209 = arith.cmpi ne, %sign3A_201, %sign3A_208 : i32
      %rem3A_210 = arith.remsi %sub3A_192, %jit3A_193 : i32
      %ne3A_211 = arith.constant 0 : i32
      %ne3A_212 = arith.cmpi ne, %rem3A_210, %ne3A_211 : i32
      %and3A_213 = arith.andi %ne3A_209, %ne3A_212 : i1
      %sub3A_214 = arith.constant 1 : i32
      %sub3A_215 = arith.subi %div3A_194, %sub3A_214 : i32
      %select_n3A_216 = arith.select %and3A_213, %sub3A_215, %div3A_194 : i32
      %while3A_217 = arith.constant 0 : i32
      %while3A_218 = arith.subi %select_n3A_216, %while3A_217 : i32
      %while3A_219 = arith.addi %while3A_217, %while3A_218 : i32
      %while3A_220 = arith.constant 1 : i32
      %while3A_221 = arith.divsi %while3A_218, %while3A_220 : i32
      %while3A_222 = arith.muli %while3A_221, %while3A_220 : i32
      %while3A_223 = arith.addi %while3A_217, %while3A_222 : i32
      %while3A_224 = arith.constant 1 : i32
      %while3A_225 = scf.for %while3A_233 = %while3A_217 to %while3A_223 step %while3A_224 iter_args(%while3A_234 = %while3A_161) -> (i32)  : i32 {
        %add3A_235 = arith.constant 16 : i32
        %add3A_236 = arith.addi %while3A_234, %add3A_235 : i32
        %gt3A = arith.constant 128 : i32
        %gt3A_237 = arith.cmpi sgt, %add3A_236, %gt3A : i32
        %convert_element_type3A_238 = arith.extui %gt3A_237 : i1 to i32
        %cond3A_239 = arith.constant 0 : i32
        %cond3A_240 = arith.cmpi ne, %convert_element_type3A_238, %cond3A_239 : i32
        %cond3A_241 = scf.if %cond3A_240 -> (i32) {
          %dma_start3A_362 = arith.constant 0 : i32
          %dma_start3A_363 = arith.constant 0 : i32
          %dma_start3A_364 = tpu.memref_slice %arg4[%dma_start3A_362, %dma_start3A_363] : memref<16384x128xf32, #tpu.memory_space<hbm>> -> memref<16384x128xf32, #tpu.memory_space<hbm>>
          %dma_start3A_365 = arith.constant -1 : i32
          tpu.enqueue_indirect_dma source(%arg9 : memref<128x128xf32, #tpu.memory_space<vmem>>) target(%dma_start3A_364 : memref<16384x128xf32, #tpu.memory_space<hbm>>) offsets(%arg10 : memref<128xi32, #tpu.memory_space<vmem>>) offset_filter(%dma_start3A_365) semaphore(%arg11 : memref<!tpu.dma_semaphore, #tpu.memory_space<semaphore_mem>>)
          %dma_wait3A_366 = arith.constant 0 : i32
          %dma_wait3A_367 = arith.constant 0 : i32
          %dma_wait3A_368 = tpu.memref_slice %arg4[%dma_wait3A_366, %dma_wait3A_367] : memref<16384x128xf32, #tpu.memory_space<hbm>> -> memref<16384x128xf32, #tpu.memory_space<hbm>>
          tpu.wait_indirect_dma semaphore(%arg11 : memref<!tpu.dma_semaphore, #tpu.memory_space<semaphore_mem>>) src(%arg9 : memref<128x128xf32, #tpu.memory_space<vmem>>) dst(%dma_wait3A_368 : memref<16384x128xf32, #tpu.memory_space<hbm>>)
          %swap3A_369 = arith.constant 0 : index
          %swap3A_370 = tpu.vector_load %arg10[%swap3A_369] {strides = array<i32>} : memref<128xi32, #tpu.memory_space<vmem>>, vector<16xi32>,
          tpu.vector_store %arg10[%swap3A_369], %broadcast_in_dim3A_3 {strides = array<i32>} : memref<128xi32, #tpu.memory_space<vmem>>, vector<16xi32>,
          %swap3A_371 = arith.constant 16 : index
          %swap3A_372 = tpu.vector_load %arg10[%swap3A_371] {strides = array<i32>} : memref<128xi32, #tpu.memory_space<vmem>>, vector<16xi32>,
          tpu.vector_store %arg10[%swap3A_371], %broadcast_in_dim3A_3 {strides = array<i32>} : memref<128xi32, #tpu.memory_space<vmem>>, vector<16xi32>,
          %swap3A_373 = arith.constant 32 : index
          %swap3A_374 = tpu.vector_load %arg10[%swap3A_373] {strides = array<i32>} : memref<128xi32, #tpu.memory_space<vmem>>, vector<16xi32>,
          tpu.vector_store %arg10[%swap3A_373], %broadcast_in_dim3A_3 {strides = array<i32>} : memref<128xi32, #tpu.memory_space<vmem>>, vector<16xi32>,
          %swap3A_375 = arith.constant 48 : index
          %swap3A_376 = tpu.vector_load %arg10[%swap3A_375] {strides = array<i32>} : memref<128xi32, #tpu.memory_space<vmem>>, vector<16xi32>,
          tpu.vector_store %arg10[%swap3A_375], %broadcast_in_dim3A_3 {strides = array<i32>} : memref<128xi32, #tpu.memory_space<vmem>>, vector<16xi32>,
          %swap3A_377 = arith.constant 64 : index
          %swap3A_378 = tpu.vector_load %arg10[%swap3A_377] {strides = array<i32>} : memref<128xi32, #tpu.memory_space<vmem>>, vector<16xi32>,
          tpu.vector_store %arg10[%swap3A_377], %broadcast_in_dim3A_3 {strides = array<i32>} : memref<128xi32, #tpu.memory_space<vmem>>, vector<16xi32>,
          %swap3A_379 = arith.constant 80 : index
          %swap3A_380 = tpu.vector_load %arg10[%swap3A_379] {strides = array<i32>} : memref<128xi32, #tpu.memory_space<vmem>>, vector<16xi32>,
          tpu.vector_store %arg10[%swap3A_379], %broadcast_in_dim3A_3 {strides = array<i32>} : memref<128xi32, #tpu.memory_space<vmem>>, vector<16xi32>,
          %swap3A_381 = arith.constant 96 : index
          %swap3A_382 = tpu.vector_load %arg10[%swap3A_381] {strides = array<i32>} : memref<128xi32, #tpu.memory_space<vmem>>, vector<16xi32>,
          tpu.vector_store %arg10[%swap3A_381], %broadcast_in_dim3A_3 {strides = array<i32>} : memref<128xi32, #tpu.memory_space<vmem>>, vector<16xi32>,
          %swap3A_383 = arith.constant 112 : index
          %swap3A_384 = tpu.vector_load %arg10[%swap3A_383] {strides = array<i32>} : memref<128xi32, #tpu.memory_space<vmem>>, vector<16xi32>,
          tpu.vector_store %arg10[%swap3A_383], %broadcast_in_dim3A_3 {strides = array<i32>} : memref<128xi32, #tpu.memory_space<vmem>>, vector<16xi32>,
          %cond3A_385 = arith.constant 0 : i32
          scf.yield %cond3A_385 : i32
        } else {
          scf.yield %while3A_234 : i32
        }
        %mul3A_242 = arith.constant 16 : i32
        %mul3A_243 = arith.muli %while3A_233, %mul3A_242 : i32
        %get3A = arith.index_cast %mul3A_243 : i32 to index
        %get3A_244 = tpu.vector_load %arg5[%get3A] {strides = array<i32>} : memref<16384xi32, #tpu.memory_space<vmem>>, vector<16xi32>,
        %mul3A_245 = arith.constant 16 : i32
        %mul3A_246 = arith.muli %while3A_233, %mul3A_245 : i32
        %add3A_247 = vector.broadcast %mul3A_246 : i32 to vector<16xi32>
        %add3A_248 = arith.addi %iota3A, %add3A_247 : vector<16xi32>
        %lt3A_249 = vector.broadcast %while3A_188 : i32 to vector<16xi32>
        %lt3A_250 = arith.cmpi slt, %add3A_248, %lt3A_249 : vector<16xi32>
        %shift_right_arithmetic3A = arith.constant 14 : i32
        %shift_right_arithmetic3A_251 = vector.broadcast %shift_right_arithmetic3A : i32 to vector<16xi32>
        %shift_right_arithmetic3A_252 = arith.shrsi %get3A_244, %shift_right_arithmetic3A_251 : vector<16xi32>
        %and3A_253 = arith.constant 16383 : i32
        %and3A_254 = vector.broadcast %and3A_253 : i32 to vector<16xi32>
        %and3A_255 = arith.andi %get3A_244, %and3A_254 : vector<16xi32>
        %add3A_256 = vector.broadcast %cond3A_241 : i32 to vector<16xi32>
        %add3A_257 = arith.addi %add3A_256, %iota3A : vector<16xi32>
        %broadcast_in_dim3A_258 = arith.constant 0 : i32
        %broadcast_in_dim3A_259 = vector.broadcast %broadcast_in_dim3A_258 : i32 to vector<16xi32>
        %gather3A = tpu.vector_load_idx %arg8[%broadcast_in_dim3A_259, %shift_right_arithmetic3A_252] masked %lt3A_250 : memref<32x1024xf32, #tpu.memory_space<vmem>>[vector<16xi32>, vector<16xi32>], vector<16xf32>, vector<16xi1>
        tpu.vector_store_idx %arg9[%add3A_257, %broadcast_in_dim3A_259], %gather3A masked %lt3A_250 : memref<128x128xf32, #tpu.memory_space<vmem>>[vector<16xi32>, vector<16xi32>], vector<16xf32>, vector<16xi1>
        %broadcast_in_dim3A_260 = arith.constant 1 : i32
        %broadcast_in_dim3A_261 = vector.broadcast %broadcast_in_dim3A_260 : i32 to vector<16xi32>
        %gather3A_262 = tpu.vector_load_idx %arg8[%broadcast_in_dim3A_261, %shift_right_arithmetic3A_252] masked %lt3A_250 : memref<32x1024xf32, #tpu.memory_space<vmem>>[vector<16xi32>, vector<16xi32>], vector<16xf32>, vector<16xi1>
        tpu.vector_store_idx %arg9[%add3A_257, %broadcast_in_dim3A_261], %gather3A_262 masked %lt3A_250 : memref<128x128xf32, #tpu.memory_space<vmem>>[vector<16xi32>, vector<16xi32>], vector<16xf32>, vector<16xi1>
        %broadcast_in_dim3A_263 = arith.constant 2 : i32
        %broadcast_in_dim3A_264 = vector.broadcast %broadcast_in_dim3A_263 : i32 to vector<16xi32>
        %gather3A_265 = tpu.vector_load_idx %arg8[%broadcast_in_dim3A_264, %shift_right_arithmetic3A_252] masked %lt3A_250 : memref<32x1024xf32, #tpu.memory_space<vmem>>[vector<16xi32>, vector<16xi32>], vector<16xf32>, vector<16xi1>
        tpu.vector_store_idx %arg9[%add3A_257, %broadcast_in_dim3A_264], %gather3A_265 masked %lt3A_250 : memref<128x128xf32, #tpu.memory_space<vmem>>[vector<16xi32>, vector<16xi32>], vector<16xf32>, vector<16xi1>
        %broadcast_in_dim3A_266 = arith.constant 3 : i32
        %broadcast_in_dim3A_267 = vector.broadcast %broadcast_in_dim3A_266 : i32 to vector<16xi32>
        %gather3A_268 = tpu.vector_load_idx %arg8[%broadcast_in_dim3A_267, %shift_right_arithmetic3A_252] masked %lt3A_250 : memref<32x1024xf32, #tpu.memory_space<vmem>>[vector<16xi32>, vector<16xi32>], vector<16xf32>, vector<16xi1>
        tpu.vector_store_idx %arg9[%add3A_257, %broadcast_in_dim3A_267], %gather3A_268 masked %lt3A_250 : memref<128x128xf32, #tpu.memory_space<vmem>>[vector<16xi32>, vector<16xi32>], vector<16xf32>, vector<16xi1>
        %broadcast_in_dim3A_269 = arith.constant 4 : i32
        %broadcast_in_dim3A_270 = vector.broadcast %broadcast_in_dim3A_269 : i32 to vector<16xi32>
        %gather3A_271 = tpu.vector_load_idx %arg8[%broadcast_in_dim3A_270, %shift_right_arithmetic3A_252] masked %lt3A_250 : memref<32x1024xf32, #tpu.memory_space<vmem>>[vector<16xi32>, vector<16xi32>], vector<16xf32>, vector<16xi1>
        tpu.vector_store_idx %arg9[%add3A_257, %broadcast_in_dim3A_270], %gather3A_271 masked %lt3A_250 : memref<128x128xf32, #tpu.memory_space<vmem>>[vector<16xi32>, vector<16xi32>], vector<16xf32>, vector<16xi1>
        %broadcast_in_dim3A_272 = arith.constant 5 : i32
        %broadcast_in_dim3A_273 = vector.broadcast %broadcast_in_dim3A_272 : i32 to vector<16xi32>
        %gather3A_274 = tpu.vector_load_idx %arg8[%broadcast_in_dim3A_273, %shift_right_arithmetic3A_252] masked %lt3A_250 : memref<32x1024xf32, #tpu.memory_space<vmem>>[vector<16xi32>, vector<16xi32>], vector<16xf32>, vector<16xi1>
        tpu.vector_store_idx %arg9[%add3A_257, %broadcast_in_dim3A_273], %gather3A_274 masked %lt3A_250 : memref<128x128xf32, #tpu.memory_space<vmem>>[vector<16xi32>, vector<16xi32>], vector<16xf32>, vector<16xi1>
        %broadcast_in_dim3A_275 = arith.constant 6 : i32
        %broadcast_in_dim3A_276 = vector.broadcast %broadcast_in_dim3A_275 : i32 to vector<16xi32>
        %gather3A_277 = tpu.vector_load_idx %arg8[%broadcast_in_dim3A_276, %shift_right_arithmetic3A_252] masked %lt3A_250 : memref<32x1024xf32, #tpu.memory_space<vmem>>[vector<16xi32>, vector<16xi32>], vector<16xf32>, vector<16xi1>
        tpu.vector_store_idx %arg9[%add3A_257, %broadcast_in_dim3A_276], %gather3A_277 masked %lt3A_250 : memref<128x128xf32, #tpu.memory_space<vmem>>[vector<16xi32>, vector<16xi32>], vector<16xf32>, vector<16xi1>
        %broadcast_in_dim3A_278 = arith.constant 7 : i32
        %broadcast_in_dim3A_279 = vector.broadcast %broadcast_in_dim3A_278 : i32 to vector<16xi32>
        %gather3A_280 = tpu.vector_load_idx %arg8[%broadcast_in_dim3A_279, %shift_right_arithmetic3A_252] masked %lt3A_250 : memref<32x1024xf32, #tpu.memory_space<vmem>>[vector<16xi32>, vector<16xi32>], vector<16xf32>, vector<16xi1>
        tpu.vector_store_idx %arg9[%add3A_257, %broadcast_in_dim3A_279], %gather3A_280 masked %lt3A_250 : memref<128x128xf32, #tpu.memory_space<vmem>>[vector<16xi32>, vector<16xi32>], vector<16xf32>, vector<16xi1>
        %broadcast_in_dim3A_281 = arith.constant 8 : i32
        %broadcast_in_dim3A_282 = vector.broadcast %broadcast_in_dim3A_281 : i32 to vector<16xi32>
        %gather3A_283 = tpu.vector_load_idx %arg8[%broadcast_in_dim3A_282, %shift_right_arithmetic3A_252] masked %lt3A_250 : memref<32x1024xf32, #tpu.memory_space<vmem>>[vector<16xi32>, vector<16xi32>], vector<16xf32>, vector<16xi1>
        tpu.vector_store_idx %arg9[%add3A_257, %broadcast_in_dim3A_282], %gather3A_283 masked %lt3A_250 : memref<128x128xf32, #tpu.memory_space<vmem>>[vector<16xi32>, vector<16xi32>], vector<16xf32>, vector<16xi1>
        %broadcast_in_dim3A_284 = arith.constant 9 : i32
        %broadcast_in_dim3A_285 = vector.broadcast %broadcast_in_dim3A_284 : i32 to vector<16xi32>
        %gather3A_286 = tpu.vector_load_idx %arg8[%broadcast_in_dim3A_285, %shift_right_arithmetic3A_252] masked %lt3A_250 : memref<32x1024xf32, #tpu.memory_space<vmem>>[vector<16xi32>, vector<16xi32>], vector<16xf32>, vector<16xi1>
        tpu.vector_store_idx %arg9[%add3A_257, %broadcast_in_dim3A_285], %gather3A_286 masked %lt3A_250 : memref<128x128xf32, #tpu.memory_space<vmem>>[vector<16xi32>, vector<16xi32>], vector<16xf32>, vector<16xi1>
        %broadcast_in_dim3A_287 = arith.constant 10 : i32
        %broadcast_in_dim3A_288 = vector.broadcast %broadcast_in_dim3A_287 : i32 to vector<16xi32>
        %gather3A_289 = tpu.vector_load_idx %arg8[%broadcast_in_dim3A_288, %shift_right_arithmetic3A_252] masked %lt3A_250 : memref<32x1024xf32, #tpu.memory_space<vmem>>[vector<16xi32>, vector<16xi32>], vector<16xf32>, vector<16xi1>
        tpu.vector_store_idx %arg9[%add3A_257, %broadcast_in_dim3A_288], %gather3A_289 masked %lt3A_250 : memref<128x128xf32, #tpu.memory_space<vmem>>[vector<16xi32>, vector<16xi32>], vector<16xf32>, vector<16xi1>
        %broadcast_in_dim3A_290 = arith.constant 11 : i32
        %broadcast_in_dim3A_291 = vector.broadcast %broadcast_in_dim3A_290 : i32 to vector<16xi32>
        %gather3A_292 = tpu.vector_load_idx %arg8[%broadcast_in_dim3A_291, %shift_right_arithmetic3A_252] masked %lt3A_250 : memref<32x1024xf32, #tpu.memory_space<vmem>>[vector<16xi32>, vector<16xi32>], vector<16xf32>, vector<16xi1>
        tpu.vector_store_idx %arg9[%add3A_257, %broadcast_in_dim3A_291], %gather3A_292 masked %lt3A_250 : memref<128x128xf32, #tpu.memory_space<vmem>>[vector<16xi32>, vector<16xi32>], vector<16xf32>, vector<16xi1>
        %broadcast_in_dim3A_293 = arith.constant 12 : i32
        %broadcast_in_dim3A_294 = vector.broadcast %broadcast_in_dim3A_293 : i32 to vector<16xi32>
        %gather3A_295 = tpu.vector_load_idx %arg8[%broadcast_in_dim3A_294, %shift_right_arithmetic3A_252] masked %lt3A_250 : memref<32x1024xf32, #tpu.memory_space<vmem>>[vector<16xi32>, vector<16xi32>], vector<16xf32>, vector<16xi1>
        tpu.vector_store_idx %arg9[%add3A_257, %broadcast_in_dim3A_294], %gather3A_295 masked %lt3A_250 : memref<128x128xf32, #tpu.memory_space<vmem>>[vector<16xi32>, vector<16xi32>], vector<16xf32>, vector<16xi1>
        %broadcast_in_dim3A_296 = arith.constant 13 : i32
        %broadcast_in_dim3A_297 = vector.broadcast %broadcast_in_dim3A_296 : i32 to vector<16xi32>
        %gather3A_298 = tpu.vector_load_idx %arg8[%broadcast_in_dim3A_297, %shift_right_arithmetic3A_252] masked %lt3A_250 : memref<32x1024xf32, #tpu.memory_space<vmem>>[vector<16xi32>, vector<16xi32>], vector<16xf32>, vector<16xi1>
        tpu.vector_store_idx %arg9[%add3A_257, %broadcast_in_dim3A_297], %gather3A_298 masked %lt3A_250 : memref<128x128xf32, #tpu.memory_space<vmem>>[vector<16xi32>, vector<16xi32>], vector<16xf32>, vector<16xi1>
        %broadcast_in_dim3A_299 = arith.constant 14 : i32
        %broadcast_in_dim3A_300 = vector.broadcast %broadcast_in_dim3A_299 : i32 to vector<16xi32>
        %gather3A_301 = tpu.vector_load_idx %arg8[%broadcast_in_dim3A_300, %shift_right_arithmetic3A_252] masked %lt3A_250 : memref<32x1024xf32, #tpu.memory_space<vmem>>[vector<16xi32>, vector<16xi32>], vector<16xf32>, vector<16xi1>
        tpu.vector_store_idx %arg9[%add3A_257, %broadcast_in_dim3A_300], %gather3A_301 masked %lt3A_250 : memref<128x128xf32, #tpu.memory_space<vmem>>[vector<16xi32>, vector<16xi32>], vector<16xf32>, vector<16xi1>
        %broadcast_in_dim3A_302 = arith.constant 15 : i32
        %broadcast_in_dim3A_303 = vector.broadcast %broadcast_in_dim3A_302 : i32 to vector<16xi32>
        %gather3A_304 = tpu.vector_load_idx %arg8[%broadcast_in_dim3A_303, %shift_right_arithmetic3A_252] masked %lt3A_250 : memref<32x1024xf32, #tpu.memory_space<vmem>>[vector<16xi32>, vector<16xi32>], vector<16xf32>, vector<16xi1>
        tpu.vector_store_idx %arg9[%add3A_257, %broadcast_in_dim3A_303], %gather3A_304 masked %lt3A_250 : memref<128x128xf32, #tpu.memory_space<vmem>>[vector<16xi32>, vector<16xi32>], vector<16xf32>, vector<16xi1>
        %broadcast_in_dim3A_305 = arith.constant 16 : i32
        %broadcast_in_dim3A_306 = vector.broadcast %broadcast_in_dim3A_305 : i32 to vector<16xi32>
        %gather3A_307 = tpu.vector_load_idx %arg8[%broadcast_in_dim3A_306, %shift_right_arithmetic3A_252] masked %lt3A_250 : memref<32x1024xf32, #tpu.memory_space<vmem>>[vector<16xi32>, vector<16xi32>], vector<16xf32>, vector<16xi1>
        tpu.vector_store_idx %arg9[%add3A_257, %broadcast_in_dim3A_306], %gather3A_307 masked %lt3A_250 : memref<128x128xf32, #tpu.memory_space<vmem>>[vector<16xi32>, vector<16xi32>], vector<16xf32>, vector<16xi1>
        %broadcast_in_dim3A_308 = arith.constant 17 : i32
        %broadcast_in_dim3A_309 = vector.broadcast %broadcast_in_dim3A_308 : i32 to vector<16xi32>
        %gather3A_310 = tpu.vector_load_idx %arg8[%broadcast_in_dim3A_309, %shift_right_arithmetic3A_252] masked %lt3A_250 : memref<32x1024xf32, #tpu.memory_space<vmem>>[vector<16xi32>, vector<16xi32>], vector<16xf32>, vector<16xi1>
        tpu.vector_store_idx %arg9[%add3A_257, %broadcast_in_dim3A_309], %gather3A_310 masked %lt3A_250 : memref<128x128xf32, #tpu.memory_space<vmem>>[vector<16xi32>, vector<16xi32>], vector<16xf32>, vector<16xi1>
        %broadcast_in_dim3A_311 = arith.constant 18 : i32
        %broadcast_in_dim3A_312 = vector.broadcast %broadcast_in_dim3A_311 : i32 to vector<16xi32>
        %gather3A_313 = tpu.vector_load_idx %arg8[%broadcast_in_dim3A_312, %shift_right_arithmetic3A_252] masked %lt3A_250 : memref<32x1024xf32, #tpu.memory_space<vmem>>[vector<16xi32>, vector<16xi32>], vector<16xf32>, vector<16xi1>
        tpu.vector_store_idx %arg9[%add3A_257, %broadcast_in_dim3A_312], %gather3A_313 masked %lt3A_250 : memref<128x128xf32, #tpu.memory_space<vmem>>[vector<16xi32>, vector<16xi32>], vector<16xf32>, vector<16xi1>
        %broadcast_in_dim3A_314 = arith.constant 19 : i32
        %broadcast_in_dim3A_315 = vector.broadcast %broadcast_in_dim3A_314 : i32 to vector<16xi32>
        %gather3A_316 = tpu.vector_load_idx %arg8[%broadcast_in_dim3A_315, %shift_right_arithmetic3A_252] masked %lt3A_250 : memref<32x1024xf32, #tpu.memory_space<vmem>>[vector<16xi32>, vector<16xi32>], vector<16xf32>, vector<16xi1>
        tpu.vector_store_idx %arg9[%add3A_257, %broadcast_in_dim3A_315], %gather3A_316 masked %lt3A_250 : memref<128x128xf32, #tpu.memory_space<vmem>>[vector<16xi32>, vector<16xi32>], vector<16xf32>, vector<16xi1>
        %broadcast_in_dim3A_317 = arith.constant 20 : i32
        %broadcast_in_dim3A_318 = vector.broadcast %broadcast_in_dim3A_317 : i32 to vector<16xi32>
        %gather3A_319 = tpu.vector_load_idx %arg8[%broadcast_in_dim3A_318, %shift_right_arithmetic3A_252] masked %lt3A_250 : memref<32x1024xf32, #tpu.memory_space<vmem>>[vector<16xi32>, vector<16xi32>], vector<16xf32>, vector<16xi1>
        tpu.vector_store_idx %arg9[%add3A_257, %broadcast_in_dim3A_318], %gather3A_319 masked %lt3A_250 : memref<128x128xf32, #tpu.memory_space<vmem>>[vector<16xi32>, vector<16xi32>], vector<16xf32>, vector<16xi1>
        %broadcast_in_dim3A_320 = arith.constant 21 : i32
        %broadcast_in_dim3A_321 = vector.broadcast %broadcast_in_dim3A_320 : i32 to vector<16xi32>
        %gather3A_322 = tpu.vector_load_idx %arg8[%broadcast_in_dim3A_321, %shift_right_arithmetic3A_252] masked %lt3A_250 : memref<32x1024xf32, #tpu.memory_space<vmem>>[vector<16xi32>, vector<16xi32>], vector<16xf32>, vector<16xi1>
        tpu.vector_store_idx %arg9[%add3A_257, %broadcast_in_dim3A_321], %gather3A_322 masked %lt3A_250 : memref<128x128xf32, #tpu.memory_space<vmem>>[vector<16xi32>, vector<16xi32>], vector<16xf32>, vector<16xi1>
        %broadcast_in_dim3A_323 = arith.constant 22 : i32
        %broadcast_in_dim3A_324 = vector.broadcast %broadcast_in_dim3A_323 : i32 to vector<16xi32>
        %gather3A_325 = tpu.vector_load_idx %arg8[%broadcast_in_dim3A_324, %shift_right_arithmetic3A_252] masked %lt3A_250 : memref<32x1024xf32, #tpu.memory_space<vmem>>[vector<16xi32>, vector<16xi32>], vector<16xf32>, vector<16xi1>
        tpu.vector_store_idx %arg9[%add3A_257, %broadcast_in_dim3A_324], %gather3A_325 masked %lt3A_250 : memref<128x128xf32, #tpu.memory_space<vmem>>[vector<16xi32>, vector<16xi32>], vector<16xf32>, vector<16xi1>
        %broadcast_in_dim3A_326 = arith.constant 23 : i32
        %broadcast_in_dim3A_327 = vector.broadcast %broadcast_in_dim3A_326 : i32 to vector<16xi32>
        %gather3A_328 = tpu.vector_load_idx %arg8[%broadcast_in_dim3A_327, %shift_right_arithmetic3A_252] masked %lt3A_250 : memref<32x1024xf32, #tpu.memory_space<vmem>>[vector<16xi32>, vector<16xi32>], vector<16xf32>, vector<16xi1>
        tpu.vector_store_idx %arg9[%add3A_257, %broadcast_in_dim3A_327], %gather3A_328 masked %lt3A_250 : memref<128x128xf32, #tpu.memory_space<vmem>>[vector<16xi32>, vector<16xi32>], vector<16xf32>, vector<16xi1>
        %broadcast_in_dim3A_329 = arith.constant 24 : i32
        %broadcast_in_dim3A_330 = vector.broadcast %broadcast_in_dim3A_329 : i32 to vector<16xi32>
        %gather3A_331 = tpu.vector_load_idx %arg8[%broadcast_in_dim3A_330, %shift_right_arithmetic3A_252] masked %lt3A_250 : memref<32x1024xf32, #tpu.memory_space<vmem>>[vector<16xi32>, vector<16xi32>], vector<16xf32>, vector<16xi1>
        tpu.vector_store_idx %arg9[%add3A_257, %broadcast_in_dim3A_330], %gather3A_331 masked %lt3A_250 : memref<128x128xf32, #tpu.memory_space<vmem>>[vector<16xi32>, vector<16xi32>], vector<16xf32>, vector<16xi1>
        %broadcast_in_dim3A_332 = arith.constant 25 : i32
        %broadcast_in_dim3A_333 = vector.broadcast %broadcast_in_dim3A_332 : i32 to vector<16xi32>
        %gather3A_334 = tpu.vector_load_idx %arg8[%broadcast_in_dim3A_333, %shift_right_arithmetic3A_252] masked %lt3A_250 : memref<32x1024xf32, #tpu.memory_space<vmem>>[vector<16xi32>, vector<16xi32>], vector<16xf32>, vector<16xi1>
        tpu.vector_store_idx %arg9[%add3A_257, %broadcast_in_dim3A_333], %gather3A_334 masked %lt3A_250 : memref<128x128xf32, #tpu.memory_space<vmem>>[vector<16xi32>, vector<16xi32>], vector<16xf32>, vector<16xi1>
        %broadcast_in_dim3A_335 = arith.constant 26 : i32
        %broadcast_in_dim3A_336 = vector.broadcast %broadcast_in_dim3A_335 : i32 to vector<16xi32>
        %gather3A_337 = tpu.vector_load_idx %arg8[%broadcast_in_dim3A_336, %shift_right_arithmetic3A_252] masked %lt3A_250 : memref<32x1024xf32, #tpu.memory_space<vmem>>[vector<16xi32>, vector<16xi32>], vector<16xf32>, vector<16xi1>
        tpu.vector_store_idx %arg9[%add3A_257, %broadcast_in_dim3A_336], %gather3A_337 masked %lt3A_250 : memref<128x128xf32, #tpu.memory_space<vmem>>[vector<16xi32>, vector<16xi32>], vector<16xf32>, vector<16xi1>
        %broadcast_in_dim3A_338 = arith.constant 27 : i32
        %broadcast_in_dim3A_339 = vector.broadcast %broadcast_in_dim3A_338 : i32 to vector<16xi32>
        %gather3A_340 = tpu.vector_load_idx %arg8[%broadcast_in_dim3A_339, %shift_right_arithmetic3A_252] masked %lt3A_250 : memref<32x1024xf32, #tpu.memory_space<vmem>>[vector<16xi32>, vector<16xi32>], vector<16xf32>, vector<16xi1>
        tpu.vector_store_idx %arg9[%add3A_257, %broadcast_in_dim3A_339], %gather3A_340 masked %lt3A_250 : memref<128x128xf32, #tpu.memory_space<vmem>>[vector<16xi32>, vector<16xi32>], vector<16xf32>, vector<16xi1>
        %broadcast_in_dim3A_341 = arith.constant 28 : i32
        %broadcast_in_dim3A_342 = vector.broadcast %broadcast_in_dim3A_341 : i32 to vector<16xi32>
        %gather3A_343 = tpu.vector_load_idx %arg8[%broadcast_in_dim3A_342, %shift_right_arithmetic3A_252] masked %lt3A_250 : memref<32x1024xf32, #tpu.memory_space<vmem>>[vector<16xi32>, vector<16xi32>], vector<16xf32>, vector<16xi1>
        tpu.vector_store_idx %arg9[%add3A_257, %broadcast_in_dim3A_342], %gather3A_343 masked %lt3A_250 : memref<128x128xf32, #tpu.memory_space<vmem>>[vector<16xi32>, vector<16xi32>], vector<16xf32>, vector<16xi1>
        %broadcast_in_dim3A_344 = arith.constant 29 : i32
        %broadcast_in_dim3A_345 = vector.broadcast %broadcast_in_dim3A_344 : i32 to vector<16xi32>
        %gather3A_346 = tpu.vector_load_idx %arg8[%broadcast_in_dim3A_345, %shift_right_arithmetic3A_252] masked %lt3A_250 : memref<32x1024xf32, #tpu.memory_space<vmem>>[vector<16xi32>, vector<16xi32>], vector<16xf32>, vector<16xi1>
        tpu.vector_store_idx %arg9[%add3A_257, %broadcast_in_dim3A_345], %gather3A_346 masked %lt3A_250 : memref<128x128xf32, #tpu.memory_space<vmem>>[vector<16xi32>, vector<16xi32>], vector<16xf32>, vector<16xi1>
        %broadcast_in_dim3A_347 = arith.constant 30 : i32
        %broadcast_in_dim3A_348 = vector.broadcast %broadcast_in_dim3A_347 : i32 to vector<16xi32>
        %gather3A_349 = tpu.vector_load_idx %arg8[%broadcast_in_dim3A_348, %shift_right_arithmetic3A_252] masked %lt3A_250 : memref<32x1024xf32, #tpu.memory_space<vmem>>[vector<16xi32>, vector<16xi32>], vector<16xf32>, vector<16xi1>
        tpu.vector_store_idx %arg9[%add3A_257, %broadcast_in_dim3A_348], %gather3A_349 masked %lt3A_250 : memref<128x128xf32, #tpu.memory_space<vmem>>[vector<16xi32>, vector<16xi32>], vector<16xf32>, vector<16xi1>
        %broadcast_in_dim3A_350 = arith.constant 31 : i32
        %broadcast_in_dim3A_351 = vector.broadcast %broadcast_in_dim3A_350 : i32 to vector<16xi32>
        %gather3A_352 = tpu.vector_load_idx %arg8[%broadcast_in_dim3A_351, %shift_right_arithmetic3A_252] masked %lt3A_250 : memref<32x1024xf32, #tpu.memory_space<vmem>>[vector<16xi32>, vector<16xi32>], vector<16xf32>, vector<16xi1>
        tpu.vector_store_idx %arg9[%add3A_257, %broadcast_in_dim3A_351], %gather3A_352 masked %lt3A_250 : memref<128x128xf32, #tpu.memory_space<vmem>>[vector<16xi32>, vector<16xi32>], vector<16xf32>, vector<16xi1>
        tpu.vector_store_idx %arg10[%add3A_257], %and3A_255 masked %lt3A_250 : memref<128xi32, #tpu.memory_space<vmem>>[vector<16xi32>], vector<16xi32>, vector<16xi1>
        %jit3A_353 = arith.constant 1 : i32
        %jit3A_354 = arith.constant 0 : i32
        %broadcast_in_dim3A_355 = vector.broadcast %jit3A_353 : i32 to vector<16xi32>
        %broadcast_in_dim3A_356 = vector.broadcast %jit3A_354 : i32 to vector<16xi32>
        %select_n3A_357 = arith.select %lt3A_250, %broadcast_in_dim3A_355, %broadcast_in_dim3A_356 : vector<16xi1>, vector<16xi32>
        %reduce_sum3A = arith.constant true
        %reduce_sum3A_358 = vector.broadcast %reduce_sum3A : i1 to vector<16xi1>
        %reduce_sum3A_359 = tpu.scan <sum>, %select_n3A_357 masked %reduce_sum3A_358 : vector<16xi32>, vector<16xi1> -> vector<16xi32>
        %reduce_sum3A_360 = vector.extract %reduce_sum3A_359[15] : i32 from vector<16xi32>
        %add3A_361 = arith.addi %cond3A_241, %reduce_sum3A_360 : i32
        scf.yield %add3A_361 : i32
      }
      %while3A_226 = arith.constant 1 : i32
      %while3A_227 = scf.for %while3A_233 = %while3A_223 to %while3A_219 step %while3A_226 iter_args(%while3A_234 = %while3A_225) -> (i32)  : i32 {
        %add3A_235 = arith.constant 16 : i32
        %add3A_236 = arith.addi %while3A_234, %add3A_235 : i32
        %gt3A = arith.constant 128 : i32
        %gt3A_237 = arith.cmpi sgt, %add3A_236, %gt3A : i32
        %convert_element_type3A_238 = arith.extui %gt3A_237 : i1 to i32
        %cond3A_239 = arith.constant 0 : i32
        %cond3A_240 = arith.cmpi ne, %convert_element_type3A_238, %cond3A_239 : i32
        %cond3A_241 = scf.if %cond3A_240 -> (i32) {
          %dma_start3A_362 = arith.constant 0 : i32
          %dma_start3A_363 = arith.constant 0 : i32
          %dma_start3A_364 = tpu.memref_slice %arg4[%dma_start3A_362, %dma_start3A_363] : memref<16384x128xf32, #tpu.memory_space<hbm>> -> memref<16384x128xf32, #tpu.memory_space<hbm>>
          %dma_start3A_365 = arith.constant -1 : i32
          tpu.enqueue_indirect_dma source(%arg9 : memref<128x128xf32, #tpu.memory_space<vmem>>) target(%dma_start3A_364 : memref<16384x128xf32, #tpu.memory_space<hbm>>) offsets(%arg10 : memref<128xi32, #tpu.memory_space<vmem>>) offset_filter(%dma_start3A_365) semaphore(%arg11 : memref<!tpu.dma_semaphore, #tpu.memory_space<semaphore_mem>>)
          %dma_wait3A_366 = arith.constant 0 : i32
          %dma_wait3A_367 = arith.constant 0 : i32
          %dma_wait3A_368 = tpu.memref_slice %arg4[%dma_wait3A_366, %dma_wait3A_367] : memref<16384x128xf32, #tpu.memory_space<hbm>> -> memref<16384x128xf32, #tpu.memory_space<hbm>>
          tpu.wait_indirect_dma semaphore(%arg11 : memref<!tpu.dma_semaphore, #tpu.memory_space<semaphore_mem>>) src(%arg9 : memref<128x128xf32, #tpu.memory_space<vmem>>) dst(%dma_wait3A_368 : memref<16384x128xf32, #tpu.memory_space<hbm>>)
          %swap3A_369 = arith.constant 0 : index
          %swap3A_370 = tpu.vector_load %arg10[%swap3A_369] {strides = array<i32>} : memref<128xi32, #tpu.memory_space<vmem>>, vector<16xi32>,
          tpu.vector_store %arg10[%swap3A_369], %broadcast_in_dim3A_3 {strides = array<i32>} : memref<128xi32, #tpu.memory_space<vmem>>, vector<16xi32>,
          %swap3A_371 = arith.constant 16 : index
          %swap3A_372 = tpu.vector_load %arg10[%swap3A_371] {strides = array<i32>} : memref<128xi32, #tpu.memory_space<vmem>>, vector<16xi32>,
          tpu.vector_store %arg10[%swap3A_371], %broadcast_in_dim3A_3 {strides = array<i32>} : memref<128xi32, #tpu.memory_space<vmem>>, vector<16xi32>,
          %swap3A_373 = arith.constant 32 : index
          %swap3A_374 = tpu.vector_load %arg10[%swap3A_373] {strides = array<i32>} : memref<128xi32, #tpu.memory_space<vmem>>, vector<16xi32>,
          tpu.vector_store %arg10[%swap3A_373], %broadcast_in_dim3A_3 {strides = array<i32>} : memref<128xi32, #tpu.memory_space<vmem>>, vector<16xi32>,
          %swap3A_375 = arith.constant 48 : index
          %swap3A_376 = tpu.vector_load %arg10[%swap3A_375] {strides = array<i32>} : memref<128xi32, #tpu.memory_space<vmem>>, vector<16xi32>,
          tpu.vector_store %arg10[%swap3A_375], %broadcast_in_dim3A_3 {strides = array<i32>} : memref<128xi32, #tpu.memory_space<vmem>>, vector<16xi32>,
          %swap3A_377 = arith.constant 64 : index
          %swap3A_378 = tpu.vector_load %arg10[%swap3A_377] {strides = array<i32>} : memref<128xi32, #tpu.memory_space<vmem>>, vector<16xi32>,
          tpu.vector_store %arg10[%swap3A_377], %broadcast_in_dim3A_3 {strides = array<i32>} : memref<128xi32, #tpu.memory_space<vmem>>, vector<16xi32>,
          %swap3A_379 = arith.constant 80 : index
          %swap3A_380 = tpu.vector_load %arg10[%swap3A_379] {strides = array<i32>} : memref<128xi32, #tpu.memory_space<vmem>>, vector<16xi32>,
          tpu.vector_store %arg10[%swap3A_379], %broadcast_in_dim3A_3 {strides = array<i32>} : memref<128xi32, #tpu.memory_space<vmem>>, vector<16xi32>,
          %swap3A_381 = arith.constant 96 : index
          %swap3A_382 = tpu.vector_load %arg10[%swap3A_381] {strides = array<i32>} : memref<128xi32, #tpu.memory_space<vmem>>, vector<16xi32>,
          tpu.vector_store %arg10[%swap3A_381], %broadcast_in_dim3A_3 {strides = array<i32>} : memref<128xi32, #tpu.memory_space<vmem>>, vector<16xi32>,
          %swap3A_383 = arith.constant 112 : index
          %swap3A_384 = tpu.vector_load %arg10[%swap3A_383] {strides = array<i32>} : memref<128xi32, #tpu.memory_space<vmem>>, vector<16xi32>,
          tpu.vector_store %arg10[%swap3A_383], %broadcast_in_dim3A_3 {strides = array<i32>} : memref<128xi32, #tpu.memory_space<vmem>>, vector<16xi32>,
          %cond3A_385 = arith.constant 0 : i32
          scf.yield %cond3A_385 : i32
        } else {
          scf.yield %while3A_234 : i32
        }
        %mul3A_242 = arith.constant 16 : i32
        %mul3A_243 = arith.muli %while3A_233, %mul3A_242 : i32
        %get3A = arith.index_cast %mul3A_243 : i32 to index
        %get3A_244 = tpu.vector_load %arg5[%get3A] {strides = array<i32>} : memref<16384xi32, #tpu.memory_space<vmem>>, vector<16xi32>,
        %mul3A_245 = arith.constant 16 : i32
        %mul3A_246 = arith.muli %while3A_233, %mul3A_245 : i32
        %add3A_247 = vector.broadcast %mul3A_246 : i32 to vector<16xi32>
        %add3A_248 = arith.addi %iota3A, %add3A_247 : vector<16xi32>
        %lt3A_249 = vector.broadcast %while3A_188 : i32 to vector<16xi32>
        %lt3A_250 = arith.cmpi slt, %add3A_248, %lt3A_249 : vector<16xi32>
        %shift_right_arithmetic3A = arith.constant 14 : i32
        %shift_right_arithmetic3A_251 = vector.broadcast %shift_right_arithmetic3A : i32 to vector<16xi32>
        %shift_right_arithmetic3A_252 = arith.shrsi %get3A_244, %shift_right_arithmetic3A_251 : vector<16xi32>
        %and3A_253 = arith.constant 16383 : i32
        %and3A_254 = vector.broadcast %and3A_253 : i32 to vector<16xi32>
        %and3A_255 = arith.andi %get3A_244, %and3A_254 : vector<16xi32>
        %add3A_256 = vector.broadcast %cond3A_241 : i32 to vector<16xi32>
        %add3A_257 = arith.addi %add3A_256, %iota3A : vector<16xi32>
        %broadcast_in_dim3A_258 = arith.constant 0 : i32
        %broadcast_in_dim3A_259 = vector.broadcast %broadcast_in_dim3A_258 : i32 to vector<16xi32>
        %gather3A = tpu.vector_load_idx %arg8[%broadcast_in_dim3A_259, %shift_right_arithmetic3A_252] masked %lt3A_250 : memref<32x1024xf32, #tpu.memory_space<vmem>>[vector<16xi32>, vector<16xi32>], vector<16xf32>, vector<16xi1>
        tpu.vector_store_idx %arg9[%add3A_257, %broadcast_in_dim3A_259], %gather3A masked %lt3A_250 : memref<128x128xf32, #tpu.memory_space<vmem>>[vector<16xi32>, vector<16xi32>], vector<16xf32>, vector<16xi1>
        %broadcast_in_dim3A_260 = arith.constant 1 : i32
        %broadcast_in_dim3A_261 = vector.broadcast %broadcast_in_dim3A_260 : i32 to vector<16xi32>
        %gather3A_262 = tpu.vector_load_idx %arg8[%broadcast_in_dim3A_261, %shift_right_arithmetic3A_252] masked %lt3A_250 : memref<32x1024xf32, #tpu.memory_space<vmem>>[vector<16xi32>, vector<16xi32>], vector<16xf32>, vector<16xi1>
        tpu.vector_store_idx %arg9[%add3A_257, %broadcast_in_dim3A_261], %gather3A_262 masked %lt3A_250 : memref<128x128xf32, #tpu.memory_space<vmem>>[vector<16xi32>, vector<16xi32>], vector<16xf32>, vector<16xi1>
        %broadcast_in_dim3A_263 = arith.constant 2 : i32
        %broadcast_in_dim3A_264 = vector.broadcast %broadcast_in_dim3A_263 : i32 to vector<16xi32>
        %gather3A_265 = tpu.vector_load_idx %arg8[%broadcast_in_dim3A_264, %shift_right_arithmetic3A_252] masked %lt3A_250 : memref<32x1024xf32, #tpu.memory_space<vmem>>[vector<16xi32>, vector<16xi32>], vector<16xf32>, vector<16xi1>
        tpu.vector_store_idx %arg9[%add3A_257, %broadcast_in_dim3A_264], %gather3A_265 masked %lt3A_250 : memref<128x128xf32, #tpu.memory_space<vmem>>[vector<16xi32>, vector<16xi32>], vector<16xf32>, vector<16xi1>
        %broadcast_in_dim3A_266 = arith.constant 3 : i32
        %broadcast_in_dim3A_267 = vector.broadcast %broadcast_in_dim3A_266 : i32 to vector<16xi32>
        %gather3A_268 = tpu.vector_load_idx %arg8[%broadcast_in_dim3A_267, %shift_right_arithmetic3A_252] masked %lt3A_250 : memref<32x1024xf32, #tpu.memory_space<vmem>>[vector<16xi32>, vector<16xi32>], vector<16xf32>, vector<16xi1>
        tpu.vector_store_idx %arg9[%add3A_257, %broadcast_in_dim3A_267], %gather3A_268 masked %lt3A_250 : memref<128x128xf32, #tpu.memory_space<vmem>>[vector<16xi32>, vector<16xi32>], vector<16xf32>, vector<16xi1>
        %broadcast_in_dim3A_269 = arith.constant 4 : i32
        %broadcast_in_dim3A_270 = vector.broadcast %broadcast_in_dim3A_269 : i32 to vector<16xi32>
        %gather3A_271 = tpu.vector_load_idx %arg8[%broadcast_in_dim3A_270, %shift_right_arithmetic3A_252] masked %lt3A_250 : memref<32x1024xf32, #tpu.memory_space<vmem>>[vector<16xi32>, vector<16xi32>], vector<16xf32>, vector<16xi1>
        tpu.vector_store_idx %arg9[%add3A_257, %broadcast_in_dim3A_270], %gather3A_271 masked %lt3A_250 : memref<128x128xf32, #tpu.memory_space<vmem>>[vector<16xi32>, vector<16xi32>], vector<16xf32>, vector<16xi1>
        %broadcast_in_dim3A_272 = arith.constant 5 : i32
        %broadcast_in_dim3A_273 = vector.broadcast %broadcast_in_dim3A_272 : i32 to vector<16xi32>
        %gather3A_274 = tpu.vector_load_idx %arg8[%broadcast_in_dim3A_273, %shift_right_arithmetic3A_252] masked %lt3A_250 : memref<32x1024xf32, #tpu.memory_space<vmem>>[vector<16xi32>, vector<16xi32>], vector<16xf32>, vector<16xi1>
        tpu.vector_store_idx %arg9[%add3A_257, %broadcast_in_dim3A_273], %gather3A_274 masked %lt3A_250 : memref<128x128xf32, #tpu.memory_space<vmem>>[vector<16xi32>, vector<16xi32>], vector<16xf32>, vector<16xi1>
        %broadcast_in_dim3A_275 = arith.constant 6 : i32
        %broadcast_in_dim3A_276 = vector.broadcast %broadcast_in_dim3A_275 : i32 to vector<16xi32>
        %gather3A_277 = tpu.vector_load_idx %arg8[%broadcast_in_dim3A_276, %shift_right_arithmetic3A_252] masked %lt3A_250 : memref<32x1024xf32, #tpu.memory_space<vmem>>[vector<16xi32>, vector<16xi32>], vector<16xf32>, vector<16xi1>
        tpu.vector_store_idx %arg9[%add3A_257, %broadcast_in_dim3A_276], %gather3A_277 masked %lt3A_250 : memref<128x128xf32, #tpu.memory_space<vmem>>[vector<16xi32>, vector<16xi32>], vector<16xf32>, vector<16xi1>
        %broadcast_in_dim3A_278 = arith.constant 7 : i32
        %broadcast_in_dim3A_279 = vector.broadcast %broadcast_in_dim3A_278 : i32 to vector<16xi32>
        %gather3A_280 = tpu.vector_load_idx %arg8[%broadcast_in_dim3A_279, %shift_right_arithmetic3A_252] masked %lt3A_250 : memref<32x1024xf32, #tpu.memory_space<vmem>>[vector<16xi32>, vector<16xi32>], vector<16xf32>, vector<16xi1>
        tpu.vector_store_idx %arg9[%add3A_257, %broadcast_in_dim3A_279], %gather3A_280 masked %lt3A_250 : memref<128x128xf32, #tpu.memory_space<vmem>>[vector<16xi32>, vector<16xi32>], vector<16xf32>, vector<16xi1>
        %broadcast_in_dim3A_281 = arith.constant 8 : i32
        %broadcast_in_dim3A_282 = vector.broadcast %broadcast_in_dim3A_281 : i32 to vector<16xi32>
        %gather3A_283 = tpu.vector_load_idx %arg8[%broadcast_in_dim3A_282, %shift_right_arithmetic3A_252] masked %lt3A_250 : memref<32x1024xf32, #tpu.memory_space<vmem>>[vector<16xi32>, vector<16xi32>], vector<16xf32>, vector<16xi1>
        tpu.vector_store_idx %arg9[%add3A_257, %broadcast_in_dim3A_282], %gather3A_283 masked %lt3A_250 : memref<128x128xf32, #tpu.memory_space<vmem>>[vector<16xi32>, vector<16xi32>], vector<16xf32>, vector<16xi1>
        %broadcast_in_dim3A_284 = arith.constant 9 : i32
        %broadcast_in_dim3A_285 = vector.broadcast %broadcast_in_dim3A_284 : i32 to vector<16xi32>
        %gather3A_286 = tpu.vector_load_idx %arg8[%broadcast_in_dim3A_285, %shift_right_arithmetic3A_252] masked %lt3A_250 : memref<32x1024xf32, #tpu.memory_space<vmem>>[vector<16xi32>, vector<16xi32>], vector<16xf32>, vector<16xi1>
        tpu.vector_store_idx %arg9[%add3A_257, %broadcast_in_dim3A_285], %gather3A_286 masked %lt3A_250 : memref<128x128xf32, #tpu.memory_space<vmem>>[vector<16xi32>, vector<16xi32>], vector<16xf32>, vector<16xi1>
        %broadcast_in_dim3A_287 = arith.constant 10 : i32
        %broadcast_in_dim3A_288 = vector.broadcast %broadcast_in_dim3A_287 : i32 to vector<16xi32>
        %gather3A_289 = tpu.vector_load_idx %arg8[%broadcast_in_dim3A_288, %shift_right_arithmetic3A_252] masked %lt3A_250 : memref<32x1024xf32, #tpu.memory_space<vmem>>[vector<16xi32>, vector<16xi32>], vector<16xf32>, vector<16xi1>
        tpu.vector_store_idx %arg9[%add3A_257, %broadcast_in_dim3A_288], %gather3A_289 masked %lt3A_250 : memref<128x128xf32, #tpu.memory_space<vmem>>[vector<16xi32>, vector<16xi32>], vector<16xf32>, vector<16xi1>
        %broadcast_in_dim3A_290 = arith.constant 11 : i32
        %broadcast_in_dim3A_291 = vector.broadcast %broadcast_in_dim3A_290 : i32 to vector<16xi32>
        %gather3A_292 = tpu.vector_load_idx %arg8[%broadcast_in_dim3A_291, %shift_right_arithmetic3A_252] masked %lt3A_250 : memref<32x1024xf32, #tpu.memory_space<vmem>>[vector<16xi32>, vector<16xi32>], vector<16xf32>, vector<16xi1>
        tpu.vector_store_idx %arg9[%add3A_257, %broadcast_in_dim3A_291], %gather3A_292 masked %lt3A_250 : memref<128x128xf32, #tpu.memory_space<vmem>>[vector<16xi32>, vector<16xi32>], vector<16xf32>, vector<16xi1>
        %broadcast_in_dim3A_293 = arith.constant 12 : i32
        %broadcast_in_dim3A_294 = vector.broadcast %broadcast_in_dim3A_293 : i32 to vector<16xi32>
        %gather3A_295 = tpu.vector_load_idx %arg8[%broadcast_in_dim3A_294, %shift_right_arithmetic3A_252] masked %lt3A_250 : memref<32x1024xf32, #tpu.memory_space<vmem>>[vector<16xi32>, vector<16xi32>], vector<16xf32>, vector<16xi1>
        tpu.vector_store_idx %arg9[%add3A_257, %broadcast_in_dim3A_294], %gather3A_295 masked %lt3A_250 : memref<128x128xf32, #tpu.memory_space<vmem>>[vector<16xi32>, vector<16xi32>], vector<16xf32>, vector<16xi1>
        %broadcast_in_dim3A_296 = arith.constant 13 : i32
        %broadcast_in_dim3A_297 = vector.broadcast %broadcast_in_dim3A_296 : i32 to vector<16xi32>
        %gather3A_298 = tpu.vector_load_idx %arg8[%broadcast_in_dim3A_297, %shift_right_arithmetic3A_252] masked %lt3A_250 : memref<32x1024xf32, #tpu.memory_space<vmem>>[vector<16xi32>, vector<16xi32>], vector<16xf32>, vector<16xi1>
        tpu.vector_store_idx %arg9[%add3A_257, %broadcast_in_dim3A_297], %gather3A_298 masked %lt3A_250 : memref<128x128xf32, #tpu.memory_space<vmem>>[vector<16xi32>, vector<16xi32>], vector<16xf32>, vector<16xi1>
        %broadcast_in_dim3A_299 = arith.constant 14 : i32
        %broadcast_in_dim3A_300 = vector.broadcast %broadcast_in_dim3A_299 : i32 to vector<16xi32>
        %gather3A_301 = tpu.vector_load_idx %arg8[%broadcast_in_dim3A_300, %shift_right_arithmetic3A_252] masked %lt3A_250 : memref<32x1024xf32, #tpu.memory_space<vmem>>[vector<16xi32>, vector<16xi32>], vector<16xf32>, vector<16xi1>
        tpu.vector_store_idx %arg9[%add3A_257, %broadcast_in_dim3A_300], %gather3A_301 masked %lt3A_250 : memref<128x128xf32, #tpu.memory_space<vmem>>[vector<16xi32>, vector<16xi32>], vector<16xf32>, vector<16xi1>
        %broadcast_in_dim3A_302 = arith.constant 15 : i32
        %broadcast_in_dim3A_303 = vector.broadcast %broadcast_in_dim3A_302 : i32 to vector<16xi32>
        %gather3A_304 = tpu.vector_load_idx %arg8[%broadcast_in_dim3A_303, %shift_right_arithmetic3A_252] masked %lt3A_250 : memref<32x1024xf32, #tpu.memory_space<vmem>>[vector<16xi32>, vector<16xi32>], vector<16xf32>, vector<16xi1>
        tpu.vector_store_idx %arg9[%add3A_257, %broadcast_in_dim3A_303], %gather3A_304 masked %lt3A_250 : memref<128x128xf32, #tpu.memory_space<vmem>>[vector<16xi32>, vector<16xi32>], vector<16xf32>, vector<16xi1>
        %broadcast_in_dim3A_305 = arith.constant 16 : i32
        %broadcast_in_dim3A_306 = vector.broadcast %broadcast_in_dim3A_305 : i32 to vector<16xi32>
        %gather3A_307 = tpu.vector_load_idx %arg8[%broadcast_in_dim3A_306, %shift_right_arithmetic3A_252] masked %lt3A_250 : memref<32x1024xf32, #tpu.memory_space<vmem>>[vector<16xi32>, vector<16xi32>], vector<16xf32>, vector<16xi1>
        tpu.vector_store_idx %arg9[%add3A_257, %broadcast_in_dim3A_306], %gather3A_307 masked %lt3A_250 : memref<128x128xf32, #tpu.memory_space<vmem>>[vector<16xi32>, vector<16xi32>], vector<16xf32>, vector<16xi1>
        %broadcast_in_dim3A_308 = arith.constant 17 : i32
        %broadcast_in_dim3A_309 = vector.broadcast %broadcast_in_dim3A_308 : i32 to vector<16xi32>
        %gather3A_310 = tpu.vector_load_idx %arg8[%broadcast_in_dim3A_309, %shift_right_arithmetic3A_252] masked %lt3A_250 : memref<32x1024xf32, #tpu.memory_space<vmem>>[vector<16xi32>, vector<16xi32>], vector<16xf32>, vector<16xi1>
        tpu.vector_store_idx %arg9[%add3A_257, %broadcast_in_dim3A_309], %gather3A_310 masked %lt3A_250 : memref<128x128xf32, #tpu.memory_space<vmem>>[vector<16xi32>, vector<16xi32>], vector<16xf32>, vector<16xi1>
        %broadcast_in_dim3A_311 = arith.constant 18 : i32
        %broadcast_in_dim3A_312 = vector.broadcast %broadcast_in_dim3A_311 : i32 to vector<16xi32>
        %gather3A_313 = tpu.vector_load_idx %arg8[%broadcast_in_dim3A_312, %shift_right_arithmetic3A_252] masked %lt3A_250 : memref<32x1024xf32, #tpu.memory_space<vmem>>[vector<16xi32>, vector<16xi32>], vector<16xf32>, vector<16xi1>
        tpu.vector_store_idx %arg9[%add3A_257, %broadcast_in_dim3A_312], %gather3A_313 masked %lt3A_250 : memref<128x128xf32, #tpu.memory_space<vmem>>[vector<16xi32>, vector<16xi32>], vector<16xf32>, vector<16xi1>
        %broadcast_in_dim3A_314 = arith.constant 19 : i32
        %broadcast_in_dim3A_315 = vector.broadcast %broadcast_in_dim3A_314 : i32 to vector<16xi32>
        %gather3A_316 = tpu.vector_load_idx %arg8[%broadcast_in_dim3A_315, %shift_right_arithmetic3A_252] masked %lt3A_250 : memref<32x1024xf32, #tpu.memory_space<vmem>>[vector<16xi32>, vector<16xi32>], vector<16xf32>, vector<16xi1>
        tpu.vector_store_idx %arg9[%add3A_257, %broadcast_in_dim3A_315], %gather3A_316 masked %lt3A_250 : memref<128x128xf32, #tpu.memory_space<vmem>>[vector<16xi32>, vector<16xi32>], vector<16xf32>, vector<16xi1>
        %broadcast_in_dim3A_317 = arith.constant 20 : i32
        %broadcast_in_dim3A_318 = vector.broadcast %broadcast_in_dim3A_317 : i32 to vector<16xi32>
        %gather3A_319 = tpu.vector_load_idx %arg8[%broadcast_in_dim3A_318, %shift_right_arithmetic3A_252] masked %lt3A_250 : memref<32x1024xf32, #tpu.memory_space<vmem>>[vector<16xi32>, vector<16xi32>], vector<16xf32>, vector<16xi1>
        tpu.vector_store_idx %arg9[%add3A_257, %broadcast_in_dim3A_318], %gather3A_319 masked %lt3A_250 : memref<128x128xf32, #tpu.memory_space<vmem>>[vector<16xi32>, vector<16xi32>], vector<16xf32>, vector<16xi1>
        %broadcast_in_dim3A_320 = arith.constant 21 : i32
        %broadcast_in_dim3A_321 = vector.broadcast %broadcast_in_dim3A_320 : i32 to vector<16xi32>
        %gather3A_322 = tpu.vector_load_idx %arg8[%broadcast_in_dim3A_321, %shift_right_arithmetic3A_252] masked %lt3A_250 : memref<32x1024xf32, #tpu.memory_space<vmem>>[vector<16xi32>, vector<16xi32>], vector<16xf32>, vector<16xi1>
        tpu.vector_store_idx %arg9[%add3A_257, %broadcast_in_dim3A_321], %gather3A_322 masked %lt3A_250 : memref<128x128xf32, #tpu.memory_space<vmem>>[vector<16xi32>, vector<16xi32>], vector<16xf32>, vector<16xi1>
        %broadcast_in_dim3A_323 = arith.constant 22 : i32
        %broadcast_in_dim3A_324 = vector.broadcast %broadcast_in_dim3A_323 : i32 to vector<16xi32>
        %gather3A_325 = tpu.vector_load_idx %arg8[%broadcast_in_dim3A_324, %shift_right_arithmetic3A_252] masked %lt3A_250 : memref<32x1024xf32, #tpu.memory_space<vmem>>[vector<16xi32>, vector<16xi32>], vector<16xf32>, vector<16xi1>
        tpu.vector_store_idx %arg9[%add3A_257, %broadcast_in_dim3A_324], %gather3A_325 masked %lt3A_250 : memref<128x128xf32, #tpu.memory_space<vmem>>[vector<16xi32>, vector<16xi32>], vector<16xf32>, vector<16xi1>
        %broadcast_in_dim3A_326 = arith.constant 23 : i32
        %broadcast_in_dim3A_327 = vector.broadcast %broadcast_in_dim3A_326 : i32 to vector<16xi32>
        %gather3A_328 = tpu.vector_load_idx %arg8[%broadcast_in_dim3A_327, %shift_right_arithmetic3A_252] masked %lt3A_250 : memref<32x1024xf32, #tpu.memory_space<vmem>>[vector<16xi32>, vector<16xi32>], vector<16xf32>, vector<16xi1>
        tpu.vector_store_idx %arg9[%add3A_257, %broadcast_in_dim3A_327], %gather3A_328 masked %lt3A_250 : memref<128x128xf32, #tpu.memory_space<vmem>>[vector<16xi32>, vector<16xi32>], vector<16xf32>, vector<16xi1>
        %broadcast_in_dim3A_329 = arith.constant 24 : i32
        %broadcast_in_dim3A_330 = vector.broadcast %broadcast_in_dim3A_329 : i32 to vector<16xi32>
        %gather3A_331 = tpu.vector_load_idx %arg8[%broadcast_in_dim3A_330, %shift_right_arithmetic3A_252] masked %lt3A_250 : memref<32x1024xf32, #tpu.memory_space<vmem>>[vector<16xi32>, vector<16xi32>], vector<16xf32>, vector<16xi1>
        tpu.vector_store_idx %arg9[%add3A_257, %broadcast_in_dim3A_330], %gather3A_331 masked %lt3A_250 : memref<128x128xf32, #tpu.memory_space<vmem>>[vector<16xi32>, vector<16xi32>], vector<16xf32>, vector<16xi1>
        %broadcast_in_dim3A_332 = arith.constant 25 : i32
        %broadcast_in_dim3A_333 = vector.broadcast %broadcast_in_dim3A_332 : i32 to vector<16xi32>
        %gather3A_334 = tpu.vector_load_idx %arg8[%broadcast_in_dim3A_333, %shift_right_arithmetic3A_252] masked %lt3A_250 : memref<32x1024xf32, #tpu.memory_space<vmem>>[vector<16xi32>, vector<16xi32>], vector<16xf32>, vector<16xi1>
        tpu.vector_store_idx %arg9[%add3A_257, %broadcast_in_dim3A_333], %gather3A_334 masked %lt3A_250 : memref<128x128xf32, #tpu.memory_space<vmem>>[vector<16xi32>, vector<16xi32>], vector<16xf32>, vector<16xi1>
        %broadcast_in_dim3A_335 = arith.constant 26 : i32
        %broadcast_in_dim3A_336 = vector.broadcast %broadcast_in_dim3A_335 : i32 to vector<16xi32>
        %gather3A_337 = tpu.vector_load_idx %arg8[%broadcast_in_dim3A_336, %shift_right_arithmetic3A_252] masked %lt3A_250 : memref<32x1024xf32, #tpu.memory_space<vmem>>[vector<16xi32>, vector<16xi32>], vector<16xf32>, vector<16xi1>
        tpu.vector_store_idx %arg9[%add3A_257, %broadcast_in_dim3A_336], %gather3A_337 masked %lt3A_250 : memref<128x128xf32, #tpu.memory_space<vmem>>[vector<16xi32>, vector<16xi32>], vector<16xf32>, vector<16xi1>
        %broadcast_in_dim3A_338 = arith.constant 27 : i32
        %broadcast_in_dim3A_339 = vector.broadcast %broadcast_in_dim3A_338 : i32 to vector<16xi32>
        %gather3A_340 = tpu.vector_load_idx %arg8[%broadcast_in_dim3A_339, %shift_right_arithmetic3A_252] masked %lt3A_250 : memref<32x1024xf32, #tpu.memory_space<vmem>>[vector<16xi32>, vector<16xi32>], vector<16xf32>, vector<16xi1>
        tpu.vector_store_idx %arg9[%add3A_257, %broadcast_in_dim3A_339], %gather3A_340 masked %lt3A_250 : memref<128x128xf32, #tpu.memory_space<vmem>>[vector<16xi32>, vector<16xi32>], vector<16xf32>, vector<16xi1>
        %broadcast_in_dim3A_341 = arith.constant 28 : i32
        %broadcast_in_dim3A_342 = vector.broadcast %broadcast_in_dim3A_341 : i32 to vector<16xi32>
        %gather3A_343 = tpu.vector_load_idx %arg8[%broadcast_in_dim3A_342, %shift_right_arithmetic3A_252] masked %lt3A_250 : memref<32x1024xf32, #tpu.memory_space<vmem>>[vector<16xi32>, vector<16xi32>], vector<16xf32>, vector<16xi1>
        tpu.vector_store_idx %arg9[%add3A_257, %broadcast_in_dim3A_342], %gather3A_343 masked %lt3A_250 : memref<128x128xf32, #tpu.memory_space<vmem>>[vector<16xi32>, vector<16xi32>], vector<16xf32>, vector<16xi1>
        %broadcast_in_dim3A_344 = arith.constant 29 : i32
        %broadcast_in_dim3A_345 = vector.broadcast %broadcast_in_dim3A_344 : i32 to vector<16xi32>
        %gather3A_346 = tpu.vector_load_idx %arg8[%broadcast_in_dim3A_345, %shift_right_arithmetic3A_252] masked %lt3A_250 : memref<32x1024xf32, #tpu.memory_space<vmem>>[vector<16xi32>, vector<16xi32>], vector<16xf32>, vector<16xi1>
        tpu.vector_store_idx %arg9[%add3A_257, %broadcast_in_dim3A_345], %gather3A_346 masked %lt3A_250 : memref<128x128xf32, #tpu.memory_space<vmem>>[vector<16xi32>, vector<16xi32>], vector<16xf32>, vector<16xi1>
        %broadcast_in_dim3A_347 = arith.constant 30 : i32
        %broadcast_in_dim3A_348 = vector.broadcast %broadcast_in_dim3A_347 : i32 to vector<16xi32>
        %gather3A_349 = tpu.vector_load_idx %arg8[%broadcast_in_dim3A_348, %shift_right_arithmetic3A_252] masked %lt3A_250 : memref<32x1024xf32, #tpu.memory_space<vmem>>[vector<16xi32>, vector<16xi32>], vector<16xf32>, vector<16xi1>
        tpu.vector_store_idx %arg9[%add3A_257, %broadcast_in_dim3A_348], %gather3A_349 masked %lt3A_250 : memref<128x128xf32, #tpu.memory_space<vmem>>[vector<16xi32>, vector<16xi32>], vector<16xf32>, vector<16xi1>
        %broadcast_in_dim3A_350 = arith.constant 31 : i32
        %broadcast_in_dim3A_351 = vector.broadcast %broadcast_in_dim3A_350 : i32 to vector<16xi32>
        %gather3A_352 = tpu.vector_load_idx %arg8[%broadcast_in_dim3A_351, %shift_right_arithmetic3A_252] masked %lt3A_250 : memref<32x1024xf32, #tpu.memory_space<vmem>>[vector<16xi32>, vector<16xi32>], vector<16xf32>, vector<16xi1>
        tpu.vector_store_idx %arg9[%add3A_257, %broadcast_in_dim3A_351], %gather3A_352 masked %lt3A_250 : memref<128x128xf32, #tpu.memory_space<vmem>>[vector<16xi32>, vector<16xi32>], vector<16xf32>, vector<16xi1>
        tpu.vector_store_idx %arg10[%add3A_257], %and3A_255 masked %lt3A_250 : memref<128xi32, #tpu.memory_space<vmem>>[vector<16xi32>], vector<16xi32>, vector<16xi1>
        %jit3A_353 = arith.constant 1 : i32
        %jit3A_354 = arith.constant 0 : i32
        %broadcast_in_dim3A_355 = vector.broadcast %jit3A_353 : i32 to vector<16xi32>
        %broadcast_in_dim3A_356 = vector.broadcast %jit3A_354 : i32 to vector<16xi32>
        %select_n3A_357 = arith.select %lt3A_250, %broadcast_in_dim3A_355, %broadcast_in_dim3A_356 : vector<16xi1>, vector<16xi32>
        %reduce_sum3A = arith.constant true
        %reduce_sum3A_358 = vector.broadcast %reduce_sum3A : i1 to vector<16xi1>
        %reduce_sum3A_359 = tpu.scan <sum>, %select_n3A_357 masked %reduce_sum3A_358 : vector<16xi32>, vector<16xi1> -> vector<16xi32>
        %reduce_sum3A_360 = vector.extract %reduce_sum3A_359[15] : i32 from vector<16xi32>
        %add3A_361 = arith.addi %cond3A_241, %reduce_sum3A_360 : i32
        scf.yield %add3A_361 : i32
      }
      %lt3A_228 = arith.constant 15 : i32
      %lt3A_229 = arith.cmpi slt, %scan3A_97, %lt3A_228 : i32
      %convert_element_type3A_230 = arith.extui %lt3A_229 : i1 to i32
      %cond3A_231 = arith.constant 0 : i32
      %cond3A_232 = arith.cmpi ne, %convert_element_type3A_230, %cond3A_231 : i32
      scf.if %cond3A_232 {
        %add3A_233 = arith.constant 3 : i32
        %add3A_234 = arith.addi %mul3A_100, %add3A_233 : i32
        %mul3A_235 = arith.constant 1024 : i32
        %mul3A_236 = arith.muli %add3A_234, %mul3A_235 : i32
        %add3A_237 = arith.addi %mul3A_2, %mul3A_236 : i32
        %min3A_238 = arith.constant 999040 : i32
        %min3A_239 = arith.minsi %add3A_237, %min3A_238 : i32
        %multiple_of3A_240 = tpu.assume_multiple %min3A_239, 128 : i32
        %dma_start3A_241 = arith.constant 0 : i32
        %dma_start3A_242 = tpu.memref_slice %arg2[%dma_start3A_241, %multiple_of3A_240] : memref<32x1000000xf32, #tpu.memory_space<hbm>> -> memref<32x1024xf32, #tpu.memory_space<hbm>>
        %dma_start3A_243 = arith.constant 0 : i32
        %dma_start3A_244 = tpu.memref_slice %arg2[%dma_start3A_243, %multiple_of3A_240] : memref<32x1000000xf32, #tpu.memory_space<hbm>> -> memref<32x1024xf32, #tpu.memory_space<hbm>>
        tpu.enqueue_dma source(%dma_start3A_244 : memref<32x1024xf32, #tpu.memory_space<hbm>>) target(%arg8 : memref<32x1024xf32, #tpu.memory_space<vmem>>) target_semaphore(%arg13 : memref<!tpu.dma_semaphore, #tpu.memory_space<semaphore_mem>>)
      } else {
      }
      scf.yield %while3A_227 : i32
    }
    %scan3A_74 = arith.constant 16 : i32
    %dma_start3A_75 = arith.constant 0 : i32
    %dma_start3A_76 = arith.constant 0 : i32
    %dma_start3A_77 = tpu.memref_slice %arg4[%dma_start3A_75, %dma_start3A_76] : memref<16384x128xf32, #tpu.memory_space<hbm>> -> memref<16384x128xf32, #tpu.memory_space<hbm>>
    %dma_start3A_78 = arith.constant -1 : i32
    tpu.enqueue_indirect_dma source(%arg9 : memref<128x128xf32, #tpu.memory_space<vmem>>) target(%dma_start3A_77 : memref<16384x128xf32, #tpu.memory_space<hbm>>) offsets(%arg10 : memref<128xi32, #tpu.memory_space<vmem>>) offset_filter(%dma_start3A_78) semaphore(%arg11 : memref<!tpu.dma_semaphore, #tpu.memory_space<semaphore_mem>>)
    %dma_wait3A = arith.constant 0 : i32
    %dma_wait3A_79 = arith.constant 0 : i32
    %dma_wait3A_80 = tpu.memref_slice %arg4[%dma_wait3A, %dma_wait3A_79] : memref<16384x128xf32, #tpu.memory_space<hbm>> -> memref<16384x128xf32, #tpu.memory_space<hbm>>
    tpu.wait_indirect_dma semaphore(%arg11 : memref<!tpu.dma_semaphore, #tpu.memory_space<semaphore_mem>>) src(%arg9 : memref<128x128xf32, #tpu.memory_space<vmem>>) dst(%dma_wait3A_80 : memref<16384x128xf32, #tpu.memory_space<hbm>>)
    %swap3A_81 = arith.constant 0 : index
    %swap3A_82 = tpu.vector_load %arg10[%swap3A_81] {strides = array<i32>} : memref<128xi32, #tpu.memory_space<vmem>>, vector<16xi32>,
    tpu.vector_store %arg10[%swap3A_81], %broadcast_in_dim3A_3 {strides = array<i32>} : memref<128xi32, #tpu.memory_space<vmem>>, vector<16xi32>,
    %swap3A_83 = arith.constant 16 : index
    %swap3A_84 = tpu.vector_load %arg10[%swap3A_83] {strides = array<i32>} : memref<128xi32, #tpu.memory_space<vmem>>, vector<16xi32>,
    tpu.vector_store %arg10[%swap3A_83], %broadcast_in_dim3A_3 {strides = array<i32>} : memref<128xi32, #tpu.memory_space<vmem>>, vector<16xi32>,
    %swap3A_85 = arith.constant 32 : index
    %swap3A_86 = tpu.vector_load %arg10[%swap3A_85] {strides = array<i32>} : memref<128xi32, #tpu.memory_space<vmem>>, vector<16xi32>,
    tpu.vector_store %arg10[%swap3A_85], %broadcast_in_dim3A_3 {strides = array<i32>} : memref<128xi32, #tpu.memory_space<vmem>>, vector<16xi32>,
    %swap3A_87 = arith.constant 48 : index
    %swap3A_88 = tpu.vector_load %arg10[%swap3A_87] {strides = array<i32>} : memref<128xi32, #tpu.memory_space<vmem>>, vector<16xi32>,
    tpu.vector_store %arg10[%swap3A_87], %broadcast_in_dim3A_3 {strides = array<i32>} : memref<128xi32, #tpu.memory_space<vmem>>, vector<16xi32>,
    %swap3A_89 = arith.constant 64 : index
    %swap3A_90 = tpu.vector_load %arg10[%swap3A_89] {strides = array<i32>} : memref<128xi32, #tpu.memory_space<vmem>>, vector<16xi32>,
    tpu.vector_store %arg10[%swap3A_89], %broadcast_in_dim3A_3 {strides = array<i32>} : memref<128xi32, #tpu.memory_space<vmem>>, vector<16xi32>,
    %swap3A_91 = arith.constant 80 : index
    %swap3A_92 = tpu.vector_load %arg10[%swap3A_91] {strides = array<i32>} : memref<128xi32, #tpu.memory_space<vmem>>, vector<16xi32>,
    tpu.vector_store %arg10[%swap3A_91], %broadcast_in_dim3A_3 {strides = array<i32>} : memref<128xi32, #tpu.memory_space<vmem>>, vector<16xi32>,
    %swap3A_93 = arith.constant 96 : index
    %swap3A_94 = tpu.vector_load %arg10[%swap3A_93] {strides = array<i32>} : memref<128xi32, #tpu.memory_space<vmem>>, vector<16xi32>,
    tpu.vector_store %arg10[%swap3A_93], %broadcast_in_dim3A_3 {strides = array<i32>} : memref<128xi32, #tpu.memory_space<vmem>>, vector<16xi32>,
    %swap3A_95 = arith.constant 112 : index
    %swap3A_96 = tpu.vector_load %arg10[%swap3A_95] {strides = array<i32>} : memref<128xi32, #tpu.memory_space<vmem>>, vector<16xi32>,
    tpu.vector_store %arg10[%swap3A_95], %broadcast_in_dim3A_3 {strides = array<i32>} : memref<128xi32, #tpu.memory_space<vmem>>, vector<16xi32>,
    return
  }
}

module attributes {stable_mosaic.version = 14 : i64} {
  func.func @_ff_body(%arg0: i32, %arg1: memref<4096x128xf32, #tpu.memory_space<vmem>>, %arg2: memref<4096x128xf32, #tpu.memory_space<vmem>>, %arg3: memref<128x64xf32, #tpu.memory_space<vmem>>, %arg4: memref<128x64xf32, #tpu.memory_space<vmem>>, %arg5: memref<1x64xf32, #tpu.memory_space<vmem>>, %arg6: memref<4096x64xf32, #tpu.memory_space<vmem>>) attributes {dimension_semantics = [#tpu.dimension_semantics<arbitrary>], iteration_bounds = array<i64: 4>, scalar_prefetch = 0 : i64, scratch_operands = 0 : i64, tpu.core_type = #tpu.core_type<tc>, window_params = [{transform_indices = @transform_0, window_bounds = array<i64: 4096, 128>}, {transform_indices = @transform_1, window_bounds = array<i64: 4096, 128>}, {pipeline_mode = #tpu.pipeline_mode<synchronous>, transform_indices = @transform_2, window_bounds = array<i64: 128, 64>}, {pipeline_mode = #tpu.pipeline_mode<synchronous>, transform_indices = @transform_3, window_bounds = array<i64: 128, 64>}, {pipeline_mode = #tpu.pipeline_mode<synchronous>, transform_indices = @transform_4, window_bounds = array<i64: 1, 64>}, {transform_indices = @transform_5, window_bounds = array<i64: 4096, 64>}]} {
    %get3A = arith.constant 0 : index
    %get3A_0 = arith.constant 0 : index
    %get3A_1 = vector.load %arg1[%get3A, %get3A_0] : memref<4096x128xf32, #tpu.memory_space<vmem>>, vector<4096x128xf32>
    %get3A_2 = arith.constant 0 : index
    %get3A_3 = arith.constant 0 : index
    %get3A_4 = vector.load %arg3[%get3A_2, %get3A_3] : memref<128x64xf32, #tpu.memory_space<vmem>>, vector<128x64xf32>
    %dot_general3A = arith.constant dense<0.000000e+00> : vector<4096x64xf32>
    %dot_general3A_5 = tpu.matmul %get3A_1, %get3A_4, %dot_general3A {dimension_numbers = #tpu.dot_dimension_numbers<[1], [0], [0], [1], [0, 0, 1, 1], [], []>, transpose_lhs_hint = false} : vector<4096x128xf32>, vector<128x64xf32>, vector<4096x64xf32> -> vector<4096x64xf32>
    %get3A_6 = arith.constant 0 : index
    %get3A_7 = arith.constant 0 : index
    %get3A_8 = vector.load %arg2[%get3A_6, %get3A_7] : memref<4096x128xf32, #tpu.memory_space<vmem>>, vector<4096x128xf32>
    %get3A_9 = arith.constant 0 : index
    %get3A_10 = arith.constant 0 : index
    %get3A_11 = vector.load %arg4[%get3A_9, %get3A_10] : memref<128x64xf32, #tpu.memory_space<vmem>>, vector<128x64xf32>
    %dot_general3A_12 = arith.constant dense<0.000000e+00> : vector<4096x64xf32>
    %dot_general3A_13 = tpu.matmul %get3A_8, %get3A_11, %dot_general3A_12 {dimension_numbers = #tpu.dot_dimension_numbers<[1], [0], [0], [1], [0, 0, 1, 1], [], []>, transpose_lhs_hint = false} : vector<4096x128xf32>, vector<128x64xf32>, vector<4096x64xf32> -> vector<4096x64xf32>
    %add3A = arith.addf %dot_general3A_5, %dot_general3A_13 : vector<4096x64xf32>
    %get3A_14 = arith.constant 0 : index
    %get3A_15 = arith.constant 0 : index
    %get3A_16 = vector.load %arg5[%get3A_14, %get3A_15] : memref<1x64xf32, #tpu.memory_space<vmem>>, vector<1x64xf32>
    %add3A_17 = vector.broadcast %get3A_16 : vector<1x64xf32> to vector<4096x64xf32>
    %add3A_18 = arith.addf %add3A, %add3A_17 : vector<4096x64xf32>
    %swap3A = arith.constant 0 : index
    %swap3A_19 = arith.constant 0 : index
    %swap3A_20 = vector.load %arg6[%swap3A, %swap3A_19] : memref<4096x64xf32, #tpu.memory_space<vmem>>, vector<4096x64xf32>
    tpu.vector_store %arg6[%swap3A, %swap3A_19], %add3A_18 {strides = array<i32>} : memref<4096x64xf32, #tpu.memory_space<vmem>>, vector<4096x64xf32>,
    return
  }
  func.func @transform_0(%arg0: i32) -> (i32, i32) {
    %c0_i32 = arith.constant 0 : i32
    %c0_i32_0 = arith.constant 0 : i32
    return %arg0, %c0_i32 : i32, i32
  }
  func.func @transform_1(%arg0: i32) -> (i32, i32) {
    %c0_i32 = arith.constant 0 : i32
    %c0_i32_0 = arith.constant 0 : i32
    return %arg0, %c0_i32 : i32, i32
  }
  func.func @transform_2(%arg0: i32) -> (i32, i32) {
    %c0_i32 = arith.constant 0 : i32
    %c0_i32_0 = arith.constant 0 : i32
    %c0_i32_1 = arith.constant 0 : i32
    return %c0_i32, %c0_i32_0 : i32, i32
  }
  func.func @transform_3(%arg0: i32) -> (i32, i32) {
    %c0_i32 = arith.constant 0 : i32
    %c0_i32_0 = arith.constant 0 : i32
    %c0_i32_1 = arith.constant 0 : i32
    return %c0_i32, %c0_i32_0 : i32, i32
  }
  func.func @transform_4(%arg0: i32) -> (i32, i32) {
    %c0_i32 = arith.constant 0 : i32
    %c0_i32_0 = arith.constant 0 : i32
    %c0_i32_1 = arith.constant 0 : i32
    return %c0_i32, %c0_i32_0 : i32, i32
  }
  func.func @transform_5(%arg0: i32) -> (i32, i32) {
    %c0_i32 = arith.constant 0 : i32
    %c0_i32_0 = arith.constant 0 : i32
    return %arg0, %c0_i32 : i32, i32
  }
}

</mosaic_0001>

<sc_bundles>
// kernel: kernel.4.cloned.1.call-start
scs
__scs_entry_jumppad:
0x0: {  	(pc) =	sbr.rel $0x88, $3  }
0x1: {  	(tag) =	ssettag $0x0;
	lr =	simm.s32 $0x1  }
0x2: {  	[smem:$0x3F9A] =	sst lr;
	_ =	strace $0xD0000000  }
0x3: {  	_ = 	snop  }
0x4: {  	_ = 	snop  }
0x5: {  	_ = 	snop  }
0x6: {  	_ = 	snop  }
0x7: {  	_ = 	snop  }
__scs_overlays_trampoline_lowered:
0x8: {  	[smem:$0x3FA9] =	sst s0  }
0x9: {  	[smem:$0x3FAA] =	sst s1  }
0xa: {  	[smem:$0x3FAB] =	sst s2  }
0xb: {  	[smem:$0x3FAC] =	sst s3  }
0xc: {  	[smem:$0x3FAD] =	sst s4  }
0xd: {  	[smem:$0x3FAE] =	sst s5  }
0xe: {  	[smem:$0x3FAF] =	sst s6  }
0xf: {  	[smem:$0x3FB0] =	sst s7  }
0x10: {  	[smem:$0x3FB1] =	sst s8  }
0x11: {  	[smem:$0x3FB2] =	sst s9;
	s0 =	simm.s32 @!p0 $0x0  }
0x12: {  	s1 =	sld [smem:$0x3F98];
	s0 =	simm.s32 @p0 $0x1  }
0x13: {  	[smem:$0x3FB3] =	sst s0;
	s0 =	simm.s32 @!p1 $0x0  }
0x14: {  	s2 =	sld [smem:$0x3F97];
	s0 =	simm.s32 @p1 $0x1  }
0x15: {  	[smem:$0x3FB4] =	sst s0;
	s0 =	simm.s32 @!p2 $0x0  }
0x16: {  	s3 =	sld [smem:$0x3FDB];
	s0 =	simm.s32 @p2 $0x1  }
0x17: {  	s4 =	simm.s32 $0x1BF5;
	[smem:$0x3FB6] =	sst s0  }
0x18: {  	s0 =	sld [smem:$0x3F99];
	_ =	swait.ge [sflag:s4], $0x0  }
0x19: {  	s7 =	sld [smem:$0x3F9A]  }
0x1a: {  	s8 =	sadd.s32 $0xFFFFE003, lr  }
0x1b: {  	s9 =	sadd.s32 $0xFFFFFEF7, lr;
	s5 =	simm.s32 $0xFFFFFFFF;
	p2 =	slt.u32 s8, $0xFFFFF086  }
0x1c: {  	p1 =	slt.u32 s9, $0xF7A;
	s5 =	simm.s32 @!p2 $0x0  }
0x1d: {  	s5 =	simm.s32 @p1 $0x1;
	p0 =	seq.s32 s7, s2  }
0x1e: {  	s7 =	smul.u32 @!p0 $0xF7A, s2;
	p2 =	seq.s32 @!p0 s5, $0x0  }
0x1f: {  	s9 =	smul.u32 $0xF7A, s1;
	s8 =	simm.s32 @!p0 $0x1BF5;
	p2 =	por !p2, p0  }
0x20: {  	[sflag:s8] =	ssyncset.s32 @!p0 $0xFFFFF086;
	s6 =	sadd.s32 @!p0 s3, s7;
	s7 =	simm.s32 @!p0 $0x108  }
0x21: {  	s3 =	sadd.s32 s3, s9;
	s6 =	sadd.s32 @!p0 $0x88, s6;
	s7 =	simm.s32 @p2 $0x1082  }
0x22: {  	[simem:s7], [sflag:s8] =	dma.local @!p0 [hbm:s6], $0xF7A  }
0x23: {  	s9 =	sor.u32 $0xD0000000, s2;
	s6 =	simm.s32 $0x108;
	_ =	swait.ge @!p0 [sflag:s8], $0x0  }
0x24: {  	s3 =	sadd.s32 $0x88, s3;
	s6 =	simm.s32 @!p1 $0x1082;
	[sflag:s4] =	ssyncset.s32 $0xFFFFF086  }
0x25: {  	[simem:s6], [sflag:s4] =	dma.local [hbm:s3], $0xF7A  }
0x26: {  	[smem:$0x3F9A] =	sst s1;
	(tag) =	ssettag s2;
	_ =	strace s9  }
0x27: {  	s1 =	sld [smem:$0x3FAA]  }
0x28: {  	s2 =	sld [smem:$0x3FAB]  }
0x29: {  	s4 =	sld [smem:$0x3FAD]  }
0x2a: {  	p0 =	seq.s32 s5, $0x0;
	s5 =	sld [smem:$0x3FAE]  }
0x2b: {  	s6 =	sld [smem:$0x3FAF]  }
0x2c: {  	s7 =	sld [smem:$0x3FB0]  }
0x2d: {  	s3 =	simm.s32 $0x108;
	s8 =	sld [smem:$0x3FB1]  }
0x2e: {  	s3 =	simm.s32 @!p0 $0x1082;
	s9 =	sld [smem:$0x3FB2]  }
0x2f: {  	lr =	sadd.s32 s0, s3;
	s0 =	sld [smem:$0x3FA9]  }
0x30: {  	s3 =	sld [smem:$0x3FAC]  }
0x31: {  	[smem:$0x3FB5] =	sst s10  }
0x32: {  	s10 =	sld [smem:$0x3FB3];
	_ =	sdelay $0x3  }
0x33: {  	p0 =	seq.s32 s10, $0x1;
	s10 =	sld [smem:$0x3FB5];
	_ =	sdelay $0x3  }
0x34: {  	[smem:$0x3FB5] =	sst s10  }
0x35: {  	s10 =	sld [smem:$0x3FB4];
	_ =	sdelay $0x3  }
0x36: {  	p1 =	seq.s32 s10, $0x1;
	s10 =	sld [smem:$0x3FB5];
	_ =	sdelay $0x3  }
0x37: {  	[smem:$0x3FB5] =	sst s10  }
0x38: {  	s10 =	sld [smem:$0x3FB6]  }
0x39: {  	_ = 	snop;
	(pc) =	sbr.ind lr, $3  }
0x3a: {  	_ = 	snop  }
0x3b: {  	_ = 	snop  }
0x3c: {  	p2 =	seq.s32 s10, $0x1;
	s10 =	sld [smem:$0x3FB5]  }
0x3d: {  	_ =	shalt  }
0x3e: {  	_ =	shalt  }
0x3f: {  	_ =	shalt  }
0x40: {  	_ =	shalt  }
0x41: {  	_ =	shalt  }
0x42: {  	_ =	shalt  }
0x43: {  	_ =	shalt  }
0x44: {  	_ =	shalt  }
0x45: {  	_ =	shalt  }
0x46: {  	_ =	shalt  }
0x47: {  	_ =	shalt  }
0x48: {  	_ =	shalt  }
0x49: {  	_ =	shalt  }
0x4a: {  	_ =	shalt  }
0x4b: {  	_ =	shalt  }
0x4c: {  	_ =	shalt  }
0x4d: {  	_ =	shalt  }
0x4e: {  	_ =	shalt  }
0x4f: {  	_ =	shalt  }
0x50: {  	_ =	shalt  }
0x51: {  	_ =	shalt  }
0x52: {  	_ =	shalt  }
0x53: {  	_ =	shalt  }
0x54: {  	_ =	shalt  }
0x55: {  	_ =	shalt  }
0x56: {  	_ =	shalt  }
0x57: {  	_ =	shalt  }
0x58: {  	_ =	shalt  }
0x59: {  	_ =	shalt  }
0x5a: {  	_ =	shalt  }
0x5b: {  	_ =	shalt  }
0x5c: {  	_ =	shalt  }
0x5d: {  	_ =	shalt  }
0x5e: {  	_ =	shalt  }
0x5f: {  	_ =	shalt  }
0x60: {  	_ =	shalt  }
0x61: {  	_ =	shalt  }
0x62: {  	_ =	shalt  }
0x63: {  	_ =	shalt  }
0x64: {  	_ =	shalt  }
0x65: {  	_ =	shalt  }
0x66: {  	_ =	shalt  }
0x67: {  	_ =	shalt  }
0x68: {  	_ =	shalt  }
0x69: {  	_ =	shalt  }
0x6a: {  	_ =	shalt  }
0x6b: {  	_ =	shalt  }
0x6c: {  	_ =	shalt  }
0x6d: {  	_ =	shalt  }
0x6e: {  	_ =	shalt  }
0x6f: {  	_ =	shalt  }
0x70: {  	_ =	shalt  }
0x71: {  	_ =	shalt  }
0x72: {  	_ =	shalt  }
0x73: {  	_ =	shalt  }
0x74: {  	_ =	shalt  }
0x75: {  	_ =	shalt  }
0x76: {  	_ =	shalt  }
0x77: {  	_ =	shalt  }
0x78: {  	_ =	shalt  }
0x79: {  	_ =	shalt  }
0x7a: {  	_ =	shalt  }
0x7b: {  	_ =	shalt  }
0x7c: {  	_ =	shalt  }
0x7d: {  	_ =	shalt  }
0x7e: {  	_ =	shalt  }
0x7f: {  	_ =	shalt  }
0x80: {  	_ =	shalt  }
0x81: {  	_ =	shalt  }
0x82: {  	_ =	shalt  }
0x83: {  	_ =	shalt  }
0x84: {  	_ =	shalt  }
0x85: {  	_ =	shalt  }
0x86: {  	_ =	shalt  }
0x87: {  	_ =	shalt  }
.Lfunc_end0:
.L_simem_size_0:
called_computation_lowered:
.L_overlay_start_0:
0x88: {  	s2 =	sld [smem:$0x3FD9]  }
0x89: {  	s3 =	sld [smem:$0x3FFE];
	_ =	sdelay $0x1  }
0x8a: {  	s1 =	srdreg.scid  }
0x8b: {  	s0 =	sand.u32 $0x1, s1  }
0x8c: {  	s17 =	sshll.u32 s0, $0xA;
	s2 =	sadd.s32 s3, s2  }
0x8d: {  	s2 =	sadd.s32 s2, s17  }
0x8e: {  	[smem:$0x3FC1] =	sst s2  }
0x8f: {  	_ = 	snop  }
0x90: {  	s2 =	sld [smem:$0x3FC8]  }
0x91: {  	s18 =	sld [smem:$0x3FC7];
	(tm) =	ssettm $0x1  }
0x92: {  	s4 =	sld [smem:$0x3FFB];
	_ =	sdelay $0x3  }
0x93: {  	_ =	strace s4  }
0x94: {  	s4 =	sld [smem:$0x3FFC];
	_ =	sdelay $0x3  }
0x95: {  	_ =	strace s4  }
0x96: {  	s4 =	sld [smem:$0x3FFD];
	_ =	sdelay $0x3  }
0x97: {  	_ =	strace s4  }
0x98: {  	_ =	strace $0x8FFFFFFF  }
0x99: {  	s19 =	sld [smem:$0x3FDB];
	_ =	sdelay $0x1  }
0x9a: {  	s5 =	simm.s32 $_scs_section_size  }
0x9b: {  	s6 =	simm.s32 $_size__tile_overlayer_lowered;
	s7 =	simm.s32 $_tile_overlayer_lowered  }
0x9c: {  	s22 =	simm.s32 $0x1BFF;
	s21 =	sshll.u32 s7, $0x1;
	s4 =	sadd.s32 s5, s19  }
0x9d: {  	s8 =	simm.s32 $0x0;
	s20 =	sshll.u32 s6, $0x1;
	s6 =	sadd.s32 s21, s4  }
0x9e: {  	[timem:s8], [sflag:s22] =	dma.local [hbm:s6], s20  }
0x9f: {  	_ =	swait.ge [sflag:s22], s20  }
0xa0: {  	s5 =	ssub.s32 $0x0, s20;
	[sflag:s22] =	ssyncset.done $0x0  }
0xa1: {  	[sflag:s22] =	ssyncadd.s32 s5;
	_ =	sdelay $0x1  }
0xa2: {  	s23 =	simm.s32 $0x1B8B  }
0xa3: {  	_ =	swait.ge [sflag:s23], $0x1  }
0xa4: {  	[sflag:s23] =	ssyncset.done $0x0  }
0xa5: {  	s25 =	simm.s32 $0x1B8E;
	s24 =	sld [smem:$0x3FFE];
	[sflag:s23] =	ssyncadd.s32 $0xFFFFFFFF  }
0xa6: {  	s26 =	simm.s32 $execute0_lowered;
	[smem:$0x3FD2] =	sst s25  }
0xa7: {  	s6 =	sshll.u32 s26, $0x1;
	_ =	strace $0x80000046;
	[dreg:$0x1] =	wrdreg $0xFFFFFFFF  }
0xa8: {  	s28 =	simm.s32 $_size_execute0_lowered;
	s4 =	sadd.s32 s4, s6;
	[dreg:$0x0] =	wrdreg $0x0  }
0xa9: {  	s6 =	sshll.u32 s28, $0x1;
	[dreg:$0x2] =	wrdreg s4  }
0xaa: {  	[dreg:$0x3] =	wrdreg s6  }
0xab: {  	[dreg:$0x4] =	wrdreg $0xC0  }
0xac: {  	_ =	task [dreg:s8], $0x5FFFF  }
0xad: {  	[dreg:$0x1] =	wrdreg $0xFFFFFFFF  }
0xae: {  	[dreg:$0x0] =	wrdreg $0x60  }
0xaf: {  	[dreg:$0x2] =	wrdreg s18  }
0xb0: {  	[dreg:$0x3] =	wrdreg s2  }
0xb1: {  	[dreg:$0x4] =	wrdreg s24  }
0xb2: {  	[dreg:$0x5] =	wrdreg $0x9  }
0xb3: {  	_ =	task.clear_ibuf [dreg:s8], $0x6FFFF;
	_ =	strace $0x90000046  }
0xb4: {  	s29 =	simm.s32 $0x9;
	_ =	strace $0x80000048  }
0xb5: {  	_ =	swait.ge [sflag:s29], $0x1  }
0xb6: {  	[sflag:s29] =	ssyncadd.s32 $0xFFFFFFFF  }
0xb7: {  	_ =	strace $0x90000048  }
0xb8: {  	_ =	sfence  }
0xb9: {  	s30 =	sld [smem:$0x0];
	_ =	sdelay $0x2  }
0xba: {  	s31 =	sshll.u32 s1, $0xD;
	s1 =	sshrl.u32 s1, $0x2  }
0xbb: {  	s3 =	sand.u32 $0x4000, s31;
	s1 =	sadd.s32 s1, s30  }
0xbc: {  	s0 =	sor.u32 s3, s0;
	s1 =	sshll.u32 s1, $0x11  }
0xbd: {  	s0 =	sor.u32 s1, s0  }
0xbe: {  	s0 =	sadd.s32 $0x8F2B, s0  }
0xbf: {  	[sflag:s0] =	ssyncadd.remote.s32 $0x1  }
0xc0: {  	_ =	sfence.sel $0xFFFF  }
0xc1: {  	[dreg:$0x0] =	wrdreg $0xFFFFFFFF;
	(pc) =	sbr.abs _section_cstart, $3  }
0xc2: {  	[dreg:$0x1] =	wrdreg $0xFFFFFFFF  }
0xc3: {  	_ =	task.clear_ibuf [dreg:s8], $0x2FFFF;
	_ =	strace $0x9FFFFFFF  }
0xc4: {  	(tm) =	ssettm $0x7FFFFFFF  }
0xc5: {  	_ =	shalt  }
tec
execute0_lowered:
.L_overlay_start_1:
0x0: {  	(tag) =	ssettag $0x1  }
0x1: {  	s1 =	rddreg [dreg:$0x0]  }
0x2: {  	s0 =	rddreg [dreg:$0x2];
	s5 =	srdreg.scid  }
0x3: {  	s2 =	stileid.u32;
	s4 =	simm.s32 $0x0;
	s12 =	simm.s32 $0x2000  }
0x4: {  	s13 =	simm.s32 $0x7A1400;
	s14 =	simm.s32 $0x8000;
	s15 =	simm.s32 $0x10000  }
0x5: {  	s16 =	simm.s32 $0x1;
	s18 =	simm.s32 $0x18000;
	s19 =	simm.s32 $0x1C000  }
0x6: {  	s20 =	simm.s32 $0x3;
	s21 =	simm.s32 $0x80;
	s22 =	simm.s32 $0x0  }
0x7: {  	s6 =	sand.u32 $0x1, s5;
	s29 =	sshll.u32 s2, $0x1;
	[smem:$0x7FF] =	sst s4  }
0x8: {  	s5 =	sadd.s32 $0xE00, s0;
	s17 =	sor.u32 s6, s29;
	_ =	strace $0x80000047  }
.Ltmp0:
0x9: {  	s30 =	ssub.s32 $0x2, s6;
	s10 =	sshll.u32 s17, $0xF;
	(pc) =	sbr.rel .LBB2_1-.Ltmp0, $4  }
0xa: {  	s7 =	sshrl.u32 s30, $0x1;
	v0 =	vmov s17;
	s17 =	simm.s32 $0x2;
	s31 =	sor.u32 $0x400, s10  }
0xb: {  	s8 =	smin.u32 s10, $0xF3E80;
	s0 =	ssub.s32 s30, s7;
	s9 =	smin.u32 s31, $0xF3E80  }
0xc: {  	v1 =	vimm.s32 $0xFFFFFFFF;
	s6 =	sadd.s32 s1, s8;
	s8 =	ssub.s32 $0xF3E80, s10;
	s11 =	smax.u32 s0, $0x1  }
0xd: {  	v2 =	vimm.f32 $0.0e+00;
	v3 =	vlaneseq.u32;
	v4 =	vimm.s32 $0x0;
	s7 =	sadd.s32 s1, s9;
	s9 =	sor.u32 $0x800, s10;
	s10 =	sor.u32 $0xC00, s10  }
.LBB2_31:
0xe: {  	(ifvalue) =	ssetifvalue $0xFFFFFFFF  }
0xf: {  	(ifvalue) =	ssetifvalue $0xFFFFFFFF  }
0x10: {  	[hbm4b:s5+s21] =	stream.indirect.scatter [tilespmem:s18], [sflag:$0x1], $0x80, s19, s21, $0x40b8;
	[tilespmem:$0x1C080] =	vst v63  }
0x11: {  	_ =	swait.ge [sflag:s16], $0x4000  }
0x12: {  	[sflag:s16] =	ssyncset.done $0x0  }
0x13: {  	[sflag:s16] =	ssyncadd.s32 $0xFFFFC000  }
0x14: {  	[tilespmem:$0x1C000] =	vst v1  }
0x15: {  	s22 =	sadd.s32 $0x1, s22;
	[tilespmem:$0x1C010] =	vst v1  }
0x16: {  	p0 =	sne.s32 s22, s11;
	[tilespmem:$0x1C020] =	vst v1  }
.Ltmp1:
0x17: {  	[tilespmem:$0x1C030] =	vst v1;
	(pc) =	sbr.rel @!p0 .LBB2_32-.Ltmp1, $4  }
0x18: {  	[tilespmem:$0x1C040] =	vst v1  }
0x19: {  	[tilespmem:$0x1C050] =	vst v1  }
0x1a: {  	[tilespmem:$0x1C060] =	vst v1  }
0x1b: {  	[tilespmem:$0x1C070] =	vst v1  }
.LBB2_1:
0x1c: {  	s0 =	rddreg [dreg:$0x1]  }
0x1d: {  	[tilespmem:s4], [sflag:$0x1] =	stream.linear.gather [hbm4b:s0+s4], $0x4000, $0x38;
	[tilespmem:$0x1C080] =	vst v63  }
0x1e: {  	[tilespmem:$0x1C000] =	vst v1  }
0x1f: {  	[tilespmem:$0x1C010] =	vst v1  }
0x20: {  	[tilespmem:$0x1C020] =	vst v1  }
0x21: {  	[tilespmem:$0x1C030] =	vst v1  }
0x22: {  	[tilespmem:$0x1C040] =	vst v1  }
0x23: {  	[tilespmem:$0x1C050] =	vst v1  }
0x24: {  	[tilespmem:$0x1C060] =	vst v1  }
0x25: {  	[tilespmem:$0x1C070] =	vst v1  }
0x26: {  	[tilespmem:s14], [sflag:$0x2] =	stream.strided.gather [hbm4b:s6+s12], $0x8000, s13, s12, $0x38;
	[tilespmem:$0x1C080] =	vst v63  }
0x27: {  	s0 =	simm.s32 $0x0  }
0x28: {  	[tilespmem:s15], [sflag:$0x3] =	stream.strided.gather [hbm4b:s7+s12], $0x8000, s13, s12, $0x38;
	[tilespmem:$0x1C080] =	vst v63  }
0x29: {  	[tilespmem:s0+$0x18070] =	vst v2  }
0x2a: {  	[tilespmem:s0+$0x18020] =	vst v2  }
0x2b: {  	[tilespmem:s0+$0x18030] =	vst v2  }
0x2c: {  	[tilespmem:s0+$0x18040] =	vst v2  }
0x2d: {  	s23 =	simm.s32 $0x200;
	[tilespmem:s0+$0x18050] =	vst v2  }
.LBB2_2:
0x2e: {  	p0 =	sne.s32 s23, $0xFE00;
	[tilespmem:s0+$0x18060] =	vst v2;
	s0 =	sshra.s32 s23, $0x2;
	s23 =	sadd.s32 $0x200, s23  }
.Ltmp2:
0x2f: {  	[tilespmem:s0+$0x18070] =	vst v2;
	(pc) =	sbr.rel @p0 .LBB2_2-.Ltmp2, $4  }
0x30: {  	[tilespmem:s0+$0x18020] =	vst v2  }
0x31: {  	[tilespmem:s0+$0x18030] =	vst v2  }
0x32: {  	[tilespmem:s0+$0x18040] =	vst v2  }
0x33: {  	[tilespmem:s0+$0x18050] =	vst v2  }
0x34: {  	[tilespmem:s0+$0x18060] =	vst v2  }
0x35: {  	_ =	swait.ge [sflag:s16], $0x4000  }
0x36: {  	[sflag:s16] =	ssyncset.done $0x0  }
0x37: {  	s23 =	simm.s32 $0x40;
	[sflag:s16] =	ssyncadd.s32 $0xFFFFC000  }
0x38: {  	v5 =	vld [tilespmem:s23+$0xFFFFFFC0];
	_ =	sdelay $0x4  }
0x39: {  	v6 =	vshll.u32 v5, $0xE;
	v5 =	vshra.s32 v5, $0xF  }
0x3a: {  	s24 =	simm.s32 $0x0;
	v6 =	vand.u32 $0x1FFFC000, v6;
	vm0 =	veq.s32 v5, v0  }
0x3b: {  	v5 =	vor.u32 s24, v6;
	v6 =	vsel vm0, $0x1, v4  }
0x3c: {  	s25 =	simm.s32 $0x0;
	v5 =	vor.u32 v3, v5;
	(xrf0) =	vadd.scan.msk.s32 $0xffff, v6  }
0x3d: {  	[tilespmem:s25+$0x4000] =	vst.msk vm0, v5  }
0x3e: {  	v5 =	vld [tilespmem:s23+$0xFFFFFFD0];
	_ =	sdelay $0x3  }
0x3f: {  	v6, _, _ =	vpop (xrf0)  }
0x40: {  	v7 =	vshra.s32 v5, $0xF;
	(v2sf) =	vpush v6, $0xF  }
0x41: {  	vm0 =	veq.s32 v7, v0  }
0x42: {  	v6 =	vsel vm0, $0x1, v4  }
0x43: {  	(xrf0) =	vadd.scan.msk.s32 $0xffff, v6;
	_ =	sdelay $0x5  }
0x44: {  	v6, _, _ =	vpop (xrf0)  }
0x45: {  	(v2sf) =	vpush v6, $0xF;
	_ =	sdelay $0x2  }
0x46: {  	v5 =	vshll.u32 v5, $0xE  }
0x47: {  	s26 =	simm.s32 $0x10;
	v5 =	vand.u32 $0x1FFFC000, v5  }
0x48: {  	v5 =	vor.u32 s26, v5;
	s28 =	spop (v2sf)  }
0x49: {  	v5 =	vor.u32 v3, v5;
	s0 =	sadd.s32 $0x0, s28  }
0x4a: {  	[tilespmem:s0+$0x4000] =	vst.msk vm0, v5  }
0x4b: {  	v5 =	vld [tilespmem:s23+$0xFFFFFFE0];
	_ =	sdelay $0x4  }
0x4c: {  	v6 =	vshll.u32 v5, $0xE;
	v5 =	vshra.s32 v5, $0xF  }
0x4d: {  	s24 =	simm.s32 $0x20;
	v6 =	vand.u32 $0x1FFFC000, v6;
	vm0 =	veq.s32 v5, v0  }
0x4e: {  	v5 =	vor.u32 s24, v6;
	v6 =	vsel vm0, $0x1, v4;
	s29 =	spop (v2sf)  }
0x4f: {  	s0 =	sadd.s32 s0, s29;
	v5 =	vor.u32 v3, v5;
	(xrf0) =	vadd.scan.msk.s32 $0xffff, v6  }
0x50: {  	[tilespmem:s0+$0x4000] =	vst.msk vm0, v5  }
0x51: {  	v5 =	vld [tilespmem:s23+$0xFFFFFFF0];
	_ =	sdelay $0x3  }
0x52: {  	v6, _, _ =	vpop (xrf0)  }
0x53: {  	v7 =	vshra.s32 v5, $0xF;
	(v2sf) =	vpush v6, $0xF  }
0x54: {  	vm0 =	veq.s32 v7, v0  }
0x55: {  	v6 =	vsel vm0, $0x1, v4  }
0x56: {  	(xrf0) =	vadd.scan.msk.s32 $0xffff, v6;
	_ =	sdelay $0x5  }
0x57: {  	v6, _, _ =	vpop (xrf0)  }
0x58: {  	(v2sf) =	vpush v6, $0xF;
	_ =	sdelay $0x2  }
0x59: {  	v5 =	vshll.u32 v5, $0xE  }
0x5a: {  	s30 =	simm.s32 $0x30;
	v5 =	vand.u32 $0x1FFFC000, v5  }
0x5b: {  	v5 =	vor.u32 s30, v5;
	s31 =	spop (v2sf)  }
0x5c: {  	v5 =	vor.u32 v3, v5;
	s0 =	sadd.s32 s0, s31  }
0x5d: {  	[tilespmem:s0+$0x4000] =	vst.msk vm0, v5  }
0x5e: {  	v5 =	vld [tilespmem:s23+$0x0];
	_ =	sdelay $0x4  }
0x5f: {  	v6 =	vshll.u32 v5, $0xE;
	v5 =	vshra.s32 v5, $0xF  }
0x60: {  	s2 =	simm.s32 $0x40;
	v6 =	vand.u32 $0x1FFFC000, v6;
	vm0 =	veq.s32 v5, v0  }
0x61: {  	v5 =	vor.u32 s2, v6;
	v6 =	vsel vm0, $0x1, v4;
	s3 =	spop (v2sf)  }
0x62: {  	s0 =	sadd.s32 s0, s3;
	v5 =	vor.u32 v3, v5;
	(xrf0) =	vadd.scan.msk.s32 $0xffff, v6  }
0x63: {  	[tilespmem:s0+$0x4000] =	vst.msk vm0, v5  }
0x64: {  	v5 =	vld [tilespmem:s23+$0x10];
	_ =	sdelay $0x3  }
0x65: {  	v6, _, _ =	vpop (xrf0)  }
0x66: {  	v7 =	vshra.s32 v5, $0xF;
	(v2sf) =	vpush v6, $0xF  }
0x67: {  	vm0 =	veq.s32 v7, v0  }
0x68: {  	v6 =	vsel vm0, $0x1, v4  }
0x69: {  	(xrf0) =	vadd.scan.msk.s32 $0xffff, v6;
	_ =	sdelay $0x5  }
0x6a: {  	v6, _, _ =	vpop (xrf0)  }
0x6b: {  	(v2sf) =	vpush v6, $0xF;
	_ =	sdelay $0x2  }
0x6c: {  	v5 =	vshll.u32 v5, $0xE  }
0x6d: {  	s25 =	simm.s32 $0x50;
	v5 =	vand.u32 $0x1FFFC000, v5  }
0x6e: {  	v5 =	vor.u32 s25, v5;
	s26 =	spop (v2sf)  }
0x6f: {  	v5 =	vor.u32 v3, v5;
	s0 =	sadd.s32 s0, s26  }
0x70: {  	[tilespmem:s0+$0x4000] =	vst.msk vm0, v5  }
0x71: {  	v5 =	vld [tilespmem:s23+$0x20];
	_ =	sdelay $0x4  }
0x72: {  	v6 =	vshll.u32 v5, $0xE;
	v5 =	vshra.s32 v5, $0xF  }
0x73: {  	s28 =	simm.s32 $0x60;
	v6 =	vand.u32 $0x1FFFC000, v6;
	vm0 =	veq.s32 v5, v0  }
0x74: {  	v5 =	vor.u32 s28, v6;
	v6 =	vsel vm0, $0x1, v4;
	s29 =	spop (v2sf)  }
0x75: {  	s0 =	sadd.s32 s0, s29;
	v5 =	vor.u32 v3, v5;
	(xrf0) =	vadd.scan.msk.s32 $0xffff, v6  }
0x76: {  	[tilespmem:s0+$0x4000] =	vst.msk vm0, v5  }
0x77: {  	v5 =	vld [tilespmem:s23+$0x30];
	_ =	sdelay $0x3  }
0x78: {  	v6, _, _ =	vpop (xrf0)  }
0x79: {  	v7 =	vshra.s32 v5, $0xF;
	(v2sf) =	vpush v6, $0xF  }
0x7a: {  	vm0 =	veq.s32 v7, v0  }
0x7b: {  	v6 =	vsel vm0, $0x1, v4  }
0x7c: {  	(xrf0) =	vadd.scan.msk.s32 $0xffff, v6;
	_ =	sdelay $0x5  }
0x7d: {  	v6, _, _ =	vpop (xrf0)  }
0x7e: {  	(v2sf) =	vpush v6, $0xF;
	_ =	sdelay $0x2  }
0x7f: {  	v5 =	vshll.u32 v5, $0xE  }
0x80: {  	s30 =	simm.s32 $0x70;
	v5 =	vand.u32 $0x1FFFC000, v5  }
0x81: {  	v5 =	vor.u32 s30, v5;
	s31 =	spop (v2sf)  }
0x82: {  	v5 =	vor.u32 v3, v5;
	s0 =	sadd.s32 s0, s31  }
0x83: {  	s24 =	simm.s32 $0xC0;
	[tilespmem:s0+$0x4000] =	vst.msk vm0, v5  }
0x84: {  	v5 =	vld [tilespmem:s24+$0xFFFFFFC0];
	_ =	sdelay $0x4  }
0x85: {  	v6 =	vshll.u32 v5, $0xE;
	v5 =	vshra.s32 v5, $0xF  }
0x86: {  	s26 =	simm.s32 $0x80;
	v6 =	vand.u32 $0x1FFFC000, v6;
	vm0 =	veq.s32 v5, v0  }
0x87: {  	s25 =	simm.s32 $0x170;
	s23 =	simm.s32 $0xF0;
	v5 =	vor.u32 s26, v6;
	v6 =	vsel vm0, $0x1, v4;
	s26 =	spop (v2sf)  }
.LBB2_4:
0x88: {  	p0 =	sne.s32 s25, $0x3FF0  }
0x89: {  	v5 =	vor.u32 v3, v5;
	(xrf0) =	vadd.scan.msk.s32 $0xffff, v6;
	s0 =	sadd.s32 s0, s26;
	s26 =	smov.u32 s25;
	s25 =	sadd.s32 $0x80, s25  }
0x8a: {  	[tilespmem:s0+$0x4000] =	vst.msk vm0, v5  }
0x8b: {  	v5 =	vld [tilespmem:s24+$0xFFFFFFD0];
	_ =	sdelay $0x3  }
0x8c: {  	v6, _, _ =	vpop (xrf0)  }
0x8d: {  	v7 =	vshll.u32 v5, $0xE;
	v5 =	vshra.s32 v5, $0xF;
	(v2sf) =	vpush v6, $0xF  }
0x8e: {  	s28 =	sadd.s32 $0xFFFFFFA0, s23;
	v6 =	vand.u32 $0x1FFFC000, v7;
	vm0 =	veq.s32 v5, v0  }
0x8f: {  	v5 =	vor.u32 s28, v6;
	v6 =	vsel vm0, $0x1, v4  }
0x90: {  	(xrf0) =	vadd.scan.msk.s32 $0xffff, v6;
	_ =	sdelay $0x5  }
0x91: {  	v6, _, _ =	vpop (xrf0)  }
0x92: {  	(v2sf) =	vpush v6, $0xF;
	_ =	sdelay $0x4  }
0x93: {  	s28 =	spop (v2sf)  }
0x94: {  	v5 =	vor.u32 v3, v5;
	s0 =	sadd.s32 s0, s28  }
0x95: {  	[tilespmem:s0+$0x4000] =	vst.msk vm0, v5  }
0x96: {  	v5 =	vld [tilespmem:s24+$0xFFFFFFE0];
	_ =	sdelay $0x4  }
0x97: {  	v6 =	vshll.u32 v5, $0xE;
	v5 =	vshra.s32 v5, $0xF  }
0x98: {  	s28 =	sadd.s32 $0xFFFFFFB0, s23;
	v6 =	vand.u32 $0x1FFFC000, v6;
	vm0 =	veq.s32 v5, v0  }
0x99: {  	v5 =	vor.u32 s28, v6;
	v6 =	vsel vm0, $0x1, v4;
	s28 =	spop (v2sf)  }
0x9a: {  	s0 =	sadd.s32 s0, s28;
	v5 =	vor.u32 v3, v5;
	(xrf0) =	vadd.scan.msk.s32 $0xffff, v6  }
0x9b: {  	[tilespmem:s0+$0x4000] =	vst.msk vm0, v5  }
0x9c: {  	v5 =	vld [tilespmem:s24+$0xFFFFFFF0];
	_ =	sdelay $0x3  }
0x9d: {  	v6, _, _ =	vpop (xrf0)  }
0x9e: {  	v7 =	vshll.u32 v5, $0xE;
	v5 =	vshra.s32 v5, $0xF;
	(v2sf) =	vpush v6, $0xF  }
0x9f: {  	s28 =	sadd.s32 $0xFFFFFFC0, s23;
	v6 =	vand.u32 $0x1FFFC000, v7;
	vm0 =	veq.s32 v5, v0  }
0xa0: {  	v5 =	vor.u32 s28, v6;
	v6 =	vsel vm0, $0x1, v4  }
0xa1: {  	(xrf0) =	vadd.scan.msk.s32 $0xffff, v6;
	_ =	sdelay $0x5  }
0xa2: {  	v6, _, _ =	vpop (xrf0)  }
0xa3: {  	(v2sf) =	vpush v6, $0xF;
	_ =	sdelay $0x4  }
0xa4: {  	s28 =	spop (v2sf)  }
0xa5: {  	v5 =	vor.u32 v3, v5;
	s0 =	sadd.s32 s0, s28  }
0xa6: {  	[tilespmem:s0+$0x4000] =	vst.msk vm0, v5  }
0xa7: {  	v5 =	vld [tilespmem:s24+$0x0];
	_ =	sdelay $0x4  }
0xa8: {  	v6 =	vshll.u32 v5, $0xE;
	v5 =	vshra.s32 v5, $0xF  }
0xa9: {  	s28 =	sadd.s32 $0xFFFFFFD0, s23;
	v6 =	vand.u32 $0x1FFFC000, v6;
	vm0 =	veq.s32 v5, v0  }
0xaa: {  	v5 =	vor.u32 s28, v6;
	v6 =	vsel vm0, $0x1, v4;
	s28 =	spop (v2sf)  }
0xab: {  	s0 =	sadd.s32 s0, s28;
	v5 =	vor.u32 v3, v5;
	(xrf0) =	vadd.scan.msk.s32 $0xffff, v6  }
0xac: {  	[tilespmem:s0+$0x4000] =	vst.msk vm0, v5  }
0xad: {  	v5 =	vld [tilespmem:s24+$0x10];
	_ =	sdelay $0x3  }
0xae: {  	v6, _, _ =	vpop (xrf0)  }
0xaf: {  	v7 =	vshll.u32 v5, $0xE;
	v5 =	vshra.s32 v5, $0xF;
	(v2sf) =	vpush v6, $0xF  }
0xb0: {  	s28 =	sadd.s32 $0xFFFFFFE0, s23;
	v6 =	vand.u32 $0x1FFFC000, v7;
	vm0 =	veq.s32 v5, v0  }
0xb1: {  	v5 =	vor.u32 s28, v6;
	v6 =	vsel vm0, $0x1, v4  }
0xb2: {  	(xrf0) =	vadd.scan.msk.s32 $0xffff, v6;
	_ =	sdelay $0x5  }
0xb3: {  	v6, _, _ =	vpop (xrf0)  }
0xb4: {  	(v2sf) =	vpush v6, $0xF;
	_ =	sdelay $0x4  }
0xb5: {  	s28 =	spop (v2sf)  }
0xb6: {  	v5 =	vor.u32 v3, v5;
	s0 =	sadd.s32 s0, s28  }
0xb7: {  	[tilespmem:s0+$0x4000] =	vst.msk vm0, v5  }
0xb8: {  	v5 =	vld [tilespmem:s24+$0x20];
	_ =	sdelay $0x4  }
0xb9: {  	v6 =	vshll.u32 v5, $0xE;
	v5 =	vshra.s32 v5, $0xF  }
0xba: {  	s28 =	sadd.s32 $0xFFFFFFF0, s23;
	v6 =	vand.u32 $0x1FFFC000, v6;
	vm0 =	veq.s32 v5, v0  }
0xbb: {  	v5 =	vor.u32 s28, v6;
	v6 =	vsel vm0, $0x1, v4;
	s28 =	spop (v2sf)  }
0xbc: {  	s0 =	sadd.s32 s0, s28;
	v5 =	vor.u32 v3, v5;
	(xrf0) =	vadd.scan.msk.s32 $0xffff, v6  }
0xbd: {  	[tilespmem:s0+$0x4000] =	vst.msk vm0, v5  }
0xbe: {  	v5 =	vld [tilespmem:s24+$0x30];
	_ =	sdelay $0x3  }
0xbf: {  	v6, _, _ =	vpop (xrf0)  }
0xc0: {  	v7 =	vshll.u32 v5, $0xE;
	v5 =	vshra.s32 v5, $0xF;
	(v2sf) =	vpush v6, $0xF  }
0xc1: {  	v6 =	vand.u32 $0x1FFFC000, v7;
	vm0 =	veq.s32 v5, v0  }
0xc2: {  	v5 =	vor.u32 s23, v6;
	v6 =	vsel vm0, $0x1, v4;
	s23 =	smov.u32 s26  }
0xc3: {  	(xrf0) =	vadd.scan.msk.s32 $0xffff, v6;
	_ =	sdelay $0x5  }
0xc4: {  	v6, _, _ =	vpop (xrf0)  }
0xc5: {  	(v2sf) =	vpush v6, $0xF;
	_ =	sdelay $0x4  }
0xc6: {  	s26 =	spop (v2sf)  }
0xc7: {  	v5 =	vor.u32 v3, v5;
	s0 =	sadd.s32 s0, s26  }
0xc8: {  	s24 =	sadd.s32 $0x80, s24;
	[tilespmem:s0+$0x4000] =	vst.msk vm0, v5  }
0xc9: {  	v5 =	vld [tilespmem:s24+$0xFFFFFFC0];
	_ =	sdelay $0x2  }
.Ltmp3:
0xca: {  	(pc) =	sbr.rel @p0 .LBB2_4-.Ltmp3, $4  }
0xcb: {  	_ = 	snop  }
0xcc: {  	v6 =	vshll.u32 v5, $0xE;
	v5 =	vshra.s32 v5, $0xF  }
0xcd: {  	s26 =	sadd.s32 $0xFFFFFF90, s23;
	v6 =	vand.u32 $0x1FFFC000, v6;
	vm0 =	veq.s32 v5, v0  }
0xce: {  	v5 =	vor.u32 s26, v6;
	v6 =	vsel vm0, $0x1, v4;
	s26 =	spop (v2sf)  }
0xcf: {  	v5 =	vor.u32 v3, v5;
	(xrf0) =	vadd.scan.msk.s32 $0xffff, v6;
	s0 =	sadd.s32 s0, s26  }
0xd0: {  	[tilespmem:s0+$0x4000] =	vst.msk vm0, v5  }
0xd1: {  	v5 =	vld [tilespmem:s24+$0xFFFFFFD0];
	_ =	sdelay $0x3  }
0xd2: {  	v6, _, _ =	vpop (xrf0)  }
0xd3: {  	v7 =	vshra.s32 v5, $0xF;
	(v2sf) =	vpush v6, $0xF  }
0xd4: {  	vm9 =	veq.s32 v7, v0  }
0xd5: {  	v6 =	vsel vm9, $0x1, v4  }
0xd6: {  	(xrf0) =	vadd.scan.msk.s32 $0xffff, v6;
	_ =	sdelay $0x5  }
0xd7: {  	v6, _, _ =	vpop (xrf0)  }
0xd8: {  	(v2sf) =	vpush v6, $0xF;
	_ =	sdelay $0x2  }
0xd9: {  	v5 =	vshll.u32 v5, $0xE  }
0xda: {  	s25 =	sadd.s32 $0xFFFFFFA0, s23;
	v5 =	vand.u32 $0x1FFFC000, v5  }
0xdb: {  	v5 =	vor.u32 s25, v5;
	s30 =	spop (v2sf)  }
0xdc: {  	v5 =	vor.u32 v3, v5;
	s0 =	sadd.s32 s0, s30  }
0xdd: {  	[tilespmem:s0+$0x4000] =	vst.msk vm9, v5  }
0xde: {  	v5 =	vld [tilespmem:s24+$0xFFFFFFE0];
	_ =	sdelay $0x4  }
0xdf: {  	v6 =	vshll.u32 v5, $0xE;
	v5 =	vshra.s32 v5, $0xF  }
0xe0: {  	s31 =	sadd.s32 $0xFFFFFFB0, s23;
	v6 =	vand.u32 $0x1FFFC000, v6;
	vm10 =	veq.s32 v5, v0  }
0xe1: {  	v5 =	vor.u32 s31, v6;
	v6 =	vsel vm10, $0x1, v4;
	s2 =	spop (v2sf)  }
0xe2: {  	s0 =	sadd.s32 s0, s2;
	v5 =	vor.u32 v3, v5;
	(xrf0) =	vadd.scan.msk.s32 $0xffff, v6  }
0xe3: {  	[tilespmem:s0+$0x4000] =	vst.msk vm10, v5  }
0xe4: {  	v5 =	vld [tilespmem:s24+$0xFFFFFFF0];
	_ =	sdelay $0x3  }
0xe5: {  	v6, _, _ =	vpop (xrf0)  }
0xe6: {  	v7 =	vshra.s32 v5, $0xF;
	(v2sf) =	vpush v6, $0xF  }
0xe7: {  	vm11 =	veq.s32 v7, v0  }
0xe8: {  	v6 =	vsel vm11, $0x1, v4  }
0xe9: {  	(xrf0) =	vadd.scan.msk.s32 $0xffff, v6;
	_ =	sdelay $0x5  }
0xea: {  	v6, _, _ =	vpop (xrf0)  }
0xeb: {  	(v2sf) =	vpush v6, $0xF;
	_ =	sdelay $0x2  }
0xec: {  	v5 =	vshll.u32 v5, $0xE  }
0xed: {  	s3 =	sadd.s32 $0xFFFFFFC0, s23;
	v5 =	vand.u32 $0x1FFFC000, v5  }
0xee: {  	v5 =	vor.u32 s3, v5;
	s26 =	spop (v2sf)  }
0xef: {  	v5 =	vor.u32 v3, v5;
	s0 =	sadd.s32 s0, s26  }
0xf0: {  	[tilespmem:s0+$0x4000] =	vst.msk vm11, v5  }
0xf1: {  	v5 =	vld [tilespmem:s24+$0x0];
	_ =	sdelay $0x4  }
0xf2: {  	v6 =	vshll.u32 v5, $0xE;
	v5 =	vshra.s32 v5, $0xF  }
0xf3: {  	s28 =	sadd.s32 $0xFFFFFFD0, s23;
	v6 =	vand.u32 $0x1FFFC000, v6;
	vm12 =	veq.s32 v5, v0  }
0xf4: {  	v5 =	vor.u32 s28, v6;
	v6 =	vsel vm12, $0x1, v4;
	s29 =	spop (v2sf)  }
0xf5: {  	s0 =	sadd.s32 s0, s29;
	v5 =	vor.u32 v3, v5;
	(xrf0) =	vadd.scan.msk.s32 $0xffff, v6  }
0xf6: {  	[tilespmem:s0+$0x4000] =	vst.msk vm12, v5  }
0xf7: {  	v5 =	vld [tilespmem:s24+$0x10];
	_ =	sdelay $0x3  }
0xf8: {  	v6, _, _ =	vpop (xrf0)  }
0xf9: {  	v7 =	vshra.s32 v5, $0xF;
	(v2sf) =	vpush v6, $0xF  }
0xfa: {  	vm13 =	veq.s32 v7, v0  }
0xfb: {  	v6 =	vsel vm13, $0x1, v4  }
0xfc: {  	(xrf0) =	vadd.scan.msk.s32 $0xffff, v6;
	_ =	sdelay $0x5  }
0xfd: {  	v6, _, _ =	vpop (xrf0)  }
0xfe: {  	(v2sf) =	vpush v6, $0xF;
	_ =	sdelay $0x2  }
0xff: {  	v5 =	vshll.u32 v5, $0xE  }
0x100: {  	s30 =	sadd.s32 $0xFFFFFFE0, s23;
	v5 =	vand.u32 $0x1FFFC000, v5  }
0x101: {  	v5 =	vor.u32 s30, v5;
	s31 =	spop (v2sf)  }
0x102: {  	v5 =	vor.u32 v3, v5;
	s0 =	sadd.s32 s0, s31  }
0x103: {  	[tilespmem:s0+$0x4000] =	vst.msk vm13, v5  }
0x104: {  	v5 =	vld [tilespmem:s24+$0x20];
	_ =	sdelay $0x4  }
0x105: {  	v6 =	vshll.u32 v5, $0xE  }
0x106: {  	s2 =	sadd.s32 $0xFFFFFFF0, s23;
	v6 =	vand.u32 $0x1FFFC000, v6  }
0x107: {  	v5 =	vshra.s32 v5, $0xF;
	v6 =	vor.u32 s2, v6;
	s3 =	spop (v2sf)  }
0x108: {  	vm14 =	veq.s32 v5, v0;
	s0 =	sadd.s32 s0, s3;
	v5 =	vor.u32 v3, v6  }
0x109: {  	[tilespmem:s0+$0x4000] =	vst.msk vm14, v5  }
0x10a: {  	v5 =	vld [tilespmem:s24+$0x30];
	_ =	sdelay $0x4  }
0x10b: {  	v6 =	vshra.s32 v5, $0xF  }
0x10c: {  	v7 =	vsel vm14, $0x1, v4;
	vm15 =	veq.s32 v6, v0  }
0x10d: {  	(xrf0) =	vadd.scan.msk.s32 $0xffff, v7;
	v6 =	vsel vm15, $0x1, v4  }
0x10e: {  	(xrf0) =	vadd.scan.msk.s32 $0xffff, v6;
	_ =	sdelay $0x4  }
0x10f: {  	v6, _, _ =	vpop (xrf0)  }
0x110: {  	(v2sf) =	vpush v6, $0xF;
	v6, _, _ =	vpop (xrf0)  }
0x111: {  	(v2sf) =	vpush v6, $0xF;
	_ =	sdelay $0xd  }
0x112: {  	s25 =	spop (v2sf)  }
0x113: {  	s0 =	sadd.s32 s0, s25;
	s26 =	spop (v2sf)  }
0x114: {  	s24 =	sadd.s32 s0, s26  }
0x115: {  	s28 =	sadd.s32 $0xF, s24  }
0x116: {  	s29 =	sand.u32 $0xF, s28  }
0x117: {  	s30 =	sshra.s32 s28, $0x1F;
	p1 =	slt.s32 s28, $0x1;
	p0 =	sne.s32 s29, $0x0  }
0x118: {  	v5 =	vshll.u32 v5, $0xE;
	s26 =	sshrl.u32 s30, $0x1C;
	p0 =	por !p1, !p0  }
0x119: {  	v5 =	vand.u32 $0x1FFFC000, v5;
	s25 =	sadd.s32 s26, s28;
	s26 =	simm.s32 $0x1;
	p0 =	por !p0, !p0  }
0x11a: {  	v5 =	vor.u32 s23, v5;
	s31 =	sshra.s32 s25, $0x4;
	s26 =	simm.s32 @!p0 $0x0  }
0x11b: {  	v5 =	vor.u32 v3, v5;
	s23 =	ssub.s32 s31, s26  }
0x11c: {  	[tilespmem:s0+$0x4000] =	vst.msk vm15, v5;
	v5 =	vmov s24;
	s24 =	simm.s32 $0x0;
	s25 =	simm.s32 $0x0;
	p0 =	slt.s32 s23, $0x1  }
.LBB2_6:
.Ltmp4:
0x11d: {  	(pc) =	sbr.rel @p0 .LBB2_13-.Ltmp4, $4  }
0x11e: {  	_ = 	snop  }
0x11f: {  	_ =	swait.ge [sflag:s17], $0x8000  }
0x120: {  	[sflag:s17] =	ssyncset.done $0x0  }
0x121: {  	s26 =	sshll.u32 s25, $0xB;
	s0 =	simm.s32 $0x0;
	[sflag:s17] =	ssyncadd.s32 $0xFFFF8000  }
0x122: {  	p2 =	sne.s32 s23, $0x1  }
.Ltmp5:
0x123: {  	_ = 	snop;
	(pc) =	sbr.rel @!p2 .LBB2_8-.Ltmp5, $4  }
0x124: {  	_ = 	snop  }
0x125: {  	p1 =	slt.s32 s26, s8;
	s0 =	smov.u32 s8  }
0x126: {  	s29 =	simm.s32 $0x4000;
	s0 =	smov.u32 @p1 s26  }
0x127: {  	s28 =	simm.s32 $0x0;
	v7 =	vld [tilespmem:s29+$0x0];
	p1 =	por $0x0, $0x0;
	v6 =	vmov s0;
	s0 =	sadd.s32 $0xFFFFFFFF, s23  }
0x128: {  	_ =	sdelay $0x3  }
0x129: {  	v8 =	vshra.s32 v7, $0xE  }
0x12a: {  	v9 =	vor.u32 s28, v3;
	v8 =	vsub.s32 v8, v6  }
0x12b: {  	vm0 =	vlt.s32 v9, v5;
	vm1 =	vlt.u32 v8, $0x400  }
0x12c: {  	vm0 =	vmand vm0, vm1  }
0x12d: {  	v63 =	vsel vm0, $0x1, v4  }
0x12e: {  	(xrf0) =	vadd.scan.msk.s32 $0xffff, v63;
	_ =	sdelay $0x1  }
0x12f: {  	v7 =	vand.u32 $0x3FFF, v7;
	v8 =	vshll.u32 v8, $0xE  }
0x130: {  	p2 =	sne.s32 s0, $0x1;
	v7 =	vor.u32 v7, v8  }
.Ltmp6:
0x131: {  	_ = 	snop;
	(pc) =	sbr.rel @!p2 .LBB2_10-.Ltmp6, $4  }
0x132: {  	_ = 	snop  }
0x133: {  	[tilespmem:s28+$0x0] =	vst.msk vm0, v7;
	v7, _, _ =	vpop (xrf0)  }
0x134: {  	s31 =	simm.s32 $0x4010;
	s0 =	sadd.s32 $0xFFFFFFFF, s0;
	(v2sf) =	vpush v7, $0xF  }
0x135: {  	p1 =	por $0x1, $0x1;
	s30 =	simm.s32 $0x0;
	s29 =	simm.s32 $0x0;
	v7 =	vld [tilespmem:s31+$0x0]  }
.LBB2_11:
0x136: {  	p2 =	sne.s32 s0, $0x1;
	_ =	sdelay $0x3  }
0x137: {  	s30 =	sadd.s32 $0x10, s30;
	v8 =	vshra.s32 v7, $0xE;
	v7 =	vand.u32 $0x3FFF, v7  }
0x138: {  	v9 =	vor.u32 s30, v3;
	v8 =	vsub.s32 v8, v6  }
0x139: {  	vm0 =	vlt.s32 v9, v5;
	vm1 =	vlt.u32 v8, $0x400;
	v8 =	vshll.u32 v8, $0xE  }
0x13a: {  	vm0 =	vmand vm0, vm1  }
0x13b: {  	v9 =	vsel vm0, $0x1, v4  }
0x13c: {  	(xrf0) =	vadd.scan.msk.s32 $0xffff, v9;
	_ =	sdelay $0x3  }
.Ltmp7:
0x13d: {  	s2 =	spop (v2sf);
	(pc) =	sbr.rel @p2 .LBB2_11-.Ltmp7, $4  }
0x13e: {  	v8 =	vor.u32 v7, v8;
	s29 =	sadd.s32 s29, s2  }
0x13f: {  	[tilespmem:s29+$0x0] =	vst.msk vm0, v8;
	v7, _, _ =	vpop (xrf0)  }
0x140: {  	s31 =	sadd.s32 $0x10, s31;
	(v2sf) =	vpush v7, $0xF  }
0x141: {  	s0 =	sadd.s32 $0xFFFFFFFF, s0;
	v7 =	vld [tilespmem:s31+$0x0]  }
.LBB2_12:
0x142: {  	_ =	sdelay $0x2  }
0x143: {  	s0 =	sadd.s32 @p1 $0x10, s30;
	s2 =	simm.s32 $0x0  }
0x144: {  	s2 =	smov.u32 @p1 s0;
	v8 =	vshra.s32 v7, $0xE  }
0x145: {  	v9 =	vor.u32 s2, v3;
	v6 =	vsub.s32 v8, v6  }
0x146: {  	vm0 =	vlt.s32 v9, v5;
	vm1 =	vlt.u32 v6, $0x400  }
0x147: {  	vm0 =	vmand vm0, vm1  }
0x148: {  	v63 =	vsel vm0, $0x1, v4  }
0x149: {  	(xrf0) =	vadd.scan.msk.s32 $0xffff, v63;
	_ =	sdelay $0x5  }
0x14a: {  	v8, _, _ =	vpop (xrf0)  }
0x14b: {  	(v2sf) =	vpush v8, $0xF;
	_ =	sdelay $0xc  }
0x14c: {  	s0 =	spop @p1 (v2sf)  }
0x14d: {  	v7 =	vand.u32 $0x3FFF, v7;
	v6 =	vshll.u32 v6, $0xE;
	s0 =	sadd.s32 @p1 s29, s0  }
0x14e: {  	v6 =	vor.u32 v7, v6;
	s28 =	smov.u32 @p1 s0;
	s31 =	spop (v2sf)  }
0x14f: {  	[tilespmem:s28+$0x0] =	vst.msk vm0, v6;
	s0 =	sadd.s32 s28, s31  }
.LBB2_13:
0x150: {  	s2 =	sadd.s32 $0xF, s0  }
0x151: {  	s28 =	sand.u32 $0xF, s2  }
0x152: {  	s29 =	sshra.s32 s2, $0x1F;
	p1 =	slt.s32 s2, $0x1;
	p2 =	sne.s32 s28, $0x0  }
0x153: {  	s31 =	sshrl.u32 s29, $0x1C;
	p1 =	por !p1, !p2  }
0x154: {  	s28 =	simm.s32 $0x1;
	s2 =	sadd.s32 s31, s2;
	p1 =	por !p1, !p1  }
0x155: {  	s2 =	sshra.s32 s2, $0x4;
	s28 =	simm.s32 @!p1 $0x0  }
0x156: {  	s29 =	ssub.s32 s2, s28  }
0x157: {  	p1 =	slt.s32 s29, $0x1  }
.Ltmp8:
0x158: {  	_ = 	snop;
	(pc) =	sbr.rel @p1 .LBB2_17-.Ltmp8, $1  }
0x159: {  	_ =	sdelay $0x3  }
0x15a: {  	s2 =	sadd.s32 $0x10, s24  }
0x15b: {  	p1 =	slt.s32 s2, $0x81  }
0x15c: {  	(ifvalue) =	ssetifvalue @!p1 $0xFFFFFFFF;
	s28 =	simm.s32 @!p1 $0x18000  }
0x15d: {  	s30 =	simm.s32 @!p1 $0x80;
	s31 =	simm.s32 @!p1 $0x1C000;
	(ifvalue) =	ssetifvalue @!p1 $0xFFFFFFFF  }
0x15e: {  	[hbm4b:s5+s30] =	stream.indirect.scatter @!p1 [tilespmem:s28], [sflag:$0x1], $0x80, s31, s30, $0x40b8;
	[tilespmem:$0x1C080] =	vst v63  }
0x15f: {  	s28 =	simm.s32 @!p1 $0x1  }
0x160: {  	_ =	swait.ge @!p1 [sflag:s28], $0x4000  }
0x161: {  	[sflag:s28] =	ssyncset.done @!p1 $0x0  }
0x162: {  	v6 =	vimm.s32 @!p1 $0xFFFFFFFF;
	[sflag:s28] =	ssyncadd.s32 @!p1 $0xFFFFC000  }
0x163: {  	[tilespmem:$0x1C070] =	vst @!p1 v6  }
0x164: {  	[tilespmem:$0x1C060] =	vst @!p1 v6  }
0x165: {  	[tilespmem:$0x1C050] =	vst @!p1 v6  }
0x166: {  	[tilespmem:$0x1C040] =	vst @!p1 v6  }
0x167: {  	[tilespmem:$0x1C030] =	vst @!p1 v6  }
0x168: {  	[tilespmem:$0x1C020] =	vst @!p1 v6  }
0x169: {  	[tilespmem:$0x1C000] =	vst @!p1 v6  }
0x16a: {  	s28 =	simm.s32 $0x0;
	[tilespmem:$0x1C010] =	vst @!p1 v6  }
0x16b: {  	v7 =	vld [tilespmem:s28+$0x0];
	_ =	sdelay $0x4  }
0x16c: {  	v8 =	vshra.s32 v7, $0xE  }
0x16d: {  	v6 =	vmov s0;
	v9 =	vor.u32 s28, v3;
	v10 =	vshll.u32 v8, $0x3  }
0x16e: {  	vm0 =	vlt.s32 v9, v6;
	v8 =	vand.u32 $0x7F, v8;
	v9 =	vand.u32 $0xFFFFFC00, v10  }
0x16f: {  	v10 =	vor.u32 v8, v9;
	_ =	sdelay $0x1  }
0x170: {  	p1 =	sgt.s32 s2, $0x80  }
0x171: {  	s24 =	simm.s32 @p1 $0x0  }
0x172: {  	v8 =	vadd.s32 s24, v3  }
0x173: {  	v11 =	vshll.u32 v8, $0x7;
	v9 =	vld.idx.msk [tilespmem:v10+s14+$0x0], vm0  }
0x174: {  	v12 =	vor.u32 $0x80, v10;
	_ =	sdelay $0x3  }
0x175: {  	[tilespmem:v11+s18+$0x0] =	vst.idx.msk vm0, v9  }
0x176: {  	v55 =	vor.u32 $0x1, v11;
	v9 =	vld.idx.msk [tilespmem:v12+s14+$0x0], vm0  }
0x177: {  	v13 =	vor.u32 $0x100, v10;
	_ =	sdelay $0x3  }
0x178: {  	[tilespmem:v55+s18+$0x0] =	vst.idx.msk vm0, v9  }
0x179: {  	v56 =	vor.u32 $0x2, v11;
	v9 =	vld.idx.msk [tilespmem:v13+s14+$0x0], vm0  }
0x17a: {  	v57 =	vor.u32 $0x180, v10;
	_ =	sdelay $0x3  }
0x17b: {  	[tilespmem:v56+s18+$0x0] =	vst.idx.msk vm0, v9  }
0x17c: {  	v58 =	vor.u32 $0x3, v11;
	v9 =	vld.idx.msk [tilespmem:v57+s14+$0x0], vm0  }
0x17d: {  	v59 =	vor.u32 $0x200, v10;
	_ =	sdelay $0x3  }
0x17e: {  	[tilespmem:v58+s18+$0x0] =	vst.idx.msk vm0, v9  }
0x17f: {  	v60 =	vor.u32 $0x4, v11;
	v9 =	vld.idx.msk [tilespmem:v59+s14+$0x0], vm0  }
0x180: {  	v61 =	vor.u32 $0x280, v10;
	_ =	sdelay $0x3  }
0x181: {  	[tilespmem:v60+s18+$0x0] =	vst.idx.msk vm0, v9  }
0x182: {  	v62 =	vor.u32 $0x5, v11;
	v9 =	vld.idx.msk [tilespmem:v61+s14+$0x0], vm0  }
0x183: {  	v63 =	vor.u32 $0x300, v10;
	_ =	sdelay $0x3  }
0x184: {  	[tilespmem:v62+s18+$0x0] =	vst.idx.msk vm0, v9  }
0x185: {  	v16 =	vor.u32 $0x6, v11;
	v9 =	vld.idx.msk [tilespmem:v63+s14+$0x0], vm0  }
0x186: {  	v17 =	vor.u32 $0x380, v10;
	_ =	sdelay $0x3  }
0x187: {  	[tilespmem:v16+s18+$0x0] =	vst.idx.msk vm0, v9  }
0x188: {  	v18 =	vor.u32 $0x7, v11;
	v9 =	vld.idx.msk [tilespmem:v17+s14+$0x0], vm0  }
0x189: {  	v19 =	vadd.s32 $0x2000, v10;
	_ =	sdelay $0x3  }
0x18a: {  	[tilespmem:v18+s18+$0x0] =	vst.idx.msk vm0, v9  }
0x18b: {  	v20 =	vor.u32 $0x8, v11;
	v9 =	vld.idx.msk [tilespmem:v19+s14+$0x0], vm0  }
0x18c: {  	v21 =	vadd.s32 $0x2080, v10;
	_ =	sdelay $0x3  }
0x18d: {  	[tilespmem:v20+s18+$0x0] =	vst.idx.msk vm0, v9  }
0x18e: {  	v22 =	vor.u32 $0x9, v11;
	v9 =	vld.idx.msk [tilespmem:v21+s14+$0x0], vm0  }
0x18f: {  	v23 =	vadd.s32 $0x2100, v10;
	_ =	sdelay $0x3  }
0x190: {  	[tilespmem:v22+s18+$0x0] =	vst.idx.msk vm0, v9  }
0x191: {  	v24 =	vor.u32 $0xA, v11;
	v9 =	vld.idx.msk [tilespmem:v23+s14+$0x0], vm0  }
0x192: {  	v25 =	vadd.s32 $0x2180, v10;
	_ =	sdelay $0x3  }
0x193: {  	[tilespmem:v24+s18+$0x0] =	vst.idx.msk vm0, v9  }
0x194: {  	v26 =	vor.u32 $0xB, v11;
	v9 =	vld.idx.msk [tilespmem:v25+s14+$0x0], vm0  }
0x195: {  	v27 =	vadd.s32 $0x2200, v10;
	_ =	sdelay $0x3  }
0x196: {  	[tilespmem:v26+s18+$0x0] =	vst.idx.msk vm0, v9  }
0x197: {  	v28 =	vor.u32 $0xC, v11;
	v9 =	vld.idx.msk [tilespmem:v27+s14+$0x0], vm0  }
0x198: {  	v29 =	vadd.s32 $0x2280, v10;
	_ =	sdelay $0x3  }
0x199: {  	[tilespmem:v28+s18+$0x0] =	vst.idx.msk vm0, v9  }
0x19a: {  	v30 =	vor.u32 $0xD, v11;
	v9 =	vld.idx.msk [tilespmem:v29+s14+$0x0], vm0  }
0x19b: {  	v31 =	vadd.s32 $0x2300, v10;
	_ =	sdelay $0x3  }
0x19c: {  	[tilespmem:v30+s18+$0x0] =	vst.idx.msk vm0, v9  }
0x19d: {  	v32 =	vor.u32 $0xE, v11;
	v9 =	vld.idx.msk [tilespmem:v31+s14+$0x0], vm0  }
0x19e: {  	v33 =	vadd.s32 $0x2380, v10;
	_ =	sdelay $0x3  }
0x19f: {  	[tilespmem:v32+s18+$0x0] =	vst.idx.msk vm0, v9  }
0x1a0: {  	v34 =	vor.u32 $0xF, v11;
	v9 =	vld.idx.msk [tilespmem:v33+s14+$0x0], vm0  }
0x1a1: {  	v35 =	vadd.s32 $0x4000, v10;
	_ =	sdelay $0x3  }
0x1a2: {  	[tilespmem:v34+s18+$0x0] =	vst.idx.msk vm0, v9  }
0x1a3: {  	v36 =	vor.u32 $0x10, v11;
	v9 =	vld.idx.msk [tilespmem:v35+s14+$0x0], vm0  }
0x1a4: {  	v37 =	vadd.s32 $0x4080, v10;
	_ =	sdelay $0x3  }
0x1a5: {  	[tilespmem:v36+s18+$0x0] =	vst.idx.msk vm0, v9  }
0x1a6: {  	v38 =	vor.u32 $0x11, v11;
	v9 =	vld.idx.msk [tilespmem:v37+s14+$0x0], vm0  }
0x1a7: {  	v39 =	vadd.s32 $0x4100, v10;
	_ =	sdelay $0x3  }
0x1a8: {  	[tilespmem:v38+s18+$0x0] =	vst.idx.msk vm0, v9  }
0x1a9: {  	v40 =	vor.u32 $0x12, v11;
	v9 =	vld.idx.msk [tilespmem:v39+s14+$0x0], vm0  }
0x1aa: {  	v41 =	vadd.s32 $0x4180, v10;
	_ =	sdelay $0x3  }
0x1ab: {  	[tilespmem:v40+s18+$0x0] =	vst.idx.msk vm0, v9  }
0x1ac: {  	v42 =	vor.u32 $0x13, v11;
	v9 =	vld.idx.msk [tilespmem:v41+s14+$0x0], vm0  }
0x1ad: {  	v43 =	vadd.s32 $0x4200, v10;
	_ =	sdelay $0x3  }
0x1ae: {  	[tilespmem:v42+s18+$0x0] =	vst.idx.msk vm0, v9  }
0x1af: {  	v44 =	vor.u32 $0x14, v11;
	v9 =	vld.idx.msk [tilespmem:v43+s14+$0x0], vm0  }
0x1b0: {  	v45 =	vadd.s32 $0x4280, v10;
	_ =	sdelay $0x3  }
0x1b1: {  	[tilespmem:v44+s18+$0x0] =	vst.idx.msk vm0, v9  }
0x1b2: {  	v46 =	vor.u32 $0x15, v11;
	v9 =	vld.idx.msk [tilespmem:v45+s14+$0x0], vm0  }
0x1b3: {  	v47 =	vadd.s32 $0x4300, v10;
	_ =	sdelay $0x3  }
0x1b4: {  	[tilespmem:v46+s18+$0x0] =	vst.idx.msk vm0, v9  }
0x1b5: {  	v48 =	vor.u32 $0x16, v11;
	v9 =	vld.idx.msk [tilespmem:v47+s14+$0x0], vm0  }
0x1b6: {  	v49 =	vadd.s32 $0x4380, v10;
	_ =	sdelay $0x3  }
0x1b7: {  	[tilespmem:v48+s18+$0x0] =	vst.idx.msk vm0, v9  }
0x1b8: {  	v50 =	vor.u32 $0x17, v11;
	v9 =	vld.idx.msk [tilespmem:v49+s14+$0x0], vm0  }
0x1b9: {  	v51 =	vadd.s32 $0x6000, v10;
	_ =	sdelay $0x3  }
0x1ba: {  	[tilespmem:v50+s18+$0x0] =	vst.idx.msk vm0, v9  }
0x1bb: {  	v52 =	vor.u32 $0x18, v11;
	v9 =	vld.idx.msk [tilespmem:v51+s14+$0x0], vm0  }
0x1bc: {  	v53 =	vadd.s32 $0x6080, v10;
	_ =	sdelay $0x3  }
0x1bd: {  	[tilespmem:v52+s18+$0x0] =	vst.idx.msk vm0, v9  }
0x1be: {  	v54 =	vor.u32 $0x19, v11;
	v9 =	vld.idx.msk [tilespmem:v53+s14+$0x0], vm0  }
0x1bf: {  	v55 =	vadd.s32 $0x6100, v10;
	_ =	sdelay $0x3  }
0x1c0: {  	[tilespmem:v54+s18+$0x0] =	vst.idx.msk vm0, v9  }
0x1c1: {  	v56 =	vor.u32 $0x1A, v11;
	v9 =	vld.idx.msk [tilespmem:v55+s14+$0x0], vm0  }
0x1c2: {  	v57 =	vadd.s32 $0x6180, v10;
	_ =	sdelay $0x3  }
0x1c3: {  	v14 =	vsel vm0, $0x1, v4;
	[tilespmem:v56+s18+$0x0] =	vst.idx.msk vm0, v9  }
0x1c4: {  	(xrf0) =	vadd.scan.msk.s32 $0xffff, v14;
	v58 =	vor.u32 $0x1B, v11;
	v9 =	vld.idx.msk [tilespmem:v57+s14+$0x0], vm0  }
0x1c5: {  	v59 =	vadd.s32 $0x6200, v10;
	_ =	sdelay $0x3  }
0x1c6: {  	[tilespmem:v58+s18+$0x0] =	vst.idx.msk vm0, v9  }
0x1c7: {  	v60 =	vor.u32 $0x1C, v11;
	v9, _, _ =	vpop (xrf0);
	v12 =	vld.idx.msk [tilespmem:v59+s14+$0x0], vm0  }
0x1c8: {  	(v2sf) =	vpush v9, $0xF;
	v9 =	vadd.s32 $0x6280, v10;
	_ =	sdelay $0x3  }
0x1c9: {  	[tilespmem:v60+s18+$0x0] =	vst.idx.msk vm0, v12  }
0x1ca: {  	v61 =	vor.u32 $0x1D, v11;
	v9 =	vld.idx.msk [tilespmem:v9+s14+$0x0], vm0  }
0x1cb: {  	v62 =	vadd.s32 $0x6300, v10;
	_ =	sdelay $0x3  }
0x1cc: {  	s29 =	sadd.s32 $0xFFFFFFFF, s29;
	[tilespmem:v61+s18+$0x0] =	vst.idx.msk vm0, v9  }
0x1cd: {  	p1 =	sne.s32 s29, $0x0;
	v63 =	vor.u32 $0x1E, v11;
	v12 =	vld.idx.msk [tilespmem:v62+s14+$0x0], vm0  }
.Ltmp9:
0x1ce: {  	v10 =	vadd.s32 $0x6380, v10;
	(pc) =	sbr.rel @!p1 .LBB2_16-.Ltmp9, $3  }
0x1cf: {  	_ =	sdelay $0x1  }
0x1d0: {  	s31 =	spop (v2sf)  }
0x1d1: {  	s30 =	simm.s32 $0x0;
	v9 =	vor.u32 $0x1F, v11;
	s24 =	sadd.s32 s24, s31;
	[tilespmem:v63+s18+$0x0] =	vst.idx.msk vm0, v12  }
.LBB2_15:
0x1d2: {  	s29 =	sadd.s32 $0xFFFFFFFF, s29;
	v10 =	vld.idx.msk [tilespmem:v10+s14+$0x0], vm0;
	s28 =	sadd.s32 $0x10, s28;
	s30 =	sadd.s32 $0x10, s30  }
0x1d3: {  	p1 =	sne.s32 s29, $0x0;
	_ =	sdelay $0x2  }
0x1d4: {  	s0 =	sadd.s32 $0x10, s24  }
0x1d5: {  	v7 =	vand.u32 $0x3FFF, v7;
	p2 =	slt.s32 s0, $0x81;
	p3 =	sgt.s32 s0, $0x80  }
0x1d6: {  	s0 =	simm.s32 @!p2 $0x18000;
	s2 =	simm.s32 @!p2 $0x1;
	(ifvalue) =	ssetifvalue @!p2 $0xFFFFFFFF;
	[tilespmem:v9+s18+$0x0] =	vst.idx.msk vm0, v10  }
0x1d7: {  	s31 =	simm.s32 @!p2 $0x80;
	s3 =	simm.s32 @!p2 $0x1C000;
	(ifvalue) =	ssetifvalue @!p2 $0xFFFFFFFF;
	[tilespmem:v8+s19+$0x0] =	vst.idx.msk vm0, v7  }
0x1d8: {  	[hbm4b:s5+s31] =	stream.indirect.scatter @!p2 [tilespmem:s0], [sflag:$0x1], $0x80, s3, s31, $0x40b8;
	[tilespmem:$0x1C080] =	vst v63  }
0x1d9: {  	s24 =	simm.s32 @p3 $0x0;
	_ =	swait.ge @!p2 [sflag:s2], $0x4000  }
0x1da: {  	[sflag:s2] =	ssyncset.done @!p2 $0x0  }
0x1db: {  	v7 =	vimm.s32 @!p2 $0xFFFFFFFF;
	[sflag:s2] =	ssyncadd.s32 @!p2 $0xFFFFC000  }
0x1dc: {  	[tilespmem:$0x1C070] =	vst @!p2 v7  }
0x1dd: {  	[tilespmem:$0x1C060] =	vst @!p2 v7  }
0x1de: {  	[tilespmem:$0x1C050] =	vst @!p2 v7  }
0x1df: {  	[tilespmem:$0x1C040] =	vst @!p2 v7  }
0x1e0: {  	[tilespmem:$0x1C030] =	vst @!p2 v7  }
0x1e1: {  	[tilespmem:$0x1C020] =	vst @!p2 v7  }
0x1e2: {  	[tilespmem:$0x1C000] =	vst @!p2 v7  }
0x1e3: {  	[tilespmem:$0x1C010] =	vst @!p2 v7  }
0x1e4: {  	v7 =	vld [tilespmem:s28+$0x0];
	_ =	sdelay $0x4  }
0x1e5: {  	v8 =	vor.u32 s30, v3;
	v9 =	vshra.s32 v7, $0xE  }
0x1e6: {  	vm0 =	vlt.s32 v8, v6;
	v8 =	vand.u32 $0x7F, v9;
	v9 =	vshll.u32 v9, $0x3  }
0x1e7: {  	v11 =	vsel vm0, $0x1, v4;
	v9 =	vand.u32 $0xFFFFFC00, v9  }
0x1e8: {  	v10 =	vor.u32 v8, v9;
	(xrf0) =	vadd.scan.msk.s32 $0xffff, v11;
	_ =	sdelay $0x3  }
0x1e9: {  	v8 =	vadd.s32 s24, v3  }
0x1ea: {  	v11 =	vshll.u32 v8, $0x7;
	v12 =	vld.idx.msk [tilespmem:v10+s14+$0x0], vm0  }
0x1eb: {  	v13 =	vor.u32 $0x80, v10;
	v9 =	vor.u32 $0x1F, v11;
	v14, _, _ =	vpop (xrf0)  }
0x1ec: {  	(v2sf) =	vpush v14, $0xF;
	_ =	sdelay $0x3  }
0x1ed: {  	[tilespmem:v11+s18+$0x0] =	vst.idx.msk vm0, v12  }
0x1ee: {  	v12 =	vld.idx.msk [tilespmem:v13+s14+$0x0], vm0;
	v13 =	vor.u32 $0x1, v11  }
0x1ef: {  	v14 =	vor.u32 $0x100, v10;
	_ =	sdelay $0x4  }
0x1f0: {  	[tilespmem:v13+s18+$0x0] =	vst.idx.msk vm0, v12  }
0x1f1: {  	v13 =	vor.u32 $0x2, v11;
	v12 =	vld.idx.msk [tilespmem:v14+s14+$0x0], vm0  }
0x1f2: {  	v14 =	vor.u32 $0x180, v10;
	_ =	sdelay $0x1  }
0x1f3: {  	s0 =	spop (v2sf)  }
0x1f4: {  	s24 =	sadd.s32 s24, s0;
	_ =	sdelay $0x1  }
0x1f5: {  	[tilespmem:v13+s18+$0x0] =	vst.idx.msk vm0, v12  }
0x1f6: {  	v13 =	vor.u32 $0x3, v11;
	v12 =	vld.idx.msk [tilespmem:v14+s14+$0x0], vm0  }
0x1f7: {  	v14 =	vor.u32 $0x200, v10;
	_ =	sdelay $0x4  }
0x1f8: {  	[tilespmem:v13+s18+$0x0] =	vst.idx.msk vm0, v12  }
0x1f9: {  	v13 =	vor.u32 $0x4, v11;
	v12 =	vld.idx.msk [tilespmem:v14+s14+$0x0], vm0  }
0x1fa: {  	v14 =	vor.u32 $0x280, v10;
	_ =	sdelay $0x4  }
0x1fb: {  	[tilespmem:v13+s18+$0x0] =	vst.idx.msk vm0, v12  }
0x1fc: {  	v13 =	vor.u32 $0x5, v11;
	v12 =	vld.idx.msk [tilespmem:v14+s14+$0x0], vm0  }
0x1fd: {  	v14 =	vor.u32 $0x300, v10;
	_ =	sdelay $0x4  }
0x1fe: {  	[tilespmem:v13+s18+$0x0] =	vst.idx.msk vm0, v12  }
0x1ff: {  	v13 =	vor.u32 $0x6, v11;
	v12 =	vld.idx.msk [tilespmem:v14+s14+$0x0], vm0  }
0x200: {  	v14 =	vor.u32 $0x380, v10;
	_ =	sdelay $0x4  }
0x201: {  	[tilespmem:v13+s18+$0x0] =	vst.idx.msk vm0, v12  }
0x202: {  	v13 =	vor.u32 $0x7, v11;
	v12 =	vld.idx.msk [tilespmem:v14+s14+$0x0], vm0  }
0x203: {  	v14 =	vadd.s32 $0x2000, v10;
	_ =	sdelay $0x4  }
0x204: {  	[tilespmem:v13+s18+$0x0] =	vst.idx.msk vm0, v12  }
0x205: {  	v13 =	vor.u32 $0x8, v11;
	v12 =	vld.idx.msk [tilespmem:v14+s14+$0x0], vm0  }
0x206: {  	v14 =	vadd.s32 $0x2080, v10;
	_ =	sdelay $0x4  }
0x207: {  	[tilespmem:v13+s18+$0x0] =	vst.idx.msk vm0, v12  }
0x208: {  	v13 =	vor.u32 $0x9, v11;
	v12 =	vld.idx.msk [tilespmem:v14+s14+$0x0], vm0  }
0x209: {  	v14 =	vadd.s32 $0x2100, v10;
	_ =	sdelay $0x4  }
0x20a: {  	[tilespmem:v13+s18+$0x0] =	vst.idx.msk vm0, v12  }
0x20b: {  	v13 =	vor.u32 $0xA, v11;
	v12 =	vld.idx.msk [tilespmem:v14+s14+$0x0], vm0  }
0x20c: {  	v14 =	vadd.s32 $0x2180, v10;
	_ =	sdelay $0x4  }
0x20d: {  	[tilespmem:v13+s18+$0x0] =	vst.idx.msk vm0, v12  }
0x20e: {  	v13 =	vor.u32 $0xB, v11;
	v12 =	vld.idx.msk [tilespmem:v14+s14+$0x0], vm0  }
0x20f: {  	v14 =	vadd.s32 $0x2200, v10;
	_ =	sdelay $0x4  }
0x210: {  	[tilespmem:v13+s18+$0x0] =	vst.idx.msk vm0, v12  }
0x211: {  	v13 =	vor.u32 $0xC, v11;
	v12 =	vld.idx.msk [tilespmem:v14+s14+$0x0], vm0  }
0x212: {  	v14 =	vadd.s32 $0x2280, v10;
	_ =	sdelay $0x4  }
0x213: {  	[tilespmem:v13+s18+$0x0] =	vst.idx.msk vm0, v12  }
0x214: {  	v13 =	vor.u32 $0xD, v11;
	v12 =	vld.idx.msk [tilespmem:v14+s14+$0x0], vm0  }
0x215: {  	v14 =	vadd.s32 $0x2300, v10;
	_ =	sdelay $0x4  }
0x216: {  	[tilespmem:v13+s18+$0x0] =	vst.idx.msk vm0, v12  }
0x217: {  	v13 =	vor.u32 $0xE, v11;
	v12 =	vld.idx.msk [tilespmem:v14+s14+$0x0], vm0  }
0x218: {  	v14 =	vadd.s32 $0x2380, v10;
	_ =	sdelay $0x4  }
0x219: {  	[tilespmem:v13+s18+$0x0] =	vst.idx.msk vm0, v12  }
0x21a: {  	v13 =	vor.u32 $0xF, v11;
	v12 =	vld.idx.msk [tilespmem:v14+s14+$0x0], vm0  }
0x21b: {  	v14 =	vadd.s32 $0x4000, v10;
	_ =	sdelay $0x4  }
0x21c: {  	[tilespmem:v13+s18+$0x0] =	vst.idx.msk vm0, v12  }
0x21d: {  	v13 =	vor.u32 $0x10, v11;
	v12 =	vld.idx.msk [tilespmem:v14+s14+$0x0], vm0  }
0x21e: {  	v14 =	vadd.s32 $0x4080, v10;
	_ =	sdelay $0x4  }
0x21f: {  	[tilespmem:v13+s18+$0x0] =	vst.idx.msk vm0, v12  }
0x220: {  	v13 =	vor.u32 $0x11, v11;
	v12 =	vld.idx.msk [tilespmem:v14+s14+$0x0], vm0  }
0x221: {  	v14 =	vadd.s32 $0x4100, v10;
	_ =	sdelay $0x4  }
0x222: {  	[tilespmem:v13+s18+$0x0] =	vst.idx.msk vm0, v12  }
0x223: {  	v13 =	vor.u32 $0x12, v11;
	v12 =	vld.idx.msk [tilespmem:v14+s14+$0x0], vm0  }
0x224: {  	v14 =	vadd.s32 $0x4180, v10;
	_ =	sdelay $0x4  }
0x225: {  	[tilespmem:v13+s18+$0x0] =	vst.idx.msk vm0, v12  }
0x226: {  	v13 =	vor.u32 $0x13, v11;
	v12 =	vld.idx.msk [tilespmem:v14+s14+$0x0], vm0  }
0x227: {  	v14 =	vadd.s32 $0x4200, v10;
	_ =	sdelay $0x4  }
0x228: {  	[tilespmem:v13+s18+$0x0] =	vst.idx.msk vm0, v12  }
0x229: {  	v13 =	vor.u32 $0x14, v11;
	v12 =	vld.idx.msk [tilespmem:v14+s14+$0x0], vm0  }
0x22a: {  	v14 =	vadd.s32 $0x4280, v10;
	_ =	sdelay $0x4  }
0x22b: {  	[tilespmem:v13+s18+$0x0] =	vst.idx.msk vm0, v12  }
0x22c: {  	v13 =	vor.u32 $0x15, v11;
	v12 =	vld.idx.msk [tilespmem:v14+s14+$0x0], vm0  }
0x22d: {  	v14 =	vadd.s32 $0x4300, v10;
	_ =	sdelay $0x4  }
0x22e: {  	[tilespmem:v13+s18+$0x0] =	vst.idx.msk vm0, v12  }
0x22f: {  	v13 =	vor.u32 $0x16, v11;
	v12 =	vld.idx.msk [tilespmem:v14+s14+$0x0], vm0  }
0x230: {  	v14 =	vadd.s32 $0x4380, v10;
	_ =	sdelay $0x4  }
0x231: {  	[tilespmem:v13+s18+$0x0] =	vst.idx.msk vm0, v12  }
0x232: {  	v13 =	vor.u32 $0x17, v11;
	v12 =	vld.idx.msk [tilespmem:v14+s14+$0x0], vm0  }
0x233: {  	v14 =	vadd.s32 $0x6000, v10;
	_ =	sdelay $0x4  }
0x234: {  	[tilespmem:v13+s18+$0x0] =	vst.idx.msk vm0, v12  }
0x235: {  	v13 =	vor.u32 $0x18, v11;
	v12 =	vld.idx.msk [tilespmem:v14+s14+$0x0], vm0  }
0x236: {  	v14 =	vadd.s32 $0x6080, v10;
	_ =	sdelay $0x4  }
0x237: {  	[tilespmem:v13+s18+$0x0] =	vst.idx.msk vm0, v12  }
0x238: {  	v13 =	vor.u32 $0x19, v11;
	v12 =	vld.idx.msk [tilespmem:v14+s14+$0x0], vm0  }
0x239: {  	v14 =	vadd.s32 $0x6100, v10;
	_ =	sdelay $0x4  }
0x23a: {  	[tilespmem:v13+s18+$0x0] =	vst.idx.msk vm0, v12  }
0x23b: {  	v13 =	vor.u32 $0x1A, v11;
	v12 =	vld.idx.msk [tilespmem:v14+s14+$0x0], vm0  }
0x23c: {  	v14 =	vadd.s32 $0x6180, v10;
	_ =	sdelay $0x4  }
0x23d: {  	[tilespmem:v13+s18+$0x0] =	vst.idx.msk vm0, v12  }
0x23e: {  	v13 =	vor.u32 $0x1B, v11;
	v12 =	vld.idx.msk [tilespmem:v14+s14+$0x0], vm0  }
0x23f: {  	v14 =	vadd.s32 $0x6200, v10;
	_ =	sdelay $0x4  }
0x240: {  	[tilespmem:v13+s18+$0x0] =	vst.idx.msk vm0, v12  }
0x241: {  	v13 =	vor.u32 $0x1C, v11;
	v12 =	vld.idx.msk [tilespmem:v14+s14+$0x0], vm0  }
0x242: {  	v14 =	vadd.s32 $0x6280, v10;
	_ =	sdelay $0x4  }
0x243: {  	[tilespmem:v13+s18+$0x0] =	vst.idx.msk vm0, v12  }
0x244: {  	v13 =	vor.u32 $0x1D, v11;
	v12 =	vld.idx.msk [tilespmem:v14+s14+$0x0], vm0  }
0x245: {  	v14 =	vadd.s32 $0x6300, v10;
	_ =	sdelay $0x4  }
0x246: {  	[tilespmem:v13+s18+$0x0] =	vst.idx.msk vm0, v12  }
0x247: {  	v11 =	vor.u32 $0x1E, v11;
	v12 =	vld.idx.msk [tilespmem:v14+s14+$0x0], vm0  }
0x248: {  	v10 =	vadd.s32 $0x6380, v10  }
.Ltmp10:
0x249: {  	(pc) =	sbr.rel @p1 .LBB2_15-.Ltmp10, $2  }
0x24a: {  	_ =	sdelay $0x2  }
0x24b: {  	[tilespmem:v11+s18+$0x0] =	vst.idx.msk vm0, v12  }
.LBB2_16:
0x24c: {  	_ =	sdelay $0x4  }
0x24d: {  	v6 =	vld.idx.msk [tilespmem:v10+s14+$0x0], vm0;
	_ =	sdelay $0x4  }
0x24e: {  	v7 =	vand.u32 $0x3FFF, v7;
	[tilespmem:v9+s18+$0x0] =	vst.idx.msk vm0, v6  }
0x24f: {  	[tilespmem:v8+s19+$0x0] =	vst.idx.msk vm0, v7  }
.LBB2_17:
0x250: {  	p1 =	seq.s32 s25, $0xF  }
0x251: {  	s0 =	sadd.s32 @!p1 s26, s9  }
0x252: {  	s2 =	simm.s32 @!p1 $0x2000;
	s3 =	simm.s32 @!p1 $0x7A1400;
	s0 =	smin.u32 @!p1 s0, $0xF3E80  }
.Ltmp11:
0x253: {  	s28 =	simm.s32 @!p1 $0x8000;
	s0 =	sadd.s32 @!p1 s1, s0;
	(pc) =	sbr.rel @p0 .LBB2_18-.Ltmp11, $4  }
0x254: {  	[tilespmem:s28], [sflag:$0x2] =	stream.strided.gather @!p1 [hbm4b:s0+s2], $0x8000, s3, s2, $0x38;
	[tilespmem:$0x1C080] =	vst v63  }
0x255: {  	_ =	swait.ge [sflag:s20], $0x8000  }
0x256: {  	[sflag:s20] =	ssyncset.done $0x0  }
0x257: {  	[sflag:s20] =	ssyncadd.s32 $0xFFFF8000  }
0x258: {  	p3 =	sne.s32 s23, $0x1  }
.Ltmp12:
0x259: {  	_ = 	snop;
	(pc) =	sbr.rel @!p3 .LBB2_20-.Ltmp12, $4  }
0x25a: {  	s0 =	sor.u32 $0x400, s26  }
0x25b: {  	s2 =	smov.u32 s8;
	p2 =	slt.s32 s0, s8  }
0x25c: {  	s31 =	simm.s32 $0x4000;
	s2 =	smov.u32 @p2 s0  }
0x25d: {  	s28 =	simm.s32 $0x0;
	v7 =	vld [tilespmem:s31+$0x0];
	s0 =	sadd.s32 $0xFFFFFFFF, s23;
	p2 =	por $0x0, $0x0;
	v6 =	vmov s2  }
0x25e: {  	_ =	sdelay $0x3  }
0x25f: {  	v8 =	vshra.s32 v7, $0xE  }
0x260: {  	v9 =	vor.u32 s28, v3;
	v8 =	vsub.s32 v8, v6  }
0x261: {  	vm0 =	vlt.s32 v9, v5;
	vm1 =	vlt.u32 v8, $0x400  }
0x262: {  	vm0 =	vmand vm0, vm1  }
0x263: {  	v63 =	vsel vm0, $0x1, v4  }
0x264: {  	(xrf0) =	vadd.scan.msk.s32 $0xffff, v63;
	_ =	sdelay $0x1  }
0x265: {  	v7 =	vand.u32 $0x3FFF, v7;
	v8 =	vshll.u32 v8, $0xE  }
0x266: {  	p3 =	sne.s32 s0, $0x1;
	v7 =	vor.u32 v7, v8  }
.Ltmp13:
0x267: {  	_ = 	snop;
	(pc) =	sbr.rel @!p3 .LBB2_22-.Ltmp13, $4  }
0x268: {  	_ = 	snop  }
0x269: {  	[tilespmem:s28+$0x0] =	vst.msk vm0, v7;
	v7, _, _ =	vpop (xrf0)  }
0x26a: {  	s31 =	simm.s32 $0x4010;
	s0 =	sadd.s32 $0xFFFFFFFF, s0;
	(v2sf) =	vpush v7, $0xF  }
0x26b: {  	p2 =	por $0x1, $0x1;
	s30 =	simm.s32 $0x0;
	s29 =	simm.s32 $0x0;
	v7 =	vld [tilespmem:s31+$0x0]  }
.LBB2_23:
0x26c: {  	p3 =	sne.s32 s0, $0x1;
	_ =	sdelay $0x3  }
0x26d: {  	s30 =	sadd.s32 $0x10, s30;
	v8 =	vshra.s32 v7, $0xE;
	v7 =	vand.u32 $0x3FFF, v7  }
0x26e: {  	v9 =	vor.u32 s30, v3;
	v8 =	vsub.s32 v8, v6  }
0x26f: {  	vm0 =	vlt.s32 v9, v5;
	vm1 =	vlt.u32 v8, $0x400;
	v8 =	vshll.u32 v8, $0xE  }
0x270: {  	vm0 =	vmand vm0, vm1  }
0x271: {  	v9 =	vsel vm0, $0x1, v4  }
0x272: {  	(xrf0) =	vadd.scan.msk.s32 $0xffff, v9;
	_ =	sdelay $0x3  }
.Ltmp14:
0x273: {  	s2 =	spop (v2sf);
	(pc) =	sbr.rel @p3 .LBB2_23-.Ltmp14, $4  }
0x274: {  	v8 =	vor.u32 v7, v8;
	s29 =	sadd.s32 s29, s2  }
0x275: {  	[tilespmem:s29+$0x0] =	vst.msk vm0, v8;
	v7, _, _ =	vpop (xrf0)  }
0x276: {  	s31 =	sadd.s32 $0x10, s31;
	(v2sf) =	vpush v7, $0xF  }
0x277: {  	s0 =	sadd.s32 $0xFFFFFFFF, s0;
	v7 =	vld [tilespmem:s31+$0x0]  }
.LBB2_24:
0x278: {  	_ =	sdelay $0x2  }
0x279: {  	s0 =	sadd.s32 @p2 $0x10, s30;
	s2 =	simm.s32 $0x0  }
0x27a: {  	s2 =	smov.u32 @p2 s0;
	v8 =	vshra.s32 v7, $0xE  }
0x27b: {  	v9 =	vor.u32 s2, v3;
	v6 =	vsub.s32 v8, v6  }
0x27c: {  	vm0 =	vlt.s32 v9, v5;
	vm1 =	vlt.u32 v6, $0x400  }
0x27d: {  	vm0 =	vmand vm0, vm1  }
0x27e: {  	v63 =	vsel vm0, $0x1, v4  }
0x27f: {  	(xrf0) =	vadd.scan.msk.s32 $0xffff, v63;
	_ =	sdelay $0x5  }
0x280: {  	v8, _, _ =	vpop (xrf0)  }
0x281: {  	(v2sf) =	vpush v8, $0xF;
	_ =	sdelay $0xb  }
.Ltmp15:
0x282: {  	_ = 	snop;
	(pc) =	sbr.rel .LBB2_25-.Ltmp15, $4  }
0x283: {  	s0 =	spop @p2 (v2sf)  }
0x284: {  	v7 =	vand.u32 $0x3FFF, v7;
	v6 =	vshll.u32 v6, $0xE;
	s0 =	sadd.s32 @p2 s29, s0  }
0x285: {  	v6 =	vor.u32 v7, v6;
	s28 =	smov.u32 @p2 s0;
	s31 =	spop (v2sf)  }
0x286: {  	[tilespmem:s28+$0x0] =	vst.msk vm0, v6;
	s0 =	sadd.s32 s28, s31  }
.LBB2_18:
0x287: {  	s0 =	simm.s32 $0x0  }
.LBB2_25:
0x288: {  	s2 =	sadd.s32 $0xF, s0  }
0x289: {  	s3 =	sand.u32 $0xF, s2  }
0x28a: {  	s28 =	sshra.s32 s2, $0x1F;
	p2 =	slt.s32 s2, $0x1;
	p3 =	sne.s32 s3, $0x0  }
0x28b: {  	s31 =	sshrl.u32 s28, $0x1C;
	p2 =	por !p2, !p3  }
0x28c: {  	s3 =	simm.s32 $0x1;
	s2 =	sadd.s32 s31, s2;
	p2 =	por !p2, !p2  }
0x28d: {  	s2 =	sshra.s32 s2, $0x4;
	s3 =	simm.s32 @!p2 $0x0  }
0x28e: {  	s29 =	ssub.s32 s2, s3  }
0x28f: {  	p2 =	slt.s32 s29, $0x1  }
.Ltmp16:
0x290: {  	_ = 	snop;
	(pc) =	sbr.rel @p2 .LBB2_29-.Ltmp16, $1  }
0x291: {  	_ =	sdelay $0x3  }
0x292: {  	s2 =	sadd.s32 $0x10, s24  }
0x293: {  	p2 =	slt.s32 s2, $0x81  }
0x294: {  	(ifvalue) =	ssetifvalue @!p2 $0xFFFFFFFF;
	s3 =	simm.s32 @!p2 $0x18000  }
0x295: {  	s28 =	simm.s32 @!p2 $0x80;
	s30 =	simm.s32 @!p2 $0x1C000;
	(ifvalue) =	ssetifvalue @!p2 $0xFFFFFFFF  }
0x296: {  	[hbm4b:s5+s28] =	stream.indirect.scatter @!p2 [tilespmem:s3], [sflag:$0x1], $0x80, s30, s28, $0x40b8;
	[tilespmem:$0x1C080] =	vst v63  }
0x297: {  	s3 =	simm.s32 @!p2 $0x1  }
0x298: {  	_ =	swait.ge @!p2 [sflag:s3], $0x4000  }
0x299: {  	[sflag:s3] =	ssyncset.done @!p2 $0x0  }
0x29a: {  	v6 =	vimm.s32 @!p2 $0xFFFFFFFF;
	[sflag:s3] =	ssyncadd.s32 @!p2 $0xFFFFC000  }
0x29b: {  	[tilespmem:$0x1C070] =	vst @!p2 v6  }
0x29c: {  	[tilespmem:$0x1C060] =	vst @!p2 v6  }
0x29d: {  	[tilespmem:$0x1C050] =	vst @!p2 v6  }
0x29e: {  	[tilespmem:$0x1C040] =	vst @!p2 v6  }
0x29f: {  	[tilespmem:$0x1C030] =	vst @!p2 v6  }
0x2a0: {  	[tilespmem:$0x1C020] =	vst @!p2 v6  }
0x2a1: {  	[tilespmem:$0x1C000] =	vst @!p2 v6  }
0x2a2: {  	s28 =	simm.s32 $0x0;
	[tilespmem:$0x1C010] =	vst @!p2 v6  }
0x2a3: {  	v7 =	vld [tilespmem:s28+$0x0];
	_ =	sdelay $0x4  }
0x2a4: {  	v8 =	vshra.s32 v7, $0xE  }
0x2a5: {  	v9 =	vor.u32 s28, v3;
	v6 =	vmov s0;
	v10 =	vshll.u32 v8, $0x3  }
0x2a6: {  	vm0 =	vlt.s32 v9, v6;
	v8 =	vand.u32 $0x7F, v8;
	v9 =	vand.u32 $0xFFFFFC00, v10  }
0x2a7: {  	v10 =	vor.u32 v8, v9;
	_ =	sdelay $0x1  }
0x2a8: {  	p2 =	sgt.s32 s2, $0x80  }
0x2a9: {  	s24 =	simm.s32 @p2 $0x0  }
0x2aa: {  	v8 =	vadd.s32 s24, v3  }
0x2ab: {  	v11 =	vshll.u32 v8, $0x7;
	v9 =	vld.idx.msk [tilespmem:v10+s15+$0x0], vm0  }
0x2ac: {  	v12 =	vor.u32 $0x80, v10;
	_ =	sdelay $0x3  }
0x2ad: {  	[tilespmem:v11+s18+$0x0] =	vst.idx.msk vm0, v9  }
0x2ae: {  	v55 =	vor.u32 $0x1, v11;
	v9 =	vld.idx.msk [tilespmem:v12+s15+$0x0], vm0  }
0x2af: {  	v13 =	vor.u32 $0x100, v10;
	_ =	sdelay $0x3  }
0x2b0: {  	[tilespmem:v55+s18+$0x0] =	vst.idx.msk vm0, v9  }
0x2b1: {  	v56 =	vor.u32 $0x2, v11;
	v9 =	vld.idx.msk [tilespmem:v13+s15+$0x0], vm0  }
0x2b2: {  	v57 =	vor.u32 $0x180, v10;
	_ =	sdelay $0x3  }
0x2b3: {  	[tilespmem:v56+s18+$0x0] =	vst.idx.msk vm0, v9  }
0x2b4: {  	v58 =	vor.u32 $0x3, v11;
	v9 =	vld.idx.msk [tilespmem:v57+s15+$0x0], vm0  }
0x2b5: {  	v59 =	vor.u32 $0x200, v10;
	_ =	sdelay $0x3  }
0x2b6: {  	[tilespmem:v58+s18+$0x0] =	vst.idx.msk vm0, v9  }
0x2b7: {  	v60 =	vor.u32 $0x4, v11;
	v9 =	vld.idx.msk [tilespmem:v59+s15+$0x0], vm0  }
0x2b8: {  	v61 =	vor.u32 $0x280, v10;
	_ =	sdelay $0x3  }
0x2b9: {  	[tilespmem:v60+s18+$0x0] =	vst.idx.msk vm0, v9  }
0x2ba: {  	v62 =	vor.u32 $0x5, v11;
	v9 =	vld.idx.msk [tilespmem:v61+s15+$0x0], vm0  }
0x2bb: {  	v63 =	vor.u32 $0x300, v10;
	_ =	sdelay $0x3  }
0x2bc: {  	[tilespmem:v62+s18+$0x0] =	vst.idx.msk vm0, v9  }
0x2bd: {  	v16 =	vor.u32 $0x6, v11;
	v9 =	vld.idx.msk [tilespmem:v63+s15+$0x0], vm0  }
0x2be: {  	v17 =	vor.u32 $0x380, v10;
	_ =	sdelay $0x3  }
0x2bf: {  	[tilespmem:v16+s18+$0x0] =	vst.idx.msk vm0, v9  }
0x2c0: {  	v18 =	vor.u32 $0x7, v11;
	v9 =	vld.idx.msk [tilespmem:v17+s15+$0x0], vm0  }
0x2c1: {  	v19 =	vadd.s32 $0x2000, v10;
	_ =	sdelay $0x3  }
0x2c2: {  	[tilespmem:v18+s18+$0x0] =	vst.idx.msk vm0, v9  }
0x2c3: {  	v20 =	vor.u32 $0x8, v11;
	v9 =	vld.idx.msk [tilespmem:v19+s15+$0x0], vm0  }
0x2c4: {  	v21 =	vadd.s32 $0x2080, v10;
	_ =	sdelay $0x3  }
0x2c5: {  	[tilespmem:v20+s18+$0x0] =	vst.idx.msk vm0, v9  }
0x2c6: {  	v22 =	vor.u32 $0x9, v11;
	v9 =	vld.idx.msk [tilespmem:v21+s15+$0x0], vm0  }
0x2c7: {  	v23 =	vadd.s32 $0x2100, v10;
	_ =	sdelay $0x3  }
0x2c8: {  	[tilespmem:v22+s18+$0x0] =	vst.idx.msk vm0, v9  }
0x2c9: {  	v24 =	vor.u32 $0xA, v11;
	v9 =	vld.idx.msk [tilespmem:v23+s15+$0x0], vm0  }
0x2ca: {  	v25 =	vadd.s32 $0x2180, v10;
	_ =	sdelay $0x3  }
0x2cb: {  	[tilespmem:v24+s18+$0x0] =	vst.idx.msk vm0, v9  }
0x2cc: {  	v26 =	vor.u32 $0xB, v11;
	v9 =	vld.idx.msk [tilespmem:v25+s15+$0x0], vm0  }
0x2cd: {  	v27 =	vadd.s32 $0x2200, v10;
	_ =	sdelay $0x3  }
0x2ce: {  	[tilespmem:v26+s18+$0x0] =	vst.idx.msk vm0, v9  }
0x2cf: {  	v28 =	vor.u32 $0xC, v11;
	v9 =	vld.idx.msk [tilespmem:v27+s15+$0x0], vm0  }
0x2d0: {  	v29 =	vadd.s32 $0x2280, v10;
	_ =	sdelay $0x3  }
0x2d1: {  	[tilespmem:v28+s18+$0x0] =	vst.idx.msk vm0, v9  }
0x2d2: {  	v30 =	vor.u32 $0xD, v11;
	v9 =	vld.idx.msk [tilespmem:v29+s15+$0x0], vm0  }
0x2d3: {  	v31 =	vadd.s32 $0x2300, v10;
	_ =	sdelay $0x3  }
0x2d4: {  	[tilespmem:v30+s18+$0x0] =	vst.idx.msk vm0, v9  }
0x2d5: {  	v32 =	vor.u32 $0xE, v11;
	v9 =	vld.idx.msk [tilespmem:v31+s15+$0x0], vm0  }
0x2d6: {  	v33 =	vadd.s32 $0x2380, v10;
	_ =	sdelay $0x3  }
0x2d7: {  	[tilespmem:v32+s18+$0x0] =	vst.idx.msk vm0, v9  }
0x2d8: {  	v34 =	vor.u32 $0xF, v11;
	v9 =	vld.idx.msk [tilespmem:v33+s15+$0x0], vm0  }
0x2d9: {  	v35 =	vadd.s32 $0x4000, v10;
	_ =	sdelay $0x3  }
0x2da: {  	[tilespmem:v34+s18+$0x0] =	vst.idx.msk vm0, v9  }
0x2db: {  	v36 =	vor.u32 $0x10, v11;
	v9 =	vld.idx.msk [tilespmem:v35+s15+$0x0], vm0  }
0x2dc: {  	v37 =	vadd.s32 $0x4080, v10;
	_ =	sdelay $0x3  }
0x2dd: {  	[tilespmem:v36+s18+$0x0] =	vst.idx.msk vm0, v9  }
0x2de: {  	v38 =	vor.u32 $0x11, v11;
	v9 =	vld.idx.msk [tilespmem:v37+s15+$0x0], vm0  }
0x2df: {  	v39 =	vadd.s32 $0x4100, v10;
	_ =	sdelay $0x3  }
0x2e0: {  	[tilespmem:v38+s18+$0x0] =	vst.idx.msk vm0, v9  }
0x2e1: {  	v40 =	vor.u32 $0x12, v11;
	v9 =	vld.idx.msk [tilespmem:v39+s15+$0x0], vm0  }
0x2e2: {  	v41 =	vadd.s32 $0x4180, v10;
	_ =	sdelay $0x3  }
0x2e3: {  	[tilespmem:v40+s18+$0x0] =	vst.idx.msk vm0, v9  }
0x2e4: {  	v42 =	vor.u32 $0x13, v11;
	v9 =	vld.idx.msk [tilespmem:v41+s15+$0x0], vm0  }
0x2e5: {  	v43 =	vadd.s32 $0x4200, v10;
	_ =	sdelay $0x3  }
0x2e6: {  	[tilespmem:v42+s18+$0x0] =	vst.idx.msk vm0, v9  }
0x2e7: {  	v44 =	vor.u32 $0x14, v11;
	v9 =	vld.idx.msk [tilespmem:v43+s15+$0x0], vm0  }
0x2e8: {  	v45 =	vadd.s32 $0x4280, v10;
	_ =	sdelay $0x3  }
0x2e9: {  	[tilespmem:v44+s18+$0x0] =	vst.idx.msk vm0, v9  }
0x2ea: {  	v46 =	vor.u32 $0x15, v11;
	v9 =	vld.idx.msk [tilespmem:v45+s15+$0x0], vm0  }
0x2eb: {  	v47 =	vadd.s32 $0x4300, v10;
	_ =	sdelay $0x3  }
0x2ec: {  	[tilespmem:v46+s18+$0x0] =	vst.idx.msk vm0, v9  }
0x2ed: {  	v48 =	vor.u32 $0x16, v11;
	v9 =	vld.idx.msk [tilespmem:v47+s15+$0x0], vm0  }
0x2ee: {  	v49 =	vadd.s32 $0x4380, v10;
	_ =	sdelay $0x3  }
0x2ef: {  	[tilespmem:v48+s18+$0x0] =	vst.idx.msk vm0, v9  }
0x2f0: {  	v50 =	vor.u32 $0x17, v11;
	v9 =	vld.idx.msk [tilespmem:v49+s15+$0x0], vm0  }
0x2f1: {  	v51 =	vadd.s32 $0x6000, v10;
	_ =	sdelay $0x3  }
0x2f2: {  	[tilespmem:v50+s18+$0x0] =	vst.idx.msk vm0, v9  }
0x2f3: {  	v52 =	vor.u32 $0x18, v11;
	v9 =	vld.idx.msk [tilespmem:v51+s15+$0x0], vm0  }
0x2f4: {  	v53 =	vadd.s32 $0x6080, v10;
	_ =	sdelay $0x3  }
0x2f5: {  	[tilespmem:v52+s18+$0x0] =	vst.idx.msk vm0, v9  }
0x2f6: {  	v54 =	vor.u32 $0x19, v11;
	v9 =	vld.idx.msk [tilespmem:v53+s15+$0x0], vm0  }
0x2f7: {  	v55 =	vadd.s32 $0x6100, v10;
	_ =	sdelay $0x3  }
0x2f8: {  	[tilespmem:v54+s18+$0x0] =	vst.idx.msk vm0, v9  }
0x2f9: {  	v56 =	vor.u32 $0x1A, v11;
	v9 =	vld.idx.msk [tilespmem:v55+s15+$0x0], vm0  }
0x2fa: {  	v57 =	vadd.s32 $0x6180, v10;
	_ =	sdelay $0x3  }
0x2fb: {  	v14 =	vsel vm0, $0x1, v4;
	[tilespmem:v56+s18+$0x0] =	vst.idx.msk vm0, v9  }
0x2fc: {  	(xrf0) =	vadd.scan.msk.s32 $0xffff, v14;
	v58 =	vor.u32 $0x1B, v11;
	v9 =	vld.idx.msk [tilespmem:v57+s15+$0x0], vm0  }
0x2fd: {  	v59 =	vadd.s32 $0x6200, v10;
	_ =	sdelay $0x3  }
0x2fe: {  	[tilespmem:v58+s18+$0x0] =	vst.idx.msk vm0, v9  }
0x2ff: {  	v60 =	vor.u32 $0x1C, v11;
	v9, _, _ =	vpop (xrf0);
	v12 =	vld.idx.msk [tilespmem:v59+s15+$0x0], vm0  }
0x300: {  	(v2sf) =	vpush v9, $0xF;
	v9 =	vadd.s32 $0x6280, v10;
	_ =	sdelay $0x3  }
0x301: {  	[tilespmem:v60+s18+$0x0] =	vst.idx.msk vm0, v12  }
0x302: {  	v61 =	vor.u32 $0x1D, v11;
	v9 =	vld.idx.msk [tilespmem:v9+s15+$0x0], vm0  }
0x303: {  	v62 =	vadd.s32 $0x6300, v10;
	_ =	sdelay $0x3  }
0x304: {  	s29 =	sadd.s32 $0xFFFFFFFF, s29;
	[tilespmem:v61+s18+$0x0] =	vst.idx.msk vm0, v9  }
0x305: {  	p2 =	sne.s32 s29, $0x0;
	v63 =	vor.u32 $0x1E, v11;
	v12 =	vld.idx.msk [tilespmem:v62+s15+$0x0], vm0  }
.Ltmp17:
0x306: {  	v10 =	vadd.s32 $0x6380, v10;
	(pc) =	sbr.rel @!p2 .LBB2_28-.Ltmp17, $3  }
0x307: {  	_ =	sdelay $0x1  }
0x308: {  	s31 =	spop (v2sf)  }
0x309: {  	s30 =	simm.s32 $0x0;
	v9 =	vor.u32 $0x1F, v11;
	s24 =	sadd.s32 s24, s31;
	[tilespmem:v63+s18+$0x0] =	vst.idx.msk vm0, v12  }
.LBB2_27:
0x30a: {  	s29 =	sadd.s32 $0xFFFFFFFF, s29;
	v10 =	vld.idx.msk [tilespmem:v10+s15+$0x0], vm0;
	s28 =	sadd.s32 $0x10, s28;
	s30 =	sadd.s32 $0x10, s30  }
0x30b: {  	p2 =	sne.s32 s29, $0x0;
	_ =	sdelay $0x2  }
0x30c: {  	s0 =	sadd.s32 $0x10, s24  }
0x30d: {  	v7 =	vand.u32 $0x3FFF, v7;
	p3 =	slt.s32 s0, $0x81;
	p4 =	sgt.s32 s0, $0x80  }
0x30e: {  	s0 =	simm.s32 @!p3 $0x18000;
	s2 =	simm.s32 @!p3 $0x1;
	(ifvalue) =	ssetifvalue @!p3 $0xFFFFFFFF;
	[tilespmem:v9+s18+$0x0] =	vst.idx.msk vm0, v10  }
0x30f: {  	s3 =	simm.s32 @!p3 $0x80;
	s31 =	simm.s32 @!p3 $0x1C000;
	(ifvalue) =	ssetifvalue @!p3 $0xFFFFFFFF;
	[tilespmem:v8+s19+$0x0] =	vst.idx.msk vm0, v7  }
0x310: {  	[hbm4b:s5+s3] =	stream.indirect.scatter @!p3 [tilespmem:s0], [sflag:$0x1], $0x80, s31, s3, $0x40b8;
	[tilespmem:$0x1C080] =	vst v63  }
0x311: {  	s24 =	simm.s32 @p4 $0x0;
	_ =	swait.ge @!p3 [sflag:s2], $0x4000  }
0x312: {  	[sflag:s2] =	ssyncset.done @!p3 $0x0  }
0x313: {  	v7 =	vimm.s32 @!p3 $0xFFFFFFFF;
	[sflag:s2] =	ssyncadd.s32 @!p3 $0xFFFFC000  }
0x314: {  	[tilespmem:$0x1C070] =	vst @!p3 v7  }
0x315: {  	[tilespmem:$0x1C060] =	vst @!p3 v7  }
0x316: {  	[tilespmem:$0x1C050] =	vst @!p3 v7  }
0x317: {  	[tilespmem:$0x1C040] =	vst @!p3 v7  }
0x318: {  	[tilespmem:$0x1C030] =	vst @!p3 v7  }
0x319: {  	[tilespmem:$0x1C020] =	vst @!p3 v7  }
0x31a: {  	[tilespmem:$0x1C000] =	vst @!p3 v7  }
0x31b: {  	[tilespmem:$0x1C010] =	vst @!p3 v7  }
0x31c: {  	v7 =	vld [tilespmem:s28+$0x0];
	_ =	sdelay $0x4  }
0x31d: {  	v8 =	vor.u32 s30, v3;
	v9 =	vshra.s32 v7, $0xE  }
0x31e: {  	vm0 =	vlt.s32 v8, v6;
	v8 =	vand.u32 $0x7F, v9;
	v9 =	vshll.u32 v9, $0x3  }
0x31f: {  	v11 =	vsel vm0, $0x1, v4;
	v9 =	vand.u32 $0xFFFFFC00, v9  }
0x320: {  	v10 =	vor.u32 v8, v9;
	(xrf0) =	vadd.scan.msk.s32 $0xffff, v11;
	_ =	sdelay $0x3  }
0x321: {  	v8 =	vadd.s32 s24, v3  }
0x322: {  	v11 =	vshll.u32 v8, $0x7;
	v12 =	vld.idx.msk [tilespmem:v10+s15+$0x0], vm0  }
0x323: {  	v13 =	vor.u32 $0x80, v10;
	v9 =	vor.u32 $0x1F, v11;
	v14, _, _ =	vpop (xrf0)  }
0x324: {  	(v2sf) =	vpush v14, $0xF;
	_ =	sdelay $0x3  }
0x325: {  	[tilespmem:v11+s18+$0x0] =	vst.idx.msk vm0, v12  }
0x326: {  	v12 =	vld.idx.msk [tilespmem:v13+s15+$0x0], vm0;
	v13 =	vor.u32 $0x1, v11  }
0x327: {  	v14 =	vor.u32 $0x100, v10;
	_ =	sdelay $0x4  }
0x328: {  	[tilespmem:v13+s18+$0x0] =	vst.idx.msk vm0, v12  }
0x329: {  	v13 =	vor.u32 $0x2, v11;
	v12 =	vld.idx.msk [tilespmem:v14+s15+$0x0], vm0  }
0x32a: {  	v14 =	vor.u32 $0x180, v10;
	_ =	sdelay $0x1  }
0x32b: {  	s0 =	spop (v2sf)  }
0x32c: {  	s24 =	sadd.s32 s24, s0;
	_ =	sdelay $0x1  }
0x32d: {  	[tilespmem:v13+s18+$0x0] =	vst.idx.msk vm0, v12  }
0x32e: {  	v13 =	vor.u32 $0x3, v11;
	v12 =	vld.idx.msk [tilespmem:v14+s15+$0x0], vm0  }
0x32f: {  	v14 =	vor.u32 $0x200, v10;
	_ =	sdelay $0x4  }
0x330: {  	[tilespmem:v13+s18+$0x0] =	vst.idx.msk vm0, v12  }
0x331: {  	v13 =	vor.u32 $0x4, v11;
	v12 =	vld.idx.msk [tilespmem:v14+s15+$0x0], vm0  }
0x332: {  	v14 =	vor.u32 $0x280, v10;
	_ =	sdelay $0x4  }
0x333: {  	[tilespmem:v13+s18+$0x0] =	vst.idx.msk vm0, v12  }
0x334: {  	v13 =	vor.u32 $0x5, v11;
	v12 =	vld.idx.msk [tilespmem:v14+s15+$0x0], vm0  }
0x335: {  	v14 =	vor.u32 $0x300, v10;
	_ =	sdelay $0x4  }
0x336: {  	[tilespmem:v13+s18+$0x0] =	vst.idx.msk vm0, v12  }
0x337: {  	v13 =	vor.u32 $0x6, v11;
	v12 =	vld.idx.msk [tilespmem:v14+s15+$0x0], vm0  }
0x338: {  	v14 =	vor.u32 $0x380, v10;
	_ =	sdelay $0x4  }
0x339: {  	[tilespmem:v13+s18+$0x0] =	vst.idx.msk vm0, v12  }
0x33a: {  	v13 =	vor.u32 $0x7, v11;
	v12 =	vld.idx.msk [tilespmem:v14+s15+$0x0], vm0  }
0x33b: {  	v14 =	vadd.s32 $0x2000, v10;
	_ =	sdelay $0x4  }
0x33c: {  	[tilespmem:v13+s18+$0x0] =	vst.idx.msk vm0, v12  }
0x33d: {  	v13 =	vor.u32 $0x8, v11;
	v12 =	vld.idx.msk [tilespmem:v14+s15+$0x0], vm0  }
0x33e: {  	v14 =	vadd.s32 $0x2080, v10;
	_ =	sdelay $0x4  }
0x33f: {  	[tilespmem:v13+s18+$0x0] =	vst.idx.msk vm0, v12  }
0x340: {  	v13 =	vor.u32 $0x9, v11;
	v12 =	vld.idx.msk [tilespmem:v14+s15+$0x0], vm0  }
0x341: {  	v14 =	vadd.s32 $0x2100, v10;
	_ =	sdelay $0x4  }
0x342: {  	[tilespmem:v13+s18+$0x0] =	vst.idx.msk vm0, v12  }
0x343: {  	v13 =	vor.u32 $0xA, v11;
	v12 =	vld.idx.msk [tilespmem:v14+s15+$0x0], vm0  }
0x344: {  	v14 =	vadd.s32 $0x2180, v10;
	_ =	sdelay $0x4  }
0x345: {  	[tilespmem:v13+s18+$0x0] =	vst.idx.msk vm0, v12  }
0x346: {  	v13 =	vor.u32 $0xB, v11;
	v12 =	vld.idx.msk [tilespmem:v14+s15+$0x0], vm0  }
0x347: {  	v14 =	vadd.s32 $0x2200, v10;
	_ =	sdelay $0x4  }
0x348: {  	[tilespmem:v13+s18+$0x0] =	vst.idx.msk vm0, v12  }
0x349: {  	v13 =	vor.u32 $0xC, v11;
	v12 =	vld.idx.msk [tilespmem:v14+s15+$0x0], vm0  }
0x34a: {  	v14 =	vadd.s32 $0x2280, v10;
	_ =	sdelay $0x4  }
0x34b: {  	[tilespmem:v13+s18+$0x0] =	vst.idx.msk vm0, v12  }
0x34c: {  	v13 =	vor.u32 $0xD, v11;
	v12 =	vld.idx.msk [tilespmem:v14+s15+$0x0], vm0  }
0x34d: {  	v14 =	vadd.s32 $0x2300, v10;
	_ =	sdelay $0x4  }
0x34e: {  	[tilespmem:v13+s18+$0x0] =	vst.idx.msk vm0, v12  }
0x34f: {  	v13 =	vor.u32 $0xE, v11;
	v12 =	vld.idx.msk [tilespmem:v14+s15+$0x0], vm0  }
0x350: {  	v14 =	vadd.s32 $0x2380, v10;
	_ =	sdelay $0x4  }
0x351: {  	[tilespmem:v13+s18+$0x0] =	vst.idx.msk vm0, v12  }
0x352: {  	v13 =	vor.u32 $0xF, v11;
	v12 =	vld.idx.msk [tilespmem:v14+s15+$0x0], vm0  }
0x353: {  	v14 =	vadd.s32 $0x4000, v10;
	_ =	sdelay $0x4  }
0x354: {  	[tilespmem:v13+s18+$0x0] =	vst.idx.msk vm0, v12  }
0x355: {  	v13 =	vor.u32 $0x10, v11;
	v12 =	vld.idx.msk [tilespmem:v14+s15+$0x0], vm0  }
0x356: {  	v14 =	vadd.s32 $0x4080, v10;
	_ =	sdelay $0x4  }
0x357: {  	[tilespmem:v13+s18+$0x0] =	vst.idx.msk vm0, v12  }
0x358: {  	v13 =	vor.u32 $0x11, v11;
	v12 =	vld.idx.msk [tilespmem:v14+s15+$0x0], vm0  }
0x359: {  	v14 =	vadd.s32 $0x4100, v10;
	_ =	sdelay $0x4  }
0x35a: {  	[tilespmem:v13+s18+$0x0] =	vst.idx.msk vm0, v12  }
0x35b: {  	v13 =	vor.u32 $0x12, v11;
	v12 =	vld.idx.msk [tilespmem:v14+s15+$0x0], vm0  }
0x35c: {  	v14 =	vadd.s32 $0x4180, v10;
	_ =	sdelay $0x4  }
0x35d: {  	[tilespmem:v13+s18+$0x0] =	vst.idx.msk vm0, v12  }
0x35e: {  	v13 =	vor.u32 $0x13, v11;
	v12 =	vld.idx.msk [tilespmem:v14+s15+$0x0], vm0  }
0x35f: {  	v14 =	vadd.s32 $0x4200, v10;
	_ =	sdelay $0x4  }
0x360: {  	[tilespmem:v13+s18+$0x0] =	vst.idx.msk vm0, v12  }
0x361: {  	v13 =	vor.u32 $0x14, v11;
	v12 =	vld.idx.msk [tilespmem:v14+s15+$0x0], vm0  }
0x362: {  	v14 =	vadd.s32 $0x4280, v10;
	_ =	sdelay $0x4  }
0x363: {  	[tilespmem:v13+s18+$0x0] =	vst.idx.msk vm0, v12  }
0x364: {  	v13 =	vor.u32 $0x15, v11;
	v12 =	vld.idx.msk [tilespmem:v14+s15+$0x0], vm0  }
0x365: {  	v14 =	vadd.s32 $0x4300, v10;
	_ =	sdelay $0x4  }
0x366: {  	[tilespmem:v13+s18+$0x0] =	vst.idx.msk vm0, v12  }
0x367: {  	v13 =	vor.u32 $0x16, v11;
	v12 =	vld.idx.msk [tilespmem:v14+s15+$0x0], vm0  }
0x368: {  	v14 =	vadd.s32 $0x4380, v10;
	_ =	sdelay $0x4  }
0x369: {  	[tilespmem:v13+s18+$0x0] =	vst.idx.msk vm0, v12  }
0x36a: {  	v13 =	vor.u32 $0x17, v11;
	v12 =	vld.idx.msk [tilespmem:v14+s15+$0x0], vm0  }
0x36b: {  	v14 =	vadd.s32 $0x6000, v10;
	_ =	sdelay $0x4  }
0x36c: {  	[tilespmem:v13+s18+$0x0] =	vst.idx.msk vm0, v12  }
0x36d: {  	v13 =	vor.u32 $0x18, v11;
	v12 =	vld.idx.msk [tilespmem:v14+s15+$0x0], vm0  }
0x36e: {  	v14 =	vadd.s32 $0x6080, v10;
	_ =	sdelay $0x4  }
0x36f: {  	[tilespmem:v13+s18+$0x0] =	vst.idx.msk vm0, v12  }
0x370: {  	v13 =	vor.u32 $0x19, v11;
	v12 =	vld.idx.msk [tilespmem:v14+s15+$0x0], vm0  }
0x371: {  	v14 =	vadd.s32 $0x6100, v10;
	_ =	sdelay $0x4  }
0x372: {  	[tilespmem:v13+s18+$0x0] =	vst.idx.msk vm0, v12  }
0x373: {  	v13 =	vor.u32 $0x1A, v11;
	v12 =	vld.idx.msk [tilespmem:v14+s15+$0x0], vm0  }
0x374: {  	v14 =	vadd.s32 $0x6180, v10;
	_ =	sdelay $0x4  }
0x375: {  	[tilespmem:v13+s18+$0x0] =	vst.idx.msk vm0, v12  }
0x376: {  	v13 =	vor.u32 $0x1B, v11;
	v12 =	vld.idx.msk [tilespmem:v14+s15+$0x0], vm0  }
0x377: {  	v14 =	vadd.s32 $0x6200, v10;
	_ =	sdelay $0x4  }
0x378: {  	[tilespmem:v13+s18+$0x0] =	vst.idx.msk vm0, v12  }
0x379: {  	v13 =	vor.u32 $0x1C, v11;
	v12 =	vld.idx.msk [tilespmem:v14+s15+$0x0], vm0  }
0x37a: {  	v14 =	vadd.s32 $0x6280, v10;
	_ =	sdelay $0x4  }
0x37b: {  	[tilespmem:v13+s18+$0x0] =	vst.idx.msk vm0, v12  }
0x37c: {  	v13 =	vor.u32 $0x1D, v11;
	v12 =	vld.idx.msk [tilespmem:v14+s15+$0x0], vm0  }
0x37d: {  	v14 =	vadd.s32 $0x6300, v10;
	_ =	sdelay $0x4  }
0x37e: {  	[tilespmem:v13+s18+$0x0] =	vst.idx.msk vm0, v12  }
0x37f: {  	v11 =	vor.u32 $0x1E, v11;
	v12 =	vld.idx.msk [tilespmem:v14+s15+$0x0], vm0  }
0x380: {  	v10 =	vadd.s32 $0x6380, v10  }
.Ltmp18:
0x381: {  	(pc) =	sbr.rel @p2 .LBB2_27-.Ltmp18, $2  }
0x382: {  	_ =	sdelay $0x2  }
0x383: {  	[tilespmem:v11+s18+$0x0] =	vst.idx.msk vm0, v12  }
.LBB2_28:
0x384: {  	_ =	sdelay $0x4  }
0x385: {  	v6 =	vld.idx.msk [tilespmem:v10+s15+$0x0], vm0;
	_ =	sdelay $0x4  }
0x386: {  	v7 =	vand.u32 $0x3FFF, v7;
	[tilespmem:v9+s18+$0x0] =	vst.idx.msk vm0, v6  }
0x387: {  	[tilespmem:v8+s19+$0x0] =	vst.idx.msk vm0, v7  }
.LBB2_29:
.Ltmp19:
0x388: {  	(pc) =	sbr.rel @p1 .LBB2_31-.Ltmp19, $1  }
0x389: {  	_ =	sdelay $0x3  }
.Ltmp20:
0x38a: {  	(pc) =	sbr.rel .LBB2_6-.Ltmp20, $4  }
0x38b: {  	s0 =	sadd.s32 s26, s10  }
0x38c: {  	s0 =	smin.u32 s0, $0xF3E80  }
0x38d: {  	s25 =	sadd.s32 $0x1, s25;
	s0 =	sadd.s32 s1, s0  }
0x38e: {  	[tilespmem:s15], [sflag:$0x3] =	stream.strided.gather [hbm4b:s0+s12], $0x8000, s13, s12, $0x38;
	[tilespmem:$0x1C080] =	vst v63  }
.LBB2_8:
.Ltmp21:
0x38f: {  	(pc) =	sbr.rel .LBB2_12-.Ltmp21, $2  }
0x390: {  	_ =	sdelay $0x2  }
0x391: {  	s30 =	simm.s32 $0x0;
	s29 =	simm.s32 $0x0  }
.LBB2_20:
.Ltmp22:
0x392: {  	(pc) =	sbr.rel .LBB2_24-.Ltmp22, $2  }
0x393: {  	_ =	sdelay $0x2  }
0x394: {  	s30 =	simm.s32 $0x0;
	s29 =	simm.s32 $0x0  }
.LBB2_10:
.Ltmp23:
0x395: {  	(pc) =	sbr.rel .LBB2_12-.Ltmp23, $2  }
0x396: {  	_ =	sdelay $0x2  }
0x397: {  	s30 =	simm.s32 $0x0;
	s29 =	simm.s32 $0x0  }
.LBB2_22:
.Ltmp24:
0x398: {  	(pc) =	sbr.rel .LBB2_24-.Ltmp24, $2  }
0x399: {  	_ =	sdelay $0x2  }
0x39a: {  	s30 =	simm.s32 $0x0;
	s29 =	simm.s32 $0x0  }
.LBB2_32:
0x39b: {  	_ =	sfence.sel $0x180000  }
0x39c: {  	[bflag:$0x0] =	sbarrier.arrive $0xFFFF  }
0x39d: {  	_ =	strace $0x90000047  }
0x39e: {  	s0 =	stileid.u32;
	[bflag:$0x2] =	sbarrier.arrive $0xFFFF  }
0x39f: {  	p0 =	sne.s32 s0, $0x0;
	s0 =	rddreg [dreg:$0x3]  }
0x3a0: {  	s0 =	sadd.s32 @!p0 $0x100000, s0  }
0x3a1: {  	[sflag:s0] =	ssyncadd.tile.s32 @!p0 $0x1;
	_ =	shalt  }
.Lfunc_end2:
_tile_overlayer_lowered:
.L_overlay_start_2:
0x3a2: {  	(tag) =	ssettag $0x2  }
0x3a3: {  	s0 =	rddreg [dreg:$0x0];
	s2 =	stileid.u32  }
0x3a4: {  	s1 =	rddreg [dreg:$0x1];
	p0 =	sne.s32 s2, $0x0  }
0x3a5: {  	s3 =	rddreg [dreg:$0x2];
	[bflag:$0x3] =	sbarrier.arrive $0xFFFF;
	s2 =	simm.s32 @!p0 $0x1C04  }
0x3a6: {  	[timem:s3], [sflag:s2] =	dma.local @!p0 [hbm:s0], s1  }
0x3a7: {  	s0 =	simm.s32 @!p0 $0x4  }
0x3a8: {  	_ =	swait.ge @!p0 [sflag:s0], s1  }
0x3a9: {  	s1 =	ssub.s32 @!p0 $0x0, s1;
	[sflag:s0] =	ssyncset.done @!p0 $0x0  }
0x3aa: {  	[sflag:s0] =	ssyncadd.s32 @!p0 s1  }
0x3ab: {  	[bflag:$0x3] =	sbarrier.arrive $0xFFFF  }
0x3ac: {  	_ =	shalt  }

</sc_bundles>
